<compile_context>
chip_gen: v7x
topology: tpu7x:2x2x1
jax: 0.10.2.dev20260603
libtpu: 0.0.44.dev20260713+nightly
codegen_flags: <defaults>
</compile_context>

<pallas_src>
import math

import jax
import jax.numpy as jnp
from jax import lax
from jax.experimental import pallas as pl
from jax.experimental.pallas import tpu as pltpu
from jax.experimental.pallas import tpu_sc as plsc

N = 10000
E = 320000
D = 128
H = 128
NCONV = 2
LAMDA = 0.5
ALPHA = 0.1
NR = 9000
NRP = 9088
K = 128

NCORES = 2
NSUB = 16
NTILES = NCORES * NSUB
EPT = E // NTILES
CH2 = 80
CPT2 = EPT // CH2
CH4 = 40
NBUF = 5
CPT4 = EPT // CH4
RPS = N // NSUB

_vec_mesh = plsc.VectorSubcoreMesh(core_axis_name="c", subcore_axis_name="s")
_sc_params = pltpu.CompilerParams(use_tc_tiling_on_sc=False,
                                  needs_layout_passes=False)


def _dense_pre_body(x_ref, wh_ref, bh_ref, w0_ref, b0_ref, w1_ref, b1_ref,
                    av_ref, h_ref, al_ref, ar_ref, armax_ref, almax_ref):
    h = jnp.maximum(
        jnp.dot(x_ref[...], wh_ref[...], preferred_element_type=jnp.float32)
        + bh_ref[...], 0.0)
    h_ref[...] = h
    hl = jnp.dot(h, w0_ref[...], preferred_element_type=jnp.float32) + b0_ref[...]
    hr = jnp.dot(h, w1_ref[...], preferred_element_type=jnp.float32) + b1_ref[...]
    av = av_ref[...]

    def lrelu(v):
        return jnp.where(v > 0, v, 0.2 * v)

    al = jnp.sum(lrelu(hl) * av, axis=1, keepdims=True)
    ar = jnp.sum(lrelu(hr) * av, axis=1, keepdims=True)
    al_ref[...] = al
    ar_ref[...] = ar
    armax_ref[...] = jnp.reshape(jnp.max(ar), (1, 1))
    almax_ref[...] = jnp.reshape(jnp.max(al), (1, 1))


def _dense_pre(x, W_hidden, b_hidden, Wsa0, bsa0, Wsa1, bsa1, a_vec):
    return pl.pallas_call(
        _dense_pre_body,
        out_shape=(
            jax.ShapeDtypeStruct((N, H), jnp.float32),
            jax.ShapeDtypeStruct((N, 1), jnp.float32),
            jax.ShapeDtypeStruct((N, 1), jnp.float32),
            jax.ShapeDtypeStruct((1, 1), jnp.float32),
            jax.ShapeDtypeStruct((1, 1), jnp.float32),
        ),
    )(x, W_hidden, b_hidden.reshape(1, H), Wsa0, bsa0.reshape(1, H),
      Wsa1, bsa1.reshape(1, H), a_vec.reshape(1, H))


def _edge_stats_body(src_hbm, dst_hbm, ar_hbm, armax_hbm,
                     rs2_out,
                     artab, qtab, srcv, dstv, vals, armax_v, rs2_sh):
    c = lax.axis_index("c")
    s = lax.axis_index("s")
    wid = c * NSUB + s

    pltpu.sync_copy(ar_hbm, artab)
    pltpu.sync_copy(armax_hbm, armax_v)
    pltpu.sync_copy(src_hbm.at[pl.ds(wid * EPT, EPT)], srcv)
    pltpu.sync_copy(dst_hbm.at[pl.ds(wid * EPT, EPT)], dstv)

    @pl.when(s == 0)
    def _():
        @pl.loop(0, N, step=16)
        def _(i):
            qtab[pl.ds(i, 16)] = jnp.zeros((16,), jnp.float32)
        pltpu.sync_copy(qtab, rs2_sh)

    am = armax_v[...]

    @pl.loop(0, N, step=16)
    def _(i):
        qtab[pl.ds(i, 16)] = jnp.exp(artab[pl.ds(i, 16)] - am)

    plsc.subcore_barrier()

    @pl.loop(0, EPT, step=16)
    def _(j):
        vals[pl.ds(j, 16)] = plsc.load_gather(qtab, [dstv[pl.ds(j, 16)]])

    pltpu.sync_copy(vals, rs2_sh.at[srcv], add=True)

    plsc.subcore_barrier()

    @pl.when(s == 0)
    def _():
        pltpu.sync_copy(rs2_sh, rs2_out.at[c])


def _edge_stats(src, dst, ar, armax16):
    kfn = pl.kernel(
        _edge_stats_body,
        out_type=jax.ShapeDtypeStruct((NCORES, N), jnp.float32),
        mesh=_vec_mesh,
        scratch_types=[
            pltpu.VMEM((N,), jnp.float32),
            pltpu.VMEM((N,), jnp.float32),
            pltpu.VMEM((EPT,), jnp.int32),
            pltpu.VMEM((EPT,), jnp.int32),
            pltpu.VMEM((EPT,), jnp.float32),
            pltpu.VMEM((16,), jnp.float32),
            pltpu.VMEM_SHARED((N,), jnp.float32),
        ],
        compiler_params=_sc_params,
    )
    return kfn(src, dst, ar, armax16)


def _prep_body(rs2p_ref, al_ref, ar_ref, armax_ref, almax_ref, h_ref,
               q_ref, p_ref, feat_ref):
    armax = armax_ref[...]
    almax = almax_ref[...]
    rs2 = rs2p_ref[0] + rs2p_ref[1]
    t = jnp.exp(al_ref[...] - almax)
    p = t / (t * rs2 + 1e-16)
    q = jnp.exp(ar_ref[...] - armax)
    q_ref[...] = q
    p_ref[...] = p
    feat_ref[...] = p * h_ref[...]


def _prep(rs2p, al, ar, armax, almax, h):
    return pl.pallas_call(
        _prep_body,
        out_shape=(
            jax.ShapeDtypeStruct((N, 1), jnp.float32),
            jax.ShapeDtypeStruct((N, 1), jnp.float32),
            jax.ShapeDtypeStruct((N, H), jnp.float32),
        ),
    )(rs2p, al, ar, armax, almax, h)


def _spmm_body(feat_hbm, src_hbm, dst_hbm, out_hbm, sidx, didx,
               rows0, rows1, rows2, rows3, rows4, acc,
               sem0, sem1, sem2, sem3, sem4):
    c = lax.axis_index("c")
    s = lax.axis_index("s")
    wid = c * NSUB + s
    bufs = (rows0, rows1, rows2, rows3, rows4)
    sems = (sem0, sem1, sem2, sem3, sem4)

    pltpu.sync_copy(src_hbm.at[pl.ds(wid * CPT4, CPT4)], sidx)
    pltpu.sync_copy(dst_hbm.at[pl.ds(wid * CPT4, CPT4)], didx)

    @pl.loop(0, CH4)
    def _(r):
        @pl.loop(0, D, step=16)
        def _(k):
            rows0[r, pl.ds(k, 16)] = jnp.zeros((16,), jnp.float32)

    @pl.loop(0, RPS // CH4)
    def _(j):
        pltpu.sync_copy(rows0, acc.at[pl.ds(s * RPS + j * CH4, CH4)])

    pltpu.sync_copy(rows0, acc.at[pl.ds(s * RPS + RPS - CH4, CH4)])

    plsc.subcore_barrier()

    for b in range(NBUF):
        pltpu.async_copy(feat_hbm.at[sidx.at[b]], bufs[b], sems[b])

    @pl.loop(0, CPT4, step=NBUF)
    def _(ch):
        for b in range(NBUF):
            pltpu.make_async_copy(feat_hbm.at[sidx.at[ch + b]],
                                  bufs[b], sems[b]).wait()
            pltpu.sync_copy(bufs[b], acc.at[didx.at[ch + b]], add=True)

            @pl.when(ch + b + NBUF < CPT4)
            def _(b=b):
                pltpu.async_copy(feat_hbm.at[sidx.at[ch + b + NBUF]],
                                 bufs[b], sems[b])

    plsc.subcore_barrier()

    pltpu.sync_copy(acc.at[pl.ds(s * RPS, RPS)],
                    out_hbm.at[c, pl.ds(s * RPS, RPS)])


def _spmm(feat, src4, dst4):
    kfn = pl.kernel(
        _spmm_body,
        out_type=jax.ShapeDtypeStruct((NCORES, N, D), jnp.float32),
        mesh=_vec_mesh,
        scratch_types=[
            pltpu.VMEM((CPT4, CH4), jnp.int32),
            pltpu.VMEM((CPT4, CH4), jnp.int32),
            pltpu.VMEM((CH4, D), jnp.float32),
            pltpu.VMEM((CH4, D), jnp.float32),
            pltpu.VMEM((CH4, D), jnp.float32),
            pltpu.VMEM((CH4, D), jnp.float32),
            pltpu.VMEM((CH4, D), jnp.float32),
            pltpu.VMEM_SHARED((N, D), jnp.float32),
            pltpu.SemaphoreType.DMA,
            pltpu.SemaphoreType.DMA,
            pltpu.SemaphoreType.DMA,
            pltpu.SemaphoreType.DMA,
            pltpu.SemaphoreType.DMA,
        ],
        compiler_params=_sc_params,
    )
    return kfn(feat, src4, dst4)


def _make_layer_body(theta):
    def body(parts_ref, h0_ref, q_ref, p_ref, w_ref, feat_ref):
        hi = q_ref[...] * (parts_ref[0] + parts_ref[1])
        support = (1.0 - ALPHA) * hi + ALPHA * h0_ref[...]
        out = theta * jnp.dot(support, w_ref[...],
                              preferred_element_type=jnp.float32) \
            + (1.0 - theta) * support
        feat_ref[...] = p_ref[...] * jnp.maximum(out, 0.0)
    return body


def _layer_update(theta, parts, h0, q, p, W_init):
    return pl.pallas_call(
        _make_layer_body(theta),
        out_shape=jax.ShapeDtypeStruct((N, H), jnp.float32),
    )(parts, h0, q, p, W_init)


def _topk_body(scores_ref, rni_ref, sel_ref, scr):
    scr[...] = scores_ref[...]
    rows_i = lax.broadcasted_iota(jnp.int32, (NRP // 128, 128), 0)
    cols_i = lax.broadcasted_iota(jnp.int32, (NRP // 128, 128), 1)
    flat = rows_i * 128 + cols_i

    def tk_body(t, carry):
        sv = scr[...]
        m = jnp.max(sv)
        sel = jnp.min(jnp.where(sv == m, flat, jnp.int32(1 << 30)))
        sel_ref[t] = rni_ref[sel]
        scr[...] = jnp.where(flat == sel, -jnp.inf, sv)
        return carry

    lax.fori_loop(0, K, tk_body, 0)


def _topk(scores_pad, rni):
    return pl.pallas_call(
        _topk_body,
        out_shape=jax.ShapeDtypeStruct((K,), jnp.int32),
        in_specs=[
            pl.BlockSpec(memory_space=pltpu.VMEM),
            pl.BlockSpec(memory_space=pltpu.SMEM),
        ],
        out_specs=pl.BlockSpec(memory_space=pltpu.SMEM),
        scratch_shapes=[
            pltpu.VMEM((NRP // 128, 128), jnp.float32),
        ],
    )(scores_pad, rni)


def _make_pool_gru_body(theta):
    def body(parts_ref, h0_ref, q_ref, sel_ref, wi_ref, wih_ref, whh_ref,
             bih_ref, bhh_ref, out_ref, layer, xp, gi):
        hi = q_ref[...] * (parts_ref[0] + parts_ref[1])
        support = (1.0 - ALPHA) * hi + ALPHA * h0_ref[...]
        out = theta * jnp.dot(support, wi_ref[...],
                              preferred_element_type=jnp.float32) \
            + (1.0 - theta) * support
        layer[...] = jnp.maximum(out, 0.0)

        def gather_body(t, carry):
            nid = sel_ref[t]
            xp[pl.ds(t, 1), :] = layer[pl.ds(nid, 1), :]
            return carry

        lax.fori_loop(0, K, gather_body, 0)

        gi[...] = lax.dot_general(xp[...], wih_ref[...],
                                  (((1,), (1,)), ((), ())),
                                  preferred_element_type=jnp.float32) \
            + bih_ref[...]

        def gru_body(t, hv):
            gh = lax.dot_general(hv, whh_ref[...], (((1,), (1,)), ((), ())),
                                 preferred_element_type=jnp.float32) \
                + bhh_ref[...]
            git = gi[pl.ds(t, 1), :]
            r = jax.nn.sigmoid(git[:, 0:H] + gh[:, 0:H])
            z = jax.nn.sigmoid(git[:, H:2 * H] + gh[:, H:2 * H])
            n = jnp.tanh(git[:, 2 * H:3 * H] + r * gh[:, 2 * H:3 * H])
            hn = (1.0 - z) * n + z * hv
            out_ref[pl.ds(t, 1), :] = hn
            return hn

        lax.fori_loop(0, K, gru_body, jnp.zeros((1, H), jnp.float32))

    return body


def _pool_gru(theta, parts, h0, q, sel, W_init, W_ih, W_hh, b_ih, b_hh):
    return pl.pallas_call(
        _make_pool_gru_body(theta),
        out_shape=jax.ShapeDtypeStruct((K, H), jnp.float32),
        in_specs=[
            pl.BlockSpec(memory_space=pltpu.VMEM),
            pl.BlockSpec(memory_space=pltpu.VMEM),
            pl.BlockSpec(memory_space=pltpu.VMEM),
            pl.BlockSpec(memory_space=pltpu.SMEM),
            pl.BlockSpec(memory_space=pltpu.VMEM),
            pl.BlockSpec(memory_space=pltpu.VMEM),
            pl.BlockSpec(memory_space=pltpu.VMEM),
            pl.BlockSpec(memory_space=pltpu.VMEM),
            pl.BlockSpec(memory_space=pltpu.VMEM),
        ],
        scratch_shapes=[
            pltpu.VMEM((N, H), jnp.float32),
            pltpu.VMEM((K, H), jnp.float32),
            pltpu.VMEM((K, 3 * H), jnp.float32),
        ],
    )(parts, h0, q, sel, W_init, W_ih, W_hh, b_ih, b_hh)


def kernel(x, edge_index, remain_nodes_index, added_nodes_index, node_id,
           node_scores, W_hidden, b_hidden, Wsa0, bsa0, Wsa1, bsa1, a_vec,
           W_init, W_ih, W_hh, b_ih, b_hh):
    src = edge_index[0]
    dst = edge_index[1]
    src4 = src.reshape(E // CH4, CH4)
    dst4 = dst.reshape(E // CH4, CH4)

    h, al, ar, armax, almax = _dense_pre(x, W_hidden, b_hidden, Wsa0, bsa0,
                                         Wsa1, bsa1, a_vec)
    armax16 = jnp.broadcast_to(armax.reshape(1), (16,))
    rs2p = _edge_stats(src, dst, ar.reshape(N), armax16)

    scores_pad = jnp.pad(node_scores, (0, NRP - NR),
                         constant_values=-jnp.inf).reshape(NRP // 128, 128)
    sel = _topk(scores_pad, remain_nodes_index)

    q, p, feat = _prep(rs2p.reshape(NCORES, N, 1), al, ar, armax, almax, h)

    theta1 = math.log(LAMDA / 1 + 1.0)
    parts = _spmm(feat, src4, dst4)
    feat = _layer_update(theta1, parts, h, q, p, W_init)

    theta2 = math.log(LAMDA / 2 + 1.0)
    parts = _spmm(feat, src4, dst4)
    return _pool_gru(theta2, parts, h, q, sel, W_init, W_ih, W_hh,
                     b_ih.reshape(1, 3 * H), b_hh.reshape(1, 3 * H))

# --- scband reference (transcript-rebuilt; emitter-appended) ---
"""Pipeline reference for scband-dy-at-gnn-60670708023705 (READ-ONLY COPY).

The authoritative reference and input builder live on the scoring server;
editing this copy changes nothing except your own understanding.
"""

import jax, jax.numpy as jnp
import numpy as np
import math

N = 10000
E = 320000
D = 128
H = 128
NCONV = 2
LAMDA = 0.5
ALPHA = 0.1
N_REMAIN = 9000
N_ADDED = 500


def setup_inputs(seed: int = 0):
    key = jax.random.key(seed)
    ks = jax.random.split(key, 20)
    x = jax.random.normal(ks[0], (N, D), dtype=jnp.float32)
    edge_index = jax.random.randint(ks[1], (2, E), 0, N, dtype=jnp.int32)
    remain_nodes_index = jax.random.randint(ks[2], (N_REMAIN,), 0, N, dtype=jnp.int32)
    added_nodes_index = jax.random.randint(ks[3], (N_ADDED,), 0, N, dtype=jnp.int32)
    node_id = jnp.arange(N, dtype=jnp.int32)
    node_scores = jax.random.normal(ks[4], (N_REMAIN,), dtype=jnp.float32)
    s = 1.0 / math.sqrt(H)
    W_hidden = jax.random.normal(ks[5], (D, H), dtype=jnp.float32) * s
    b_hidden = jnp.zeros((H,), dtype=jnp.float32)
    Wsa0 = jax.random.normal(ks[6], (H, H), dtype=jnp.float32) * s
    bsa0 = jnp.zeros((H,), dtype=jnp.float32)
    Wsa1 = jax.random.normal(ks[7], (H, H), dtype=jnp.float32) * s
    bsa1 = jnp.zeros((H,), dtype=jnp.float32)
    a_vec = jax.random.normal(ks[8], (H,), dtype=jnp.float32) * s
    W_init = jax.random.normal(ks[9], (H, H), dtype=jnp.float32) * s
    W_ih = jax.random.normal(ks[10], (3 * H, H), dtype=jnp.float32) * s
    W_hh = jax.random.normal(ks[11], (3 * H, H), dtype=jnp.float32) * s
    b_ih = jnp.zeros((3 * H,), dtype=jnp.float32)
    b_hh = jnp.zeros((3 * H,), dtype=jnp.float32)
    return {"x": x, "edge_index": edge_index, "remain_nodes_index": remain_nodes_index,
            "added_nodes_index": added_nodes_index, "node_id": node_id, "node_scores": node_scores,
            "W_hidden": W_hidden, "b_hidden": b_hidden, "Wsa0": Wsa0, "bsa0": bsa0,
            "Wsa1": Wsa1, "bsa1": bsa1, "a_vec": a_vec, "W_init": W_init,
            "W_ih": W_ih, "W_hh": W_hh, "b_ih": b_ih, "b_hh": b_hh}


def reference(x, edge_index, remain_nodes_index, added_nodes_index, node_id, node_scores,
              W_hidden, b_hidden, Wsa0, bsa0, Wsa1, bsa1, a_vec, W_init,
              W_ih, W_hh, b_ih, b_hh):
    # hidden encoding
    h = jax.nn.relu(x @ W_hidden + b_hidden)
    # dynamic self attention v2 (adaptive=2)
    h_l = h @ Wsa0 + bsa0
    h_r = h @ Wsa1 + bsa1
    al = jnp.sum(jax.nn.leaky_relu(h_l, 0.2) * a_vec, axis=-1)
    ar = jnp.sum(jax.nn.leaky_relu(h_r, 0.2) * a_vec, axis=-1)
    src = edge_index[0]
    dst = edge_index[1]
    e = al[src] + ar[dst]
    e = jnp.exp(e - jnp.max(e))
    rowsum = jax.ops.segment_sum(e, src, num_segments=N)
    vals = e / (rowsum[src] + 1e-16)

    # A_trans = normalized attention adjacency, transposed: row=dst, col=src
    def spmm(feat):
        return jax.ops.segment_sum(vals[:, None] * feat[src], dst, num_segments=N)

    # GCNII stack
    h0 = h
    layer = h
    for l in range(1, NCONV + 1):
        theta = math.log(LAMDA / l + 1.0)
        hi = spmm(layer)
        support = (1.0 - ALPHA) * hi + ALPHA * h0
        out = theta * (support @ W_init) + (1.0 - theta) * support
        layer = jax.nn.relu(out)
    # topK pooling over remaining nodes (else branch: remain count > node_hidden)
    remain_x = layer[remain_nodes_index]
    _, topk_idx = jax.lax.top_k(node_scores, H)
    X_pooling = remain_x[topk_idx]

    # single-layer GRU over the pooled sequence (seq_len=H, batch=1)
    def gru_step(hprev, xt):
        gi = xt @ W_ih.T + b_ih
        gh = hprev @ W_hh.T + b_hh
        i_r, i_z, i_n = jnp.split(gi, 3)
        g_r, g_z, g_n = jnp.split(gh, 3)
        r = jax.nn.sigmoid(i_r + g_r)
        z = jax.nn.sigmoid(i_z + g_z)
        n = jnp.tanh(i_n + r * g_n)
        hnew = (1.0 - z) * n + z * hprev
        return hnew, hnew

    hg = jnp.zeros((H,), dtype=jnp.float32)
    _, outs = jax.lax.scan(gru_step, hg, X_pooling)
    return outs

if __name__ == "__main__":
    import jax
    _d = setup_inputs()
    print(jax.jit(kernel)(*tuple(_d.values())))

</pallas_src>

<mosaic_0001>
#map = affine_map<(d0, d1) -> (0)>
#map1 = affine_map<(d0, d1) -> (0, 0)>
module attributes {stable_mosaic.version = 14 : i64} {
  func.func @_edge_stats_body(%arg0: i32, %arg1: i32, %arg2: memref<320000xi32, #tpu.memory_space<hbm>>, %arg3: memref<320000xi32, #tpu.memory_space<hbm>>, %arg4: memref<10000xf32, #tpu.memory_space<hbm>>, %arg5: memref<16xf32, #tpu.memory_space<hbm>>, %arg6: memref<2x10000xf32, #tpu.memory_space<hbm>>, %arg7: memref<10000xf32, #tpu.memory_space<vmem>>, %arg8: memref<10000xf32, #tpu.memory_space<vmem>>, %arg9: memref<10000xi32, #tpu.memory_space<vmem>>, %arg10: memref<10000xi32, #tpu.memory_space<vmem>>, %arg11: memref<10000xf32, #tpu.memory_space<vmem>>, %arg12: memref<16xf32, #tpu.memory_space<vmem>>, %arg13: memref<10000xf32, #tpu.memory_space<vmem_shared>>) attributes {dimension_semantics = [#tpu.dimension_semantics<core_parallel>, #tpu.dimension_semantics<subcore_parallel>], iteration_bounds = array<i64: 2, 16>, scalar_prefetch = 0 : i64, scratch_operands = 7 : i64, tpu.core_type = #tpu.core_type<sc_vector_subcore>, window_params = [{transform_indices = #map}, {transform_indices = #map}, {transform_indices = #map}, {transform_indices = #map}, {transform_indices = #map1}]} {
    %mul3A = arith.constant 16 : i32
    %mul3A_0 = arith.muli %arg0, %mul3A : i32
    %add3A = arith.addi %mul3A_0, %arg1 : i32
    "tpu.region"() ({
      %run_scoped3A = tpu.sem_alloc : memref<!tpu.dma_semaphore, #tpu.memory_space<semaphore_mem>>
      tpu.enqueue_dma source(%arg4 : memref<10000xf32, #tpu.memory_space<hbm>>) target(%arg7 : memref<10000xf32, #tpu.memory_space<vmem>>) target_semaphore(%run_scoped3A : memref<!tpu.dma_semaphore, #tpu.memory_space<semaphore_mem>>)
      tpu.wait_dma2 semaphore(%run_scoped3A : memref<!tpu.dma_semaphore, #tpu.memory_space<semaphore_mem>>) src(%arg4 : memref<10000xf32, #tpu.memory_space<hbm>>) dst(%arg7 : memref<10000xf32, #tpu.memory_space<vmem>>)
      tpu.yield
    }) : () -> ()
    "tpu.region"() ({
      %run_scoped3A = tpu.sem_alloc : memref<!tpu.dma_semaphore, #tpu.memory_space<semaphore_mem>>
      tpu.enqueue_dma source(%arg5 : memref<16xf32, #tpu.memory_space<hbm>>) target(%arg12 : memref<16xf32, #tpu.memory_space<vmem>>) target_semaphore(%run_scoped3A : memref<!tpu.dma_semaphore, #tpu.memory_space<semaphore_mem>>)
      tpu.wait_dma2 semaphore(%run_scoped3A : memref<!tpu.dma_semaphore, #tpu.memory_space<semaphore_mem>>) src(%arg5 : memref<16xf32, #tpu.memory_space<hbm>>) dst(%arg12 : memref<16xf32, #tpu.memory_space<vmem>>)
      tpu.yield
    }) : () -> ()
    %mul3A_1 = arith.constant 10000 : i32
    %mul3A_2 = arith.muli %add3A, %mul3A_1 : i32
    "tpu.region"() ({
      %run_scoped3A = tpu.sem_alloc : memref<!tpu.dma_semaphore, #tpu.memory_space<semaphore_mem>>
      %dma_start3A = tpu.memref_slice %arg2[%mul3A_2] : memref<320000xi32, #tpu.memory_space<hbm>> -> memref<10000xi32, #tpu.memory_space<hbm>>
      %dma_start3A_23 = tpu.memref_slice %arg2[%mul3A_2] : memref<320000xi32, #tpu.memory_space<hbm>> -> memref<10000xi32, #tpu.memory_space<hbm>>
      tpu.enqueue_dma source(%dma_start3A_23 : memref<10000xi32, #tpu.memory_space<hbm>>) target(%arg9 : memref<10000xi32, #tpu.memory_space<vmem>>) target_semaphore(%run_scoped3A : memref<!tpu.dma_semaphore, #tpu.memory_space<semaphore_mem>>)
      %dma_wait3A = tpu.memref_slice %arg2[%mul3A_2] : memref<320000xi32, #tpu.memory_space<hbm>> -> memref<10000xi32, #tpu.memory_space<hbm>>
      %dma_wait3A_24 = tpu.memref_slice %arg2[%mul3A_2] : memref<320000xi32, #tpu.memory_space<hbm>> -> memref<10000xi32, #tpu.memory_space<hbm>>
      tpu.wait_dma2 semaphore(%run_scoped3A : memref<!tpu.dma_semaphore, #tpu.memory_space<semaphore_mem>>) src(%dma_wait3A_24 : memref<10000xi32, #tpu.memory_space<hbm>>) dst(%arg9 : memref<10000xi32, #tpu.memory_space<vmem>>)
      tpu.yield
    }) : () -> ()
    %mul3A_3 = arith.constant 10000 : i32
    %mul3A_4 = arith.muli %add3A, %mul3A_3 : i32
    "tpu.region"() ({
      %run_scoped3A = tpu.sem_alloc : memref<!tpu.dma_semaphore, #tpu.memory_space<semaphore_mem>>
      %dma_start3A = tpu.memref_slice %arg3[%mul3A_4] : memref<320000xi32, #tpu.memory_space<hbm>> -> memref<10000xi32, #tpu.memory_space<hbm>>
      %dma_start3A_23 = tpu.memref_slice %arg3[%mul3A_4] : memref<320000xi32, #tpu.memory_space<hbm>> -> memref<10000xi32, #tpu.memory_space<hbm>>
      tpu.enqueue_dma source(%dma_start3A_23 : memref<10000xi32, #tpu.memory_space<hbm>>) target(%arg10 : memref<10000xi32, #tpu.memory_space<vmem>>) target_semaphore(%run_scoped3A : memref<!tpu.dma_semaphore, #tpu.memory_space<semaphore_mem>>)
      %dma_wait3A = tpu.memref_slice %arg3[%mul3A_4] : memref<320000xi32, #tpu.memory_space<hbm>> -> memref<10000xi32, #tpu.memory_space<hbm>>
      %dma_wait3A_24 = tpu.memref_slice %arg3[%mul3A_4] : memref<320000xi32, #tpu.memory_space<hbm>> -> memref<10000xi32, #tpu.memory_space<hbm>>
      tpu.wait_dma2 semaphore(%run_scoped3A : memref<!tpu.dma_semaphore, #tpu.memory_space<semaphore_mem>>) src(%dma_wait3A_24 : memref<10000xi32, #tpu.memory_space<hbm>>) dst(%arg10 : memref<10000xi32, #tpu.memory_space<vmem>>)
      tpu.yield
    }) : () -> ()
    %eq3A = arith.constant 0 : i32
    %eq3A_5 = arith.cmpi eq, %arg1, %eq3A : i32
    %convert_element_type3A = arith.extui %eq3A_5 : i1 to i32
    %cond3A = arith.constant 0 : i32
    %cond3A_6 = arith.cmpi ne, %convert_element_type3A, %cond3A : i32
    scf.if %cond3A_6 {
      %scan3A_23 = arith.constant 0 : i32
      %scan3A_24 = arith.constant 625 : i32
      %scan3A_25 = arith.addi %scan3A_23, %scan3A_24 : i32
      %scan3A_26 = arith.constant 1 : i32
      scf.for %scan3A_28 = %scan3A_23 to %scan3A_25 step %scan3A_26  : i32 {
        %mul3A_29 = arith.constant 16 : i32
        %mul3A_30 = arith.muli %scan3A_28, %mul3A_29 : i32
        %add3A_31 = arith.constant 0 : i32
        %add3A_32 = arith.addi %add3A_31, %mul3A_30 : i32
        %broadcast_in_dim3A = arith.constant 0.000000e+00 : f32
        %broadcast_in_dim3A_33 = vector.broadcast %broadcast_in_dim3A : f32 to vector<16xf32>
        %swap3A = arith.index_cast %add3A_32 : i32 to index
        %swap3A_34 = tpu.vector_load %arg8[%swap3A] {strides = array<i32>} : memref<10000xf32, #tpu.memory_space<vmem>>, vector<16xf32>,
        tpu.vector_store %arg8[%swap3A], %broadcast_in_dim3A_33 {strides = array<i32>} : memref<10000xf32, #tpu.memory_space<vmem>>, vector<16xf32>,
      }
      %scan3A_27 = arith.constant 625 : i32
      "tpu.region"() ({
        %run_scoped3A = tpu.sem_alloc : memref<!tpu.dma_semaphore, #tpu.memory_space<semaphore_mem>>
        tpu.enqueue_dma source(%arg8 : memref<10000xf32, #tpu.memory_space<vmem>>) target(%arg13 : memref<10000xf32, #tpu.memory_space<vmem_shared>>) target_semaphore(%run_scoped3A : memref<!tpu.dma_semaphore, #tpu.memory_space<semaphore_mem>>)
        tpu.wait_dma2 semaphore(%run_scoped3A : memref<!tpu.dma_semaphore, #tpu.memory_space<semaphore_mem>>) src(%arg8 : memref<10000xf32, #tpu.memory_space<vmem>>) dst(%arg13 : memref<10000xf32, #tpu.memory_space<vmem_shared>>)
        tpu.yield
      }) : () -> ()
    } else {
    }
    %get3A = arith.constant 0 : index
    %get3A_7 = tpu.vector_load %arg12[%get3A] {strides = array<i32>} : memref<16xf32, #tpu.memory_space<vmem>>, vector<16xf32>,
    %scan3A = arith.constant 0 : i32
    %scan3A_8 = arith.constant 625 : i32
    %scan3A_9 = arith.addi %scan3A, %scan3A_8 : i32
    %scan3A_10 = arith.constant 1 : i32
    scf.for %scan3A_23 = %scan3A to %scan3A_9 step %scan3A_10  : i32 {
      %mul3A_24 = arith.constant 16 : i32
      %mul3A_25 = arith.muli %scan3A_23, %mul3A_24 : i32
      %add3A_26 = arith.constant 0 : i32
      %add3A_27 = arith.addi %add3A_26, %mul3A_25 : i32
      %get3A_28 = arith.index_cast %add3A_27 : i32 to index
      %get3A_29 = tpu.vector_load %arg7[%get3A_28] {strides = array<i32>} : memref<10000xf32, #tpu.memory_space<vmem>>, vector<16xf32>,
      %sub3A = arith.subf %get3A_29, %get3A_7 : vector<16xf32>
      %exp3A = math.exp %sub3A : vector<16xf32>
      %swap3A = arith.index_cast %add3A_27 : i32 to index
      %swap3A_30 = tpu.vector_load %arg8[%swap3A] {strides = array<i32>} : memref<10000xf32, #tpu.memory_space<vmem>>, vector<16xf32>,
      tpu.vector_store %arg8[%swap3A], %exp3A {strides = array<i32>} : memref<10000xf32, #tpu.memory_space<vmem>>, vector<16xf32>,
    }
    %scan3A_11 = arith.constant 625 : i32
    %barrier3A = arith.constant 0 : index
    tpu.barrier barrier_id(%barrier3A)
    %scan3A_12 = arith.constant 0 : i32
    %scan3A_13 = arith.constant 625 : i32
    %scan3A_14 = arith.addi %scan3A_12, %scan3A_13 : i32
    %scan3A_15 = arith.constant 1 : i32
    scf.for %scan3A_23 = %scan3A_12 to %scan3A_14 step %scan3A_15  : i32 {
      %mul3A_24 = arith.constant 16 : i32
      %mul3A_25 = arith.muli %scan3A_23, %mul3A_24 : i32
      %add3A_26 = arith.constant 0 : i32
      %add3A_27 = arith.addi %add3A_26, %mul3A_25 : i32
      %get3A_28 = arith.index_cast %add3A_27 : i32 to index
      %get3A_29 = tpu.vector_load %arg10[%get3A_28] {strides = array<i32>} : memref<10000xi32, #tpu.memory_space<vmem>>, vector<16xi32>,
      %gather3A = tpu.vector_load_idx %arg8[%get3A_29] : memref<10000xf32, #tpu.memory_space<vmem>>[vector<16xi32>], vector<16xf32>,
      %swap3A = arith.index_cast %add3A_27 : i32 to index
      %swap3A_30 = tpu.vector_load %arg11[%swap3A] {strides = array<i32>} : memref<10000xf32, #tpu.memory_space<vmem>>, vector<16xf32>,
      tpu.vector_store %arg11[%swap3A], %gather3A {strides = array<i32>} : memref<10000xf32, #tpu.memory_space<vmem>>, vector<16xf32>,
    }
    %scan3A_16 = arith.constant 625 : i32
    "tpu.region"() ({
      %run_scoped3A = tpu.sem_alloc : memref<!tpu.dma_semaphore, #tpu.memory_space<semaphore_mem>>
      %dma_start3A = arith.constant 0 : i32
      %dma_start3A_23 = tpu.memref_slice %arg13[%dma_start3A] : memref<10000xf32, #tpu.memory_space<vmem_shared>> -> memref<10000xf32, #tpu.memory_space<vmem_shared>>
      tpu.enqueue_indirect_dma source(%arg11 : memref<10000xf32, #tpu.memory_space<vmem>>) target(%dma_start3A_23 : memref<10000xf32, #tpu.memory_space<vmem_shared>>) offsets(%arg9 : memref<10000xi32, #tpu.memory_space<vmem>>) semaphore(%run_scoped3A : memref<!tpu.dma_semaphore, #tpu.memory_space<semaphore_mem>>) {add = true}
      %dma_wait3A = arith.constant 0 : i32
      %dma_wait3A_24 = tpu.memref_slice %arg13[%dma_wait3A] : memref<10000xf32, #tpu.memory_space<vmem_shared>> -> memref<10000xf32, #tpu.memory_space<vmem_shared>>
      tpu.wait_indirect_dma semaphore(%run_scoped3A : memref<!tpu.dma_semaphore, #tpu.memory_space<semaphore_mem>>) src(%arg11 : memref<10000xf32, #tpu.memory_space<vmem>>) dst(%dma_wait3A_24 : memref<10000xf32, #tpu.memory_space<vmem_shared>>)
      tpu.yield
    }) : () -> ()
    %barrier3A_17 = arith.constant 0 : index
    tpu.barrier barrier_id(%barrier3A_17)
    %eq3A_18 = arith.constant 0 : i32
    %eq3A_19 = arith.cmpi eq, %arg1, %eq3A_18 : i32
    %convert_element_type3A_20 = arith.extui %eq3A_19 : i1 to i32
    %cond3A_21 = arith.constant 0 : i32
    %cond3A_22 = arith.cmpi ne, %convert_element_type3A_20, %cond3A_21 : i32
    scf.if %cond3A_22 {
      "tpu.region"() ({
        %run_scoped3A = tpu.sem_alloc : memref<!tpu.dma_semaphore, #tpu.memory_space<semaphore_mem>>
        %dma_start3A = arith.constant 0 : i32
        %dma_start3A_23 = tpu.memref_slice %arg6[%arg0, %dma_start3A] : memref<2x10000xf32, #tpu.memory_space<hbm>> -> memref<1x10000xf32, #tpu.memory_space<hbm>>
        %dma_start3A_24 = tpu.memref_squeeze %dma_start3A_23 : memref<1x10000xf32, #tpu.memory_space<hbm>> -> memref<10000xf32, #tpu.memory_space<hbm>>
        tpu.enqueue_dma source(%arg13 : memref<10000xf32, #tpu.memory_space<vmem_shared>>) target(%dma_start3A_24 : memref<10000xf32, #tpu.memory_space<hbm>>) target_semaphore(%run_scoped3A : memref<!tpu.dma_semaphore, #tpu.memory_space<semaphore_mem>>)
        %dma_wait3A = arith.constant 0 : i32
        %dma_wait3A_25 = tpu.memref_slice %arg6[%arg0, %dma_wait3A] : memref<2x10000xf32, #tpu.memory_space<hbm>> -> memref<1x10000xf32, #tpu.memory_space<hbm>>
        %dma_wait3A_26 = tpu.memref_squeeze %dma_wait3A_25 : memref<1x10000xf32, #tpu.memory_space<hbm>> -> memref<10000xf32, #tpu.memory_space<hbm>>
        tpu.wait_dma2 semaphore(%run_scoped3A : memref<!tpu.dma_semaphore, #tpu.memory_space<semaphore_mem>>) src(%arg13 : memref<10000xf32, #tpu.memory_space<vmem_shared>>) dst(%dma_wait3A_26 : memref<10000xf32, #tpu.memory_space<hbm>>)
        tpu.yield
      }) : () -> ()
    } else {
    }
    return
  }
}

#map = affine_map<(d0, d1) -> (0, 0)>
#map1 = affine_map<(d0, d1) -> (0, 0, 0)>
module attributes {stable_mosaic.version = 14 : i64} {
  func.func @_spmm_body(%arg0: i32, %arg1: i32, %arg2: memref<10000x128xf32, #tpu.memory_space<hbm>>, %arg3: memref<8000x40xi32, #tpu.memory_space<hbm>>, %arg4: memref<8000x40xi32, #tpu.memory_space<hbm>>, %arg5: memref<2x10000x128xf32, #tpu.memory_space<hbm>>, %arg6: memref<250x40xi32, #tpu.memory_space<vmem>>, %arg7: memref<250x40xi32, #tpu.memory_space<vmem>>, %arg8: memref<40x128xf32, #tpu.memory_space<vmem>>, %arg9: memref<40x128xf32, #tpu.memory_space<vmem>>, %arg10: memref<40x128xf32, #tpu.memory_space<vmem>>, %arg11: memref<40x128xf32, #tpu.memory_space<vmem>>, %arg12: memref<40x128xf32, #tpu.memory_space<vmem>>, %arg13: memref<10000x128xf32, #tpu.memory_space<vmem_shared>>, %arg14: memref<!tpu.dma_semaphore, #tpu.memory_space<semaphore_mem>>, %arg15: memref<!tpu.dma_semaphore, #tpu.memory_space<semaphore_mem>>, %arg16: memref<!tpu.dma_semaphore, #tpu.memory_space<semaphore_mem>>, %arg17: memref<!tpu.dma_semaphore, #tpu.memory_space<semaphore_mem>>, %arg18: memref<!tpu.dma_semaphore, #tpu.memory_space<semaphore_mem>>) attributes {dimension_semantics = [#tpu.dimension_semantics<core_parallel>, #tpu.dimension_semantics<subcore_parallel>], iteration_bounds = array<i64: 2, 16>, scalar_prefetch = 0 : i64, scratch_operands = 13 : i64, tpu.core_type = #tpu.core_type<sc_vector_subcore>, window_params = [{transform_indices = #map}, {transform_indices = #map}, {transform_indices = #map}, {transform_indices = #map1}]} {
    %mul3A = arith.constant 16 : i32
    %mul3A_0 = arith.muli %arg0, %mul3A : i32
    %add3A = arith.addi %mul3A_0, %arg1 : i32
    %mul3A_1 = arith.constant 250 : i32
    %mul3A_2 = arith.muli %add3A, %mul3A_1 : i32
    "tpu.region"() ({
      %run_scoped3A = tpu.sem_alloc : memref<!tpu.dma_semaphore, #tpu.memory_space<semaphore_mem>>
      %dma_start3A_63 = arith.constant 0 : i32
      %dma_start3A_64 = tpu.memref_slice %arg3[%mul3A_2, %dma_start3A_63] : memref<8000x40xi32, #tpu.memory_space<hbm>> -> memref<250x40xi32, #tpu.memory_space<hbm>>
      %dma_start3A_65 = arith.constant 0 : i32
      %dma_start3A_66 = tpu.memref_slice %arg3[%mul3A_2, %dma_start3A_65] : memref<8000x40xi32, #tpu.memory_space<hbm>> -> memref<250x40xi32, #tpu.memory_space<hbm>>
      tpu.enqueue_dma source(%dma_start3A_66 : memref<250x40xi32, #tpu.memory_space<hbm>>) target(%arg6 : memref<250x40xi32, #tpu.memory_space<vmem>>) target_semaphore(%run_scoped3A : memref<!tpu.dma_semaphore, #tpu.memory_space<semaphore_mem>>)
      %dma_wait3A = arith.constant 0 : i32
      %dma_wait3A_67 = tpu.memref_slice %arg3[%mul3A_2, %dma_wait3A] : memref<8000x40xi32, #tpu.memory_space<hbm>> -> memref<250x40xi32, #tpu.memory_space<hbm>>
      %dma_wait3A_68 = arith.constant 0 : i32
      %dma_wait3A_69 = tpu.memref_slice %arg3[%mul3A_2, %dma_wait3A_68] : memref<8000x40xi32, #tpu.memory_space<hbm>> -> memref<250x40xi32, #tpu.memory_space<hbm>>
      tpu.wait_dma2 semaphore(%run_scoped3A : memref<!tpu.dma_semaphore, #tpu.memory_space<semaphore_mem>>) src(%dma_wait3A_69 : memref<250x40xi32, #tpu.memory_space<hbm>>) dst(%arg6 : memref<250x40xi32, #tpu.memory_space<vmem>>)
      tpu.yield
    }) : () -> ()
    %mul3A_3 = arith.constant 250 : i32
    %mul3A_4 = arith.muli %add3A, %mul3A_3 : i32
    "tpu.region"() ({
      %run_scoped3A = tpu.sem_alloc : memref<!tpu.dma_semaphore, #tpu.memory_space<semaphore_mem>>
      %dma_start3A_63 = arith.constant 0 : i32
      %dma_start3A_64 = tpu.memref_slice %arg4[%mul3A_4, %dma_start3A_63] : memref<8000x40xi32, #tpu.memory_space<hbm>> -> memref<250x40xi32, #tpu.memory_space<hbm>>
      %dma_start3A_65 = arith.constant 0 : i32
      %dma_start3A_66 = tpu.memref_slice %arg4[%mul3A_4, %dma_start3A_65] : memref<8000x40xi32, #tpu.memory_space<hbm>> -> memref<250x40xi32, #tpu.memory_space<hbm>>
      tpu.enqueue_dma source(%dma_start3A_66 : memref<250x40xi32, #tpu.memory_space<hbm>>) target(%arg7 : memref<250x40xi32, #tpu.memory_space<vmem>>) target_semaphore(%run_scoped3A : memref<!tpu.dma_semaphore, #tpu.memory_space<semaphore_mem>>)
      %dma_wait3A = arith.constant 0 : i32
      %dma_wait3A_67 = tpu.memref_slice %arg4[%mul3A_4, %dma_wait3A] : memref<8000x40xi32, #tpu.memory_space<hbm>> -> memref<250x40xi32, #tpu.memory_space<hbm>>
      %dma_wait3A_68 = arith.constant 0 : i32
      %dma_wait3A_69 = tpu.memref_slice %arg4[%mul3A_4, %dma_wait3A_68] : memref<8000x40xi32, #tpu.memory_space<hbm>> -> memref<250x40xi32, #tpu.memory_space<hbm>>
      tpu.wait_dma2 semaphore(%run_scoped3A : memref<!tpu.dma_semaphore, #tpu.memory_space<semaphore_mem>>) src(%dma_wait3A_69 : memref<250x40xi32, #tpu.memory_space<hbm>>) dst(%arg7 : memref<250x40xi32, #tpu.memory_space<vmem>>)
      tpu.yield
    }) : () -> ()
    %scan3A = arith.constant 0 : i32
    %scan3A_5 = arith.constant 40 : i32
    %scan3A_6 = arith.addi %scan3A, %scan3A_5 : i32
    %scan3A_7 = arith.constant 1 : i32
    scf.for %scan3A_63 = %scan3A to %scan3A_6 step %scan3A_7  : i32 {
      %mul3A_64 = arith.constant 1 : i32
      %mul3A_65 = arith.muli %scan3A_63, %mul3A_64 : i32
      %add3A_66 = arith.constant 0 : i32
      %add3A_67 = arith.addi %add3A_66, %mul3A_65 : i32
      %scan3A_68 = arith.constant 0 : i32
      %scan3A_69 = arith.constant 8 : i32
      %scan3A_70 = arith.addi %scan3A_68, %scan3A_69 : i32
      %scan3A_71 = arith.constant 1 : i32
      scf.for %scan3A_73 = %scan3A_68 to %scan3A_70 step %scan3A_71  : i32 {
        %mul3A_74 = arith.constant 16 : i32
        %mul3A_75 = arith.muli %scan3A_73, %mul3A_74 : i32
        %add3A_76 = arith.constant 0 : i32
        %add3A_77 = arith.addi %add3A_76, %mul3A_75 : i32
        %broadcast_in_dim3A = arith.constant 0.000000e+00 : f32
        %broadcast_in_dim3A_78 = vector.broadcast %broadcast_in_dim3A : f32 to vector<16xf32>
        %swap3A = arith.index_cast %add3A_67 : i32 to index
        %swap3A_79 = arith.index_cast %add3A_77 : i32 to index
        %swap3A_80 = tpu.vector_load %arg8[%swap3A, %swap3A_79] {strides = array<i32>} : memref<40x128xf32, #tpu.memory_space<vmem>>, vector<16xf32>,
        tpu.vector_store %arg8[%swap3A, %swap3A_79], %broadcast_in_dim3A_78 {strides = array<i32>} : memref<40x128xf32, #tpu.memory_space<vmem>>, vector<16xf32>,
      }
      %scan3A_72 = arith.constant 8 : i32
    }
    %scan3A_8 = arith.constant 40 : i32
    %scan3A_9 = arith.constant 0 : i32
    %scan3A_10 = arith.constant 15 : i32
    %scan3A_11 = arith.addi %scan3A_9, %scan3A_10 : i32
    %scan3A_12 = arith.constant 1 : i32
    scf.for %scan3A_63 = %scan3A_9 to %scan3A_11 step %scan3A_12  : i32 {
      %mul3A_64 = arith.constant 1 : i32
      %mul3A_65 = arith.muli %scan3A_63, %mul3A_64 : i32
      %add3A_66 = arith.constant 0 : i32
      %add3A_67 = arith.addi %add3A_66, %mul3A_65 : i32
      %mul3A_68 = arith.constant 625 : i32
      %mul3A_69 = arith.muli %arg1, %mul3A_68 : i32
      %mul3A_70 = arith.constant 40 : i32
      %mul3A_71 = arith.muli %add3A_67, %mul3A_70 : i32
      %add3A_72 = arith.addi %mul3A_69, %mul3A_71 : i32
      "tpu.region"() ({
        %run_scoped3A = tpu.sem_alloc : memref<!tpu.dma_semaphore, #tpu.memory_space<semaphore_mem>>
        %dma_start3A_73 = arith.constant 0 : i32
        %dma_start3A_74 = tpu.memref_slice %arg13[%add3A_72, %dma_start3A_73] : memref<10000x128xf32, #tpu.memory_space<vmem_shared>> -> memref<40x128xf32, #tpu.memory_space<vmem_shared>>
        %dma_start3A_75 = arith.constant 0 : i32
        %dma_start3A_76 = tpu.memref_slice %arg13[%add3A_72, %dma_start3A_75] : memref<10000x128xf32, #tpu.memory_space<vmem_shared>> -> memref<40x128xf32, #tpu.memory_space<vmem_shared>>
        tpu.enqueue_dma source(%arg8 : memref<40x128xf32, #tpu.memory_space<vmem>>) target(%dma_start3A_76 : memref<40x128xf32, #tpu.memory_space<vmem_shared>>) target_semaphore(%run_scoped3A : memref<!tpu.dma_semaphore, #tpu.memory_space<semaphore_mem>>)
        %dma_wait3A = arith.constant 0 : i32
        %dma_wait3A_77 = tpu.memref_slice %arg13[%add3A_72, %dma_wait3A] : memref<10000x128xf32, #tpu.memory_space<vmem_shared>> -> memref<40x128xf32, #tpu.memory_space<vmem_shared>>
        %dma_wait3A_78 = arith.constant 0 : i32
        %dma_wait3A_79 = tpu.memref_slice %arg13[%add3A_72, %dma_wait3A_78] : memref<10000x128xf32, #tpu.memory_space<vmem_shared>> -> memref<40x128xf32, #tpu.memory_space<vmem_shared>>
        tpu.wait_dma2 semaphore(%run_scoped3A : memref<!tpu.dma_semaphore, #tpu.memory_space<semaphore_mem>>) src(%arg8 : memref<40x128xf32, #tpu.memory_space<vmem>>) dst(%dma_wait3A_79 : memref<40x128xf32, #tpu.memory_space<vmem_shared>>)
        tpu.yield
      }) : () -> ()
    }
    %scan3A_13 = arith.constant 15 : i32
    %mul3A_14 = arith.constant 625 : i32
    %mul3A_15 = arith.muli %arg1, %mul3A_14 : i32
    %add3A_16 = arith.constant 625 : i32
    %add3A_17 = arith.addi %mul3A_15, %add3A_16 : i32
    %sub3A = arith.constant 40 : i32
    %sub3A_18 = arith.subi %add3A_17, %sub3A : i32
    "tpu.region"() ({
      %run_scoped3A = tpu.sem_alloc : memref<!tpu.dma_semaphore, #tpu.memory_space<semaphore_mem>>
      %dma_start3A_63 = arith.constant 0 : i32
      %dma_start3A_64 = tpu.memref_slice %arg13[%sub3A_18, %dma_start3A_63] : memref<10000x128xf32, #tpu.memory_space<vmem_shared>> -> memref<40x128xf32, #tpu.memory_space<vmem_shared>>
      %dma_start3A_65 = arith.constant 0 : i32
      %dma_start3A_66 = tpu.memref_slice %arg13[%sub3A_18, %dma_start3A_65] : memref<10000x128xf32, #tpu.memory_space<vmem_shared>> -> memref<40x128xf32, #tpu.memory_space<vmem_shared>>
      tpu.enqueue_dma source(%arg8 : memref<40x128xf32, #tpu.memory_space<vmem>>) target(%dma_start3A_66 : memref<40x128xf32, #tpu.memory_space<vmem_shared>>) target_semaphore(%run_scoped3A : memref<!tpu.dma_semaphore, #tpu.memory_space<semaphore_mem>>)
      %dma_wait3A = arith.constant 0 : i32
      %dma_wait3A_67 = tpu.memref_slice %arg13[%sub3A_18, %dma_wait3A] : memref<10000x128xf32, #tpu.memory_space<vmem_shared>> -> memref<40x128xf32, #tpu.memory_space<vmem_shared>>
      %dma_wait3A_68 = arith.constant 0 : i32
      %dma_wait3A_69 = tpu.memref_slice %arg13[%sub3A_18, %dma_wait3A_68] : memref<10000x128xf32, #tpu.memory_space<vmem_shared>> -> memref<40x128xf32, #tpu.memory_space<vmem_shared>>
      tpu.wait_dma2 semaphore(%run_scoped3A : memref<!tpu.dma_semaphore, #tpu.memory_space<semaphore_mem>>) src(%arg8 : memref<40x128xf32, #tpu.memory_space<vmem>>) dst(%dma_wait3A_69 : memref<40x128xf32, #tpu.memory_space<vmem_shared>>)
      tpu.yield
    }) : () -> ()
    %barrier3A = arith.constant 0 : index
    tpu.barrier barrier_id(%barrier3A)
    %dma_start3A = arith.constant 0 : i32
    %dma_start3A_19 = arith.constant 0 : i32
    %dma_start3A_20 = tpu.memref_slice %arg6[%dma_start3A, %dma_start3A_19] : memref<250x40xi32, #tpu.memory_space<vmem>> -> memref<1x40xi32, #tpu.memory_space<vmem>>
    %dma_start3A_21 = tpu.memref_squeeze %dma_start3A_20 : memref<1x40xi32, #tpu.memory_space<vmem>> -> memref<40xi32, #tpu.memory_space<vmem>>
    %dma_start3A_22 = arith.constant 0 : i32
    %dma_start3A_23 = arith.constant 0 : i32
    %dma_start3A_24 = tpu.memref_slice %arg2[%dma_start3A_22, %dma_start3A_23] : memref<10000x128xf32, #tpu.memory_space<hbm>> -> memref<10000x128xf32, #tpu.memory_space<hbm>>
    tpu.enqueue_indirect_dma source(%dma_start3A_24 : memref<10000x128xf32, #tpu.memory_space<hbm>>) target(%arg8 : memref<40x128xf32, #tpu.memory_space<vmem>>) offsets(%dma_start3A_21 : memref<40xi32, #tpu.memory_space<vmem>>) semaphore(%arg14 : memref<!tpu.dma_semaphore, #tpu.memory_space<semaphore_mem>>)
    %dma_start3A_25 = arith.constant 1 : i32
    %dma_start3A_26 = arith.constant 0 : i32
    %dma_start3A_27 = tpu.memref_slice %arg6[%dma_start3A_25, %dma_start3A_26] : memref<250x40xi32, #tpu.memory_space<vmem>> -> memref<1x40xi32, #tpu.memory_space<vmem>>
    %dma_start3A_28 = tpu.memref_squeeze %dma_start3A_27 : memref<1x40xi32, #tpu.memory_space<vmem>> -> memref<40xi32, #tpu.memory_space<vmem>>
    %dma_start3A_29 = arith.constant 0 : i32
    %dma_start3A_30 = arith.constant 0 : i32
    %dma_start3A_31 = tpu.memref_slice %arg2[%dma_start3A_29, %dma_start3A_30] : memref<10000x128xf32, #tpu.memory_space<hbm>> -> memref<10000x128xf32, #tpu.memory_space<hbm>>
    tpu.enqueue_indirect_dma source(%dma_start3A_31 : memref<10000x128xf32, #tpu.memory_space<hbm>>) target(%arg9 : memref<40x128xf32, #tpu.memory_space<vmem>>) offsets(%dma_start3A_28 : memref<40xi32, #tpu.memory_space<vmem>>) semaphore(%arg15 : memref<!tpu.dma_semaphore, #tpu.memory_space<semaphore_mem>>)
    %dma_start3A_32 = arith.constant 2 : i32
    %dma_start3A_33 = arith.constant 0 : i32
    %dma_start3A_34 = tpu.memref_slice %arg6[%dma_start3A_32, %dma_start3A_33] : memref<250x40xi32, #tpu.memory_space<vmem>> -> memref<1x40xi32, #tpu.memory_space<vmem>>
    %dma_start3A_35 = tpu.memref_squeeze %dma_start3A_34 : memref<1x40xi32, #tpu.memory_space<vmem>> -> memref<40xi32, #tpu.memory_space<vmem>>
    %dma_start3A_36 = arith.constant 0 : i32
    %dma_start3A_37 = arith.constant 0 : i32
    %dma_start3A_38 = tpu.memref_slice %arg2[%dma_start3A_36, %dma_start3A_37] : memref<10000x128xf32, #tpu.memory_space<hbm>> -> memref<10000x128xf32, #tpu.memory_space<hbm>>
    tpu.enqueue_indirect_dma source(%dma_start3A_38 : memref<10000x128xf32, #tpu.memory_space<hbm>>) target(%arg10 : memref<40x128xf32, #tpu.memory_space<vmem>>) offsets(%dma_start3A_35 : memref<40xi32, #tpu.memory_space<vmem>>) semaphore(%arg16 : memref<!tpu.dma_semaphore, #tpu.memory_space<semaphore_mem>>)
    %dma_start3A_39 = arith.constant 3 : i32
    %dma_start3A_40 = arith.constant 0 : i32
    %dma_start3A_41 = tpu.memref_slice %arg6[%dma_start3A_39, %dma_start3A_40] : memref<250x40xi32, #tpu.memory_space<vmem>> -> memref<1x40xi32, #tpu.memory_space<vmem>>
    %dma_start3A_42 = tpu.memref_squeeze %dma_start3A_41 : memref<1x40xi32, #tpu.memory_space<vmem>> -> memref<40xi32, #tpu.memory_space<vmem>>
    %dma_start3A_43 = arith.constant 0 : i32
    %dma_start3A_44 = arith.constant 0 : i32
    %dma_start3A_45 = tpu.memref_slice %arg2[%dma_start3A_43, %dma_start3A_44] : memref<10000x128xf32, #tpu.memory_space<hbm>> -> memref<10000x128xf32, #tpu.memory_space<hbm>>
    tpu.enqueue_indirect_dma source(%dma_start3A_45 : memref<10000x128xf32, #tpu.memory_space<hbm>>) target(%arg11 : memref<40x128xf32, #tpu.memory_space<vmem>>) offsets(%dma_start3A_42 : memref<40xi32, #tpu.memory_space<vmem>>) semaphore(%arg17 : memref<!tpu.dma_semaphore, #tpu.memory_space<semaphore_mem>>)
    %dma_start3A_46 = arith.constant 4 : i32
    %dma_start3A_47 = arith.constant 0 : i32
    %dma_start3A_48 = tpu.memref_slice %arg6[%dma_start3A_46, %dma_start3A_47] : memref<250x40xi32, #tpu.memory_space<vmem>> -> memref<1x40xi32, #tpu.memory_space<vmem>>
    %dma_start3A_49 = tpu.memref_squeeze %dma_start3A_48 : memref<1x40xi32, #tpu.memory_space<vmem>> -> memref<40xi32, #tpu.memory_space<vmem>>
    %dma_start3A_50 = arith.constant 0 : i32
    %dma_start3A_51 = arith.constant 0 : i32
    %dma_start3A_52 = tpu.memref_slice %arg2[%dma_start3A_50, %dma_start3A_51] : memref<10000x128xf32, #tpu.memory_space<hbm>> -> memref<10000x128xf32, #tpu.memory_space<hbm>>
    tpu.enqueue_indirect_dma source(%dma_start3A_52 : memref<10000x128xf32, #tpu.memory_space<hbm>>) target(%arg12 : memref<40x128xf32, #tpu.memory_space<vmem>>) offsets(%dma_start3A_49 : memref<40xi32, #tpu.memory_space<vmem>>) semaphore(%arg18 : memref<!tpu.dma_semaphore, #tpu.memory_space<semaphore_mem>>)
    %scan3A_53 = arith.constant 0 : i32
    %scan3A_54 = arith.constant 50 : i32
    %scan3A_55 = arith.addi %scan3A_53, %scan3A_54 : i32
    %scan3A_56 = arith.constant 1 : i32
    scf.for %scan3A_63 = %scan3A_53 to %scan3A_55 step %scan3A_56  : i32 {
      %mul3A_64 = arith.constant 5 : i32
      %mul3A_65 = arith.muli %scan3A_63, %mul3A_64 : i32
      %add3A_66 = arith.constant 0 : i32
      %add3A_67 = arith.addi %add3A_66, %mul3A_65 : i32
      %add3A_68 = arith.constant 0 : i32
      %add3A_69 = arith.addi %add3A_67, %add3A_68 : i32
      %dma_wait3A = arith.constant 0 : i32
      %dma_wait3A_70 = tpu.memref_slice %arg6[%add3A_69, %dma_wait3A] : memref<250x40xi32, #tpu.memory_space<vmem>> -> memref<1x40xi32, #tpu.memory_space<vmem>>
      %dma_wait3A_71 = tpu.memref_squeeze %dma_wait3A_70 : memref<1x40xi32, #tpu.memory_space<vmem>> -> memref<40xi32, #tpu.memory_space<vmem>>
      %dma_wait3A_72 = arith.constant 0 : i32
      %dma_wait3A_73 = arith.constant 0 : i32
      %dma_wait3A_74 = tpu.memref_slice %arg2[%dma_wait3A_72, %dma_wait3A_73] : memref<10000x128xf32, #tpu.memory_space<hbm>> -> memref<10000x128xf32, #tpu.memory_space<hbm>>
      tpu.wait_indirect_dma semaphore(%arg14 : memref<!tpu.dma_semaphore, #tpu.memory_space<semaphore_mem>>) src(%dma_wait3A_74 : memref<10000x128xf32, #tpu.memory_space<hbm>>) dst(%arg8 : memref<40x128xf32, #tpu.memory_space<vmem>>)
      %add3A_75 = arith.constant 0 : i32
      %add3A_76 = arith.addi %add3A_67, %add3A_75 : i32
      "tpu.region"() ({
        %run_scoped3A = tpu.sem_alloc : memref<!tpu.dma_semaphore, #tpu.memory_space<semaphore_mem>>
        %dma_start3A_159 = arith.constant 0 : i32
        %dma_start3A_160 = tpu.memref_slice %arg7[%add3A_76, %dma_start3A_159] : memref<250x40xi32, #tpu.memory_space<vmem>> -> memref<1x40xi32, #tpu.memory_space<vmem>>
        %dma_start3A_161 = tpu.memref_squeeze %dma_start3A_160 : memref<1x40xi32, #tpu.memory_space<vmem>> -> memref<40xi32, #tpu.memory_space<vmem>>
        %dma_start3A_162 = arith.constant 0 : i32
        %dma_start3A_163 = arith.constant 0 : i32
        %dma_start3A_164 = tpu.memref_slice %arg13[%dma_start3A_162, %dma_start3A_163] : memref<10000x128xf32, #tpu.memory_space<vmem_shared>> -> memref<10000x128xf32, #tpu.memory_space<vmem_shared>>
        tpu.enqueue_indirect_dma source(%arg8 : memref<40x128xf32, #tpu.memory_space<vmem>>) target(%dma_start3A_164 : memref<10000x128xf32, #tpu.memory_space<vmem_shared>>) offsets(%dma_start3A_161 : memref<40xi32, #tpu.memory_space<vmem>>) semaphore(%run_scoped3A : memref<!tpu.dma_semaphore, #tpu.memory_space<semaphore_mem>>) {add = true}
        %dma_wait3A_165 = arith.constant 0 : i32
        %dma_wait3A_166 = tpu.memref_slice %arg7[%add3A_76, %dma_wait3A_165] : memref<250x40xi32, #tpu.memory_space<vmem>> -> memref<1x40xi32, #tpu.memory_space<vmem>>
        %dma_wait3A_167 = tpu.memref_squeeze %dma_wait3A_166 : memref<1x40xi32, #tpu.memory_space<vmem>> -> memref<40xi32, #tpu.memory_space<vmem>>
        %dma_wait3A_168 = arith.constant 0 : i32
        %dma_wait3A_169 = arith.constant 0 : i32
        %dma_wait3A_170 = tpu.memref_slice %arg13[%dma_wait3A_168, %dma_wait3A_169] : memref<10000x128xf32, #tpu.memory_space<vmem_shared>> -> memref<10000x128xf32, #tpu.memory_space<vmem_shared>>
        tpu.wait_indirect_dma semaphore(%run_scoped3A : memref<!tpu.dma_semaphore, #tpu.memory_space<semaphore_mem>>) src(%arg8 : memref<40x128xf32, #tpu.memory_space<vmem>>) dst(%dma_wait3A_170 : memref<10000x128xf32, #tpu.memory_space<vmem_shared>>)
        tpu.yield
      }) : () -> ()
      %add3A_77 = arith.constant 0 : i32
      %add3A_78 = arith.addi %add3A_67, %add3A_77 : i32
      %add3A_79 = arith.constant 5 : i32
      %add3A_80 = arith.addi %add3A_78, %add3A_79 : i32
      %lt3A = arith.constant 250 : i32
      %lt3A_81 = arith.cmpi slt, %add3A_80, %lt3A : i32
      %convert_element_type3A = arith.extui %lt3A_81 : i1 to i32
      %cond3A = arith.constant 0 : i32
      %cond3A_82 = arith.cmpi ne, %convert_element_type3A, %cond3A : i32
      scf.if %cond3A_82 {
        %add3A_159 = arith.constant 0 : i32
        %add3A_160 = arith.addi %add3A_67, %add3A_159 : i32
        %add3A_161 = arith.constant 5 : i32
        %add3A_162 = arith.addi %add3A_160, %add3A_161 : i32
        %dma_start3A_163 = arith.constant 0 : i32
        %dma_start3A_164 = tpu.memref_slice %arg6[%add3A_162, %dma_start3A_163] : memref<250x40xi32, #tpu.memory_space<vmem>> -> memref<1x40xi32, #tpu.memory_space<vmem>>
        %dma_start3A_165 = tpu.memref_squeeze %dma_start3A_164 : memref<1x40xi32, #tpu.memory_space<vmem>> -> memref<40xi32, #tpu.memory_space<vmem>>
        %dma_start3A_166 = arith.constant 0 : i32
        %dma_start3A_167 = arith.constant 0 : i32
        %dma_start3A_168 = tpu.memref_slice %arg2[%dma_start3A_166, %dma_start3A_167] : memref<10000x128xf32, #tpu.memory_space<hbm>> -> memref<10000x128xf32, #tpu.memory_space<hbm>>
        tpu.enqueue_indirect_dma source(%dma_start3A_168 : memref<10000x128xf32, #tpu.memory_space<hbm>>) target(%arg8 : memref<40x128xf32, #tpu.memory_space<vmem>>) offsets(%dma_start3A_165 : memref<40xi32, #tpu.memory_space<vmem>>) semaphore(%arg14 : memref<!tpu.dma_semaphore, #tpu.memory_space<semaphore_mem>>)
      } else {
      }
      %add3A_83 = arith.constant 1 : i32
      %add3A_84 = arith.addi %add3A_67, %add3A_83 : i32
      %dma_wait3A_85 = arith.constant 0 : i32
      %dma_wait3A_86 = tpu.memref_slice %arg6[%add3A_84, %dma_wait3A_85] : memref<250x40xi32, #tpu.memory_space<vmem>> -> memref<1x40xi32, #tpu.memory_space<vmem>>
      %dma_wait3A_87 = tpu.memref_squeeze %dma_wait3A_86 : memref<1x40xi32, #tpu.memory_space<vmem>> -> memref<40xi32, #tpu.memory_space<vmem>>
      %dma_wait3A_88 = arith.constant 0 : i32
      %dma_wait3A_89 = arith.constant 0 : i32
      %dma_wait3A_90 = tpu.memref_slice %arg2[%dma_wait3A_88, %dma_wait3A_89] : memref<10000x128xf32, #tpu.memory_space<hbm>> -> memref<10000x128xf32, #tpu.memory_space<hbm>>
      tpu.wait_indirect_dma semaphore(%arg15 : memref<!tpu.dma_semaphore, #tpu.memory_space<semaphore_mem>>) src(%dma_wait3A_90 : memref<10000x128xf32, #tpu.memory_space<hbm>>) dst(%arg9 : memref<40x128xf32, #tpu.memory_space<vmem>>)
      %add3A_91 = arith.constant 1 : i32
      %add3A_92 = arith.addi %add3A_67, %add3A_91 : i32
      "tpu.region"() ({
        %run_scoped3A = tpu.sem_alloc : memref<!tpu.dma_semaphore, #tpu.memory_space<semaphore_mem>>
        %dma_start3A_159 = arith.constant 0 : i32
        %dma_start3A_160 = tpu.memref_slice %arg7[%add3A_92, %dma_start3A_159] : memref<250x40xi32, #tpu.memory_space<vmem>> -> memref<1x40xi32, #tpu.memory_space<vmem>>
        %dma_start3A_161 = tpu.memref_squeeze %dma_start3A_160 : memref<1x40xi32, #tpu.memory_space<vmem>> -> memref<40xi32, #tpu.memory_space<vmem>>
        %dma_start3A_162 = arith.constant 0 : i32
        %dma_start3A_163 = arith.constant 0 : i32
        %dma_start3A_164 = tpu.memref_slice %arg13[%dma_start3A_162, %dma_start3A_163] : memref<10000x128xf32, #tpu.memory_space<vmem_shared>> -> memref<10000x128xf32, #tpu.memory_space<vmem_shared>>
        tpu.enqueue_indirect_dma source(%arg9 : memref<40x128xf32, #tpu.memory_space<vmem>>) target(%dma_start3A_164 : memref<10000x128xf32, #tpu.memory_space<vmem_shared>>) offsets(%dma_start3A_161 : memref<40xi32, #tpu.memory_space<vmem>>) semaphore(%run_scoped3A : memref<!tpu.dma_semaphore, #tpu.memory_space<semaphore_mem>>) {add = true}
        %dma_wait3A_165 = arith.constant 0 : i32
        %dma_wait3A_166 = tpu.memref_slice %arg7[%add3A_92, %dma_wait3A_165] : memref<250x40xi32, #tpu.memory_space<vmem>> -> memref<1x40xi32, #tpu.memory_space<vmem>>
        %dma_wait3A_167 = tpu.memref_squeeze %dma_wait3A_166 : memref<1x40xi32, #tpu.memory_space<vmem>> -> memref<40xi32, #tpu.memory_space<vmem>>
        %dma_wait3A_168 = arith.constant 0 : i32
        %dma_wait3A_169 = arith.constant 0 : i32
        %dma_wait3A_170 = tpu.memref_slice %arg13[%dma_wait3A_168, %dma_wait3A_169] : memref<10000x128xf32, #tpu.memory_space<vmem_shared>> -> memref<10000x128xf32, #tpu.memory_space<vmem_shared>>
        tpu.wait_indirect_dma semaphore(%run_scoped3A : memref<!tpu.dma_semaphore, #tpu.memory_space<semaphore_mem>>) src(%arg9 : memref<40x128xf32, #tpu.memory_space<vmem>>) dst(%dma_wait3A_170 : memref<10000x128xf32, #tpu.memory_space<vmem_shared>>)
        tpu.yield
      }) : () -> ()
      %add3A_93 = arith.constant 1 : i32
      %add3A_94 = arith.addi %add3A_67, %add3A_93 : i32
      %add3A_95 = arith.constant 5 : i32
      %add3A_96 = arith.addi %add3A_94, %add3A_95 : i32
      %lt3A_97 = arith.constant 250 : i32
      %lt3A_98 = arith.cmpi slt, %add3A_96, %lt3A_97 : i32
      %convert_element_type3A_99 = arith.extui %lt3A_98 : i1 to i32
      %cond3A_100 = arith.constant 0 : i32
      %cond3A_101 = arith.cmpi ne, %convert_element_type3A_99, %cond3A_100 : i32
      scf.if %cond3A_101 {
        %add3A_159 = arith.constant 1 : i32
        %add3A_160 = arith.addi %add3A_67, %add3A_159 : i32
        %add3A_161 = arith.constant 5 : i32
        %add3A_162 = arith.addi %add3A_160, %add3A_161 : i32
        %dma_start3A_163 = arith.constant 0 : i32
        %dma_start3A_164 = tpu.memref_slice %arg6[%add3A_162, %dma_start3A_163] : memref<250x40xi32, #tpu.memory_space<vmem>> -> memref<1x40xi32, #tpu.memory_space<vmem>>
        %dma_start3A_165 = tpu.memref_squeeze %dma_start3A_164 : memref<1x40xi32, #tpu.memory_space<vmem>> -> memref<40xi32, #tpu.memory_space<vmem>>
        %dma_start3A_166 = arith.constant 0 : i32
        %dma_start3A_167 = arith.constant 0 : i32
        %dma_start3A_168 = tpu.memref_slice %arg2[%dma_start3A_166, %dma_start3A_167] : memref<10000x128xf32, #tpu.memory_space<hbm>> -> memref<10000x128xf32, #tpu.memory_space<hbm>>
        tpu.enqueue_indirect_dma source(%dma_start3A_168 : memref<10000x128xf32, #tpu.memory_space<hbm>>) target(%arg9 : memref<40x128xf32, #tpu.memory_space<vmem>>) offsets(%dma_start3A_165 : memref<40xi32, #tpu.memory_space<vmem>>) semaphore(%arg15 : memref<!tpu.dma_semaphore, #tpu.memory_space<semaphore_mem>>)
      } else {
      }
      %add3A_102 = arith.constant 2 : i32
      %add3A_103 = arith.addi %add3A_67, %add3A_102 : i32
      %dma_wait3A_104 = arith.constant 0 : i32
      %dma_wait3A_105 = tpu.memref_slice %arg6[%add3A_103, %dma_wait3A_104] : memref<250x40xi32, #tpu.memory_space<vmem>> -> memref<1x40xi32, #tpu.memory_space<vmem>>
      %dma_wait3A_106 = tpu.memref_squeeze %dma_wait3A_105 : memref<1x40xi32, #tpu.memory_space<vmem>> -> memref<40xi32, #tpu.memory_space<vmem>>
      %dma_wait3A_107 = arith.constant 0 : i32
      %dma_wait3A_108 = arith.constant 0 : i32
      %dma_wait3A_109 = tpu.memref_slice %arg2[%dma_wait3A_107, %dma_wait3A_108] : memref<10000x128xf32, #tpu.memory_space<hbm>> -> memref<10000x128xf32, #tpu.memory_space<hbm>>
      tpu.wait_indirect_dma semaphore(%arg16 : memref<!tpu.dma_semaphore, #tpu.memory_space<semaphore_mem>>) src(%dma_wait3A_109 : memref<10000x128xf32, #tpu.memory_space<hbm>>) dst(%arg10 : memref<40x128xf32, #tpu.memory_space<vmem>>)
      %add3A_110 = arith.constant 2 : i32
      %add3A_111 = arith.addi %add3A_67, %add3A_110 : i32
      "tpu.region"() ({
        %run_scoped3A = tpu.sem_alloc : memref<!tpu.dma_semaphore, #tpu.memory_space<semaphore_mem>>
        %dma_start3A_159 = arith.constant 0 : i32
        %dma_start3A_160 = tpu.memref_slice %arg7[%add3A_111, %dma_start3A_159] : memref<250x40xi32, #tpu.memory_space<vmem>> -> memref<1x40xi32, #tpu.memory_space<vmem>>
        %dma_start3A_161 = tpu.memref_squeeze %dma_start3A_160 : memref<1x40xi32, #tpu.memory_space<vmem>> -> memref<40xi32, #tpu.memory_space<vmem>>
        %dma_start3A_162 = arith.constant 0 : i32
        %dma_start3A_163 = arith.constant 0 : i32
        %dma_start3A_164 = tpu.memref_slice %arg13[%dma_start3A_162, %dma_start3A_163] : memref<10000x128xf32, #tpu.memory_space<vmem_shared>> -> memref<10000x128xf32, #tpu.memory_space<vmem_shared>>
        tpu.enqueue_indirect_dma source(%arg10 : memref<40x128xf32, #tpu.memory_space<vmem>>) target(%dma_start3A_164 : memref<10000x128xf32, #tpu.memory_space<vmem_shared>>) offsets(%dma_start3A_161 : memref<40xi32, #tpu.memory_space<vmem>>) semaphore(%run_scoped3A : memref<!tpu.dma_semaphore, #tpu.memory_space<semaphore_mem>>) {add = true}
        %dma_wait3A_165 = arith.constant 0 : i32
        %dma_wait3A_166 = tpu.memref_slice %arg7[%add3A_111, %dma_wait3A_165] : memref<250x40xi32, #tpu.memory_space<vmem>> -> memref<1x40xi32, #tpu.memory_space<vmem>>
        %dma_wait3A_167 = tpu.memref_squeeze %dma_wait3A_166 : memref<1x40xi32, #tpu.memory_space<vmem>> -> memref<40xi32, #tpu.memory_space<vmem>>
        %dma_wait3A_168 = arith.constant 0 : i32
        %dma_wait3A_169 = arith.constant 0 : i32
        %dma_wait3A_170 = tpu.memref_slice %arg13[%dma_wait3A_168, %dma_wait3A_169] : memref<10000x128xf32, #tpu.memory_space<vmem_shared>> -> memref<10000x128xf32, #tpu.memory_space<vmem_shared>>
        tpu.wait_indirect_dma semaphore(%run_scoped3A : memref<!tpu.dma_semaphore, #tpu.memory_space<semaphore_mem>>) src(%arg10 : memref<40x128xf32, #tpu.memory_space<vmem>>) dst(%dma_wait3A_170 : memref<10000x128xf32, #tpu.memory_space<vmem_shared>>)
        tpu.yield
      }) : () -> ()
      %add3A_112 = arith.constant 2 : i32
      %add3A_113 = arith.addi %add3A_67, %add3A_112 : i32
      %add3A_114 = arith.constant 5 : i32
      %add3A_115 = arith.addi %add3A_113, %add3A_114 : i32
      %lt3A_116 = arith.constant 250 : i32
      %lt3A_117 = arith.cmpi slt, %add3A_115, %lt3A_116 : i32
      %convert_element_type3A_118 = arith.extui %lt3A_117 : i1 to i32
      %cond3A_119 = arith.constant 0 : i32
      %cond3A_120 = arith.cmpi ne, %convert_element_type3A_118, %cond3A_119 : i32
      scf.if %cond3A_120 {
        %add3A_159 = arith.constant 2 : i32
        %add3A_160 = arith.addi %add3A_67, %add3A_159 : i32
        %add3A_161 = arith.constant 5 : i32
        %add3A_162 = arith.addi %add3A_160, %add3A_161 : i32
        %dma_start3A_163 = arith.constant 0 : i32
        %dma_start3A_164 = tpu.memref_slice %arg6[%add3A_162, %dma_start3A_163] : memref<250x40xi32, #tpu.memory_space<vmem>> -> memref<1x40xi32, #tpu.memory_space<vmem>>
        %dma_start3A_165 = tpu.memref_squeeze %dma_start3A_164 : memref<1x40xi32, #tpu.memory_space<vmem>> -> memref<40xi32, #tpu.memory_space<vmem>>
        %dma_start3A_166 = arith.constant 0 : i32
        %dma_start3A_167 = arith.constant 0 : i32
        %dma_start3A_168 = tpu.memref_slice %arg2[%dma_start3A_166, %dma_start3A_167] : memref<10000x128xf32, #tpu.memory_space<hbm>> -> memref<10000x128xf32, #tpu.memory_space<hbm>>
        tpu.enqueue_indirect_dma source(%dma_start3A_168 : memref<10000x128xf32, #tpu.memory_space<hbm>>) target(%arg10 : memref<40x128xf32, #tpu.memory_space<vmem>>) offsets(%dma_start3A_165 : memref<40xi32, #tpu.memory_space<vmem>>) semaphore(%arg16 : memref<!tpu.dma_semaphore, #tpu.memory_space<semaphore_mem>>)
      } else {
      }
      %add3A_121 = arith.constant 3 : i32
      %add3A_122 = arith.addi %add3A_67, %add3A_121 : i32
      %dma_wait3A_123 = arith.constant 0 : i32
      %dma_wait3A_124 = tpu.memref_slice %arg6[%add3A_122, %dma_wait3A_123] : memref<250x40xi32, #tpu.memory_space<vmem>> -> memref<1x40xi32, #tpu.memory_space<vmem>>
      %dma_wait3A_125 = tpu.memref_squeeze %dma_wait3A_124 : memref<1x40xi32, #tpu.memory_space<vmem>> -> memref<40xi32, #tpu.memory_space<vmem>>
      %dma_wait3A_126 = arith.constant 0 : i32
      %dma_wait3A_127 = arith.constant 0 : i32
      %dma_wait3A_128 = tpu.memref_slice %arg2[%dma_wait3A_126, %dma_wait3A_127] : memref<10000x128xf32, #tpu.memory_space<hbm>> -> memref<10000x128xf32, #tpu.memory_space<hbm>>
      tpu.wait_indirect_dma semaphore(%arg17 : memref<!tpu.dma_semaphore, #tpu.memory_space<semaphore_mem>>) src(%dma_wait3A_128 : memref<10000x128xf32, #tpu.memory_space<hbm>>) dst(%arg11 : memref<40x128xf32, #tpu.memory_space<vmem>>)
      %add3A_129 = arith.constant 3 : i32
      %add3A_130 = arith.addi %add3A_67, %add3A_129 : i32
      "tpu.region"() ({
        %run_scoped3A = tpu.sem_alloc : memref<!tpu.dma_semaphore, #tpu.memory_space<semaphore_mem>>
        %dma_start3A_159 = arith.constant 0 : i32
        %dma_start3A_160 = tpu.memref_slice %arg7[%add3A_130, %dma_start3A_159] : memref<250x40xi32, #tpu.memory_space<vmem>> -> memref<1x40xi32, #tpu.memory_space<vmem>>
        %dma_start3A_161 = tpu.memref_squeeze %dma_start3A_160 : memref<1x40xi32, #tpu.memory_space<vmem>> -> memref<40xi32, #tpu.memory_space<vmem>>
        %dma_start3A_162 = arith.constant 0 : i32
        %dma_start3A_163 = arith.constant 0 : i32
        %dma_start3A_164 = tpu.memref_slice %arg13[%dma_start3A_162, %dma_start3A_163] : memref<10000x128xf32, #tpu.memory_space<vmem_shared>> -> memref<10000x128xf32, #tpu.memory_space<vmem_shared>>
        tpu.enqueue_indirect_dma source(%arg11 : memref<40x128xf32, #tpu.memory_space<vmem>>) target(%dma_start3A_164 : memref<10000x128xf32, #tpu.memory_space<vmem_shared>>) offsets(%dma_start3A_161 : memref<40xi32, #tpu.memory_space<vmem>>) semaphore(%run_scoped3A : memref<!tpu.dma_semaphore, #tpu.memory_space<semaphore_mem>>) {add = true}
        %dma_wait3A_165 = arith.constant 0 : i32
        %dma_wait3A_166 = tpu.memref_slice %arg7[%add3A_130, %dma_wait3A_165] : memref<250x40xi32, #tpu.memory_space<vmem>> -> memref<1x40xi32, #tpu.memory_space<vmem>>
        %dma_wait3A_167 = tpu.memref_squeeze %dma_wait3A_166 : memref<1x40xi32, #tpu.memory_space<vmem>> -> memref<40xi32, #tpu.memory_space<vmem>>
        %dma_wait3A_168 = arith.constant 0 : i32
        %dma_wait3A_169 = arith.constant 0 : i32
        %dma_wait3A_170 = tpu.memref_slice %arg13[%dma_wait3A_168, %dma_wait3A_169] : memref<10000x128xf32, #tpu.memory_space<vmem_shared>> -> memref<10000x128xf32, #tpu.memory_space<vmem_shared>>
        tpu.wait_indirect_dma semaphore(%run_scoped3A : memref<!tpu.dma_semaphore, #tpu.memory_space<semaphore_mem>>) src(%arg11 : memref<40x128xf32, #tpu.memory_space<vmem>>) dst(%dma_wait3A_170 : memref<10000x128xf32, #tpu.memory_space<vmem_shared>>)
        tpu.yield
      }) : () -> ()
      %add3A_131 = arith.constant 3 : i32
      %add3A_132 = arith.addi %add3A_67, %add3A_131 : i32
      %add3A_133 = arith.constant 5 : i32
      %add3A_134 = arith.addi %add3A_132, %add3A_133 : i32
      %lt3A_135 = arith.constant 250 : i32
      %lt3A_136 = arith.cmpi slt, %add3A_134, %lt3A_135 : i32
      %convert_element_type3A_137 = arith.extui %lt3A_136 : i1 to i32
      %cond3A_138 = arith.constant 0 : i32
      %cond3A_139 = arith.cmpi ne, %convert_element_type3A_137, %cond3A_138 : i32
      scf.if %cond3A_139 {
        %add3A_159 = arith.constant 3 : i32
        %add3A_160 = arith.addi %add3A_67, %add3A_159 : i32
        %add3A_161 = arith.constant 5 : i32
        %add3A_162 = arith.addi %add3A_160, %add3A_161 : i32
        %dma_start3A_163 = arith.constant 0 : i32
        %dma_start3A_164 = tpu.memref_slice %arg6[%add3A_162, %dma_start3A_163] : memref<250x40xi32, #tpu.memory_space<vmem>> -> memref<1x40xi32, #tpu.memory_space<vmem>>
        %dma_start3A_165 = tpu.memref_squeeze %dma_start3A_164 : memref<1x40xi32, #tpu.memory_space<vmem>> -> memref<40xi32, #tpu.memory_space<vmem>>
        %dma_start3A_166 = arith.constant 0 : i32
        %dma_start3A_167 = arith.constant 0 : i32
        %dma_start3A_168 = tpu.memref_slice %arg2[%dma_start3A_166, %dma_start3A_167] : memref<10000x128xf32, #tpu.memory_space<hbm>> -> memref<10000x128xf32, #tpu.memory_space<hbm>>
        tpu.enqueue_indirect_dma source(%dma_start3A_168 : memref<10000x128xf32, #tpu.memory_space<hbm>>) target(%arg11 : memref<40x128xf32, #tpu.memory_space<vmem>>) offsets(%dma_start3A_165 : memref<40xi32, #tpu.memory_space<vmem>>) semaphore(%arg17 : memref<!tpu.dma_semaphore, #tpu.memory_space<semaphore_mem>>)
      } else {
      }
      %add3A_140 = arith.constant 4 : i32
      %add3A_141 = arith.addi %add3A_67, %add3A_140 : i32
      %dma_wait3A_142 = arith.constant 0 : i32
      %dma_wait3A_143 = tpu.memref_slice %arg6[%add3A_141, %dma_wait3A_142] : memref<250x40xi32, #tpu.memory_space<vmem>> -> memref<1x40xi32, #tpu.memory_space<vmem>>
      %dma_wait3A_144 = tpu.memref_squeeze %dma_wait3A_143 : memref<1x40xi32, #tpu.memory_space<vmem>> -> memref<40xi32, #tpu.memory_space<vmem>>
      %dma_wait3A_145 = arith.constant 0 : i32
      %dma_wait3A_146 = arith.constant 0 : i32
      %dma_wait3A_147 = tpu.memref_slice %arg2[%dma_wait3A_145, %dma_wait3A_146] : memref<10000x128xf32, #tpu.memory_space<hbm>> -> memref<10000x128xf32, #tpu.memory_space<hbm>>
      tpu.wait_indirect_dma semaphore(%arg18 : memref<!tpu.dma_semaphore, #tpu.memory_space<semaphore_mem>>) src(%dma_wait3A_147 : memref<10000x128xf32, #tpu.memory_space<hbm>>) dst(%arg12 : memref<40x128xf32, #tpu.memory_space<vmem>>)
      %add3A_148 = arith.constant 4 : i32
      %add3A_149 = arith.addi %add3A_67, %add3A_148 : i32
      "tpu.region"() ({
        %run_scoped3A = tpu.sem_alloc : memref<!tpu.dma_semaphore, #tpu.memory_space<semaphore_mem>>
        %dma_start3A_159 = arith.constant 0 : i32
        %dma_start3A_160 = tpu.memref_slice %arg7[%add3A_149, %dma_start3A_159] : memref<250x40xi32, #tpu.memory_space<vmem>> -> memref<1x40xi32, #tpu.memory_space<vmem>>
        %dma_start3A_161 = tpu.memref_squeeze %dma_start3A_160 : memref<1x40xi32, #tpu.memory_space<vmem>> -> memref<40xi32, #tpu.memory_space<vmem>>
        %dma_start3A_162 = arith.constant 0 : i32
        %dma_start3A_163 = arith.constant 0 : i32
        %dma_start3A_164 = tpu.memref_slice %arg13[%dma_start3A_162, %dma_start3A_163] : memref<10000x128xf32, #tpu.memory_space<vmem_shared>> -> memref<10000x128xf32, #tpu.memory_space<vmem_shared>>
        tpu.enqueue_indirect_dma source(%arg12 : memref<40x128xf32, #tpu.memory_space<vmem>>) target(%dma_start3A_164 : memref<10000x128xf32, #tpu.memory_space<vmem_shared>>) offsets(%dma_start3A_161 : memref<40xi32, #tpu.memory_space<vmem>>) semaphore(%run_scoped3A : memref<!tpu.dma_semaphore, #tpu.memory_space<semaphore_mem>>) {add = true}
        %dma_wait3A_165 = arith.constant 0 : i32
        %dma_wait3A_166 = tpu.memref_slice %arg7[%add3A_149, %dma_wait3A_165] : memref<250x40xi32, #tpu.memory_space<vmem>> -> memref<1x40xi32, #tpu.memory_space<vmem>>
        %dma_wait3A_167 = tpu.memref_squeeze %dma_wait3A_166 : memref<1x40xi32, #tpu.memory_space<vmem>> -> memref<40xi32, #tpu.memory_space<vmem>>
        %dma_wait3A_168 = arith.constant 0 : i32
        %dma_wait3A_169 = arith.constant 0 : i32
        %dma_wait3A_170 = tpu.memref_slice %arg13[%dma_wait3A_168, %dma_wait3A_169] : memref<10000x128xf32, #tpu.memory_space<vmem_shared>> -> memref<10000x128xf32, #tpu.memory_space<vmem_shared>>
        tpu.wait_indirect_dma semaphore(%run_scoped3A : memref<!tpu.dma_semaphore, #tpu.memory_space<semaphore_mem>>) src(%arg12 : memref<40x128xf32, #tpu.memory_space<vmem>>) dst(%dma_wait3A_170 : memref<10000x128xf32, #tpu.memory_space<vmem_shared>>)
        tpu.yield
      }) : () -> ()
      %add3A_150 = arith.constant 4 : i32
      %add3A_151 = arith.addi %add3A_67, %add3A_150 : i32
      %add3A_152 = arith.constant 5 : i32
      %add3A_153 = arith.addi %add3A_151, %add3A_152 : i32
      %lt3A_154 = arith.constant 250 : i32
      %lt3A_155 = arith.cmpi slt, %add3A_153, %lt3A_154 : i32
      %convert_element_type3A_156 = arith.extui %lt3A_155 : i1 to i32
      %cond3A_157 = arith.constant 0 : i32
      %cond3A_158 = arith.cmpi ne, %convert_element_type3A_156, %cond3A_157 : i32
      scf.if %cond3A_158 {
        %add3A_159 = arith.constant 4 : i32
        %add3A_160 = arith.addi %add3A_67, %add3A_159 : i32
        %add3A_161 = arith.constant 5 : i32
        %add3A_162 = arith.addi %add3A_160, %add3A_161 : i32
        %dma_start3A_163 = arith.constant 0 : i32
        %dma_start3A_164 = tpu.memref_slice %arg6[%add3A_162, %dma_start3A_163] : memref<250x40xi32, #tpu.memory_space<vmem>> -> memref<1x40xi32, #tpu.memory_space<vmem>>
        %dma_start3A_165 = tpu.memref_squeeze %dma_start3A_164 : memref<1x40xi32, #tpu.memory_space<vmem>> -> memref<40xi32, #tpu.memory_space<vmem>>
        %dma_start3A_166 = arith.constant 0 : i32
        %dma_start3A_167 = arith.constant 0 : i32
        %dma_start3A_168 = tpu.memref_slice %arg2[%dma_start3A_166, %dma_start3A_167] : memref<10000x128xf32, #tpu.memory_space<hbm>> -> memref<10000x128xf32, #tpu.memory_space<hbm>>
        tpu.enqueue_indirect_dma source(%dma_start3A_168 : memref<10000x128xf32, #tpu.memory_space<hbm>>) target(%arg12 : memref<40x128xf32, #tpu.memory_space<vmem>>) offsets(%dma_start3A_165 : memref<40xi32, #tpu.memory_space<vmem>>) semaphore(%arg18 : memref<!tpu.dma_semaphore, #tpu.memory_space<semaphore_mem>>)
      } else {
      }
    }
    %scan3A_57 = arith.constant 50 : i32
    %barrier3A_58 = arith.constant 0 : index
    tpu.barrier barrier_id(%barrier3A_58)
    %mul3A_59 = arith.constant 625 : i32
    %mul3A_60 = arith.muli %arg1, %mul3A_59 : i32
    %mul3A_61 = arith.constant 625 : i32
    %mul3A_62 = arith.muli %arg1, %mul3A_61 : i32
    "tpu.region"() ({
      %run_scoped3A = tpu.sem_alloc : memref<!tpu.dma_semaphore, #tpu.memory_space<semaphore_mem>>
      %dma_start3A_63 = arith.constant 0 : i32
      %dma_start3A_64 = tpu.memref_slice %arg5[%arg0, %mul3A_62, %dma_start3A_63] : memref<2x10000x128xf32, #tpu.memory_space<hbm>> -> memref<1x625x128xf32, #tpu.memory_space<hbm>>
      %dma_start3A_65 = tpu.memref_squeeze %dma_start3A_64 : memref<1x625x128xf32, #tpu.memory_space<hbm>> -> memref<625x128xf32, #tpu.memory_space<hbm>>
      %dma_start3A_66 = arith.constant 0 : i32
      %dma_start3A_67 = tpu.memref_slice %arg13[%mul3A_60, %dma_start3A_66] : memref<10000x128xf32, #tpu.memory_space<vmem_shared>> -> memref<625x128xf32, #tpu.memory_space<vmem_shared>>
      tpu.enqueue_dma source(%dma_start3A_67 : memref<625x128xf32, #tpu.memory_space<vmem_shared>>) target(%dma_start3A_65 : memref<625x128xf32, #tpu.memory_space<hbm>>) target_semaphore(%run_scoped3A : memref<!tpu.dma_semaphore, #tpu.memory_space<semaphore_mem>>)
      %dma_wait3A = arith.constant 0 : i32
      %dma_wait3A_68 = tpu.memref_slice %arg5[%arg0, %mul3A_62, %dma_wait3A] : memref<2x10000x128xf32, #tpu.memory_space<hbm>> -> memref<1x625x128xf32, #tpu.memory_space<hbm>>
      %dma_wait3A_69 = tpu.memref_squeeze %dma_wait3A_68 : memref<1x625x128xf32, #tpu.memory_space<hbm>> -> memref<625x128xf32, #tpu.memory_space<hbm>>
      %dma_wait3A_70 = arith.constant 0 : i32
      %dma_wait3A_71 = tpu.memref_slice %arg13[%mul3A_60, %dma_wait3A_70] : memref<10000x128xf32, #tpu.memory_space<vmem_shared>> -> memref<625x128xf32, #tpu.memory_space<vmem_shared>>
      tpu.wait_dma2 semaphore(%run_scoped3A : memref<!tpu.dma_semaphore, #tpu.memory_space<semaphore_mem>>) src(%dma_wait3A_71 : memref<625x128xf32, #tpu.memory_space<vmem_shared>>) dst(%dma_wait3A_69 : memref<625x128xf32, #tpu.memory_space<hbm>>)
      tpu.yield
    }) : () -> ()
    return
  }
}

#map = affine_map<(d0, d1) -> (0, 0)>
#map1 = affine_map<(d0, d1) -> (0, 0, 0)>
module attributes {stable_mosaic.version = 14 : i64} {
  func.func @_spmm_body(%arg0: i32, %arg1: i32, %arg2: memref<10000x128xf32, #tpu.memory_space<hbm>>, %arg3: memref<8000x40xi32, #tpu.memory_space<hbm>>, %arg4: memref<8000x40xi32, #tpu.memory_space<hbm>>, %arg5: memref<2x10000x128xf32, #tpu.memory_space<hbm>>, %arg6: memref<250x40xi32, #tpu.memory_space<vmem>>, %arg7: memref<250x40xi32, #tpu.memory_space<vmem>>, %arg8: memref<40x128xf32, #tpu.memory_space<vmem>>, %arg9: memref<40x128xf32, #tpu.memory_space<vmem>>, %arg10: memref<40x128xf32, #tpu.memory_space<vmem>>, %arg11: memref<40x128xf32, #tpu.memory_space<vmem>>, %arg12: memref<40x128xf32, #tpu.memory_space<vmem>>, %arg13: memref<10000x128xf32, #tpu.memory_space<vmem_shared>>, %arg14: memref<!tpu.dma_semaphore, #tpu.memory_space<semaphore_mem>>, %arg15: memref<!tpu.dma_semaphore, #tpu.memory_space<semaphore_mem>>, %arg16: memref<!tpu.dma_semaphore, #tpu.memory_space<semaphore_mem>>, %arg17: memref<!tpu.dma_semaphore, #tpu.memory_space<semaphore_mem>>, %arg18: memref<!tpu.dma_semaphore, #tpu.memory_space<semaphore_mem>>) attributes {dimension_semantics = [#tpu.dimension_semantics<core_parallel>, #tpu.dimension_semantics<subcore_parallel>], iteration_bounds = array<i64: 2, 16>, scalar_prefetch = 0 : i64, scratch_operands = 13 : i64, tpu.core_type = #tpu.core_type<sc_vector_subcore>, window_params = [{transform_indices = #map}, {transform_indices = #map}, {transform_indices = #map}, {transform_indices = #map1}]} {
    %mul3A = arith.constant 16 : i32
    %mul3A_0 = arith.muli %arg0, %mul3A : i32
    %add3A = arith.addi %mul3A_0, %arg1 : i32
    %mul3A_1 = arith.constant 250 : i32
    %mul3A_2 = arith.muli %add3A, %mul3A_1 : i32
    "tpu.region"() ({
      %run_scoped3A = tpu.sem_alloc : memref<!tpu.dma_semaphore, #tpu.memory_space<semaphore_mem>>
      %dma_start3A_63 = arith.constant 0 : i32
      %dma_start3A_64 = tpu.memref_slice %arg3[%mul3A_2, %dma_start3A_63] : memref<8000x40xi32, #tpu.memory_space<hbm>> -> memref<250x40xi32, #tpu.memory_space<hbm>>
      %dma_start3A_65 = arith.constant 0 : i32
      %dma_start3A_66 = tpu.memref_slice %arg3[%mul3A_2, %dma_start3A_65] : memref<8000x40xi32, #tpu.memory_space<hbm>> -> memref<250x40xi32, #tpu.memory_space<hbm>>
      tpu.enqueue_dma source(%dma_start3A_66 : memref<250x40xi32, #tpu.memory_space<hbm>>) target(%arg6 : memref<250x40xi32, #tpu.memory_space<vmem>>) target_semaphore(%run_scoped3A : memref<!tpu.dma_semaphore, #tpu.memory_space<semaphore_mem>>)
      %dma_wait3A = arith.constant 0 : i32
      %dma_wait3A_67 = tpu.memref_slice %arg3[%mul3A_2, %dma_wait3A] : memref<8000x40xi32, #tpu.memory_space<hbm>> -> memref<250x40xi32, #tpu.memory_space<hbm>>
      %dma_wait3A_68 = arith.constant 0 : i32
      %dma_wait3A_69 = tpu.memref_slice %arg3[%mul3A_2, %dma_wait3A_68] : memref<8000x40xi32, #tpu.memory_space<hbm>> -> memref<250x40xi32, #tpu.memory_space<hbm>>
      tpu.wait_dma2 semaphore(%run_scoped3A : memref<!tpu.dma_semaphore, #tpu.memory_space<semaphore_mem>>) src(%dma_wait3A_69 : memref<250x40xi32, #tpu.memory_space<hbm>>) dst(%arg6 : memref<250x40xi32, #tpu.memory_space<vmem>>)
      tpu.yield
    }) : () -> ()
    %mul3A_3 = arith.constant 250 : i32
    %mul3A_4 = arith.muli %add3A, %mul3A_3 : i32
    "tpu.region"() ({
      %run_scoped3A = tpu.sem_alloc : memref<!tpu.dma_semaphore, #tpu.memory_space<semaphore_mem>>
      %dma_start3A_63 = arith.constant 0 : i32
      %dma_start3A_64 = tpu.memref_slice %arg4[%mul3A_4, %dma_start3A_63] : memref<8000x40xi32, #tpu.memory_space<hbm>> -> memref<250x40xi32, #tpu.memory_space<hbm>>
      %dma_start3A_65 = arith.constant 0 : i32
      %dma_start3A_66 = tpu.memref_slice %arg4[%mul3A_4, %dma_start3A_65] : memref<8000x40xi32, #tpu.memory_space<hbm>> -> memref<250x40xi32, #tpu.memory_space<hbm>>
      tpu.enqueue_dma source(%dma_start3A_66 : memref<250x40xi32, #tpu.memory_space<hbm>>) target(%arg7 : memref<250x40xi32, #tpu.memory_space<vmem>>) target_semaphore(%run_scoped3A : memref<!tpu.dma_semaphore, #tpu.memory_space<semaphore_mem>>)
      %dma_wait3A = arith.constant 0 : i32
      %dma_wait3A_67 = tpu.memref_slice %arg4[%mul3A_4, %dma_wait3A] : memref<8000x40xi32, #tpu.memory_space<hbm>> -> memref<250x40xi32, #tpu.memory_space<hbm>>
      %dma_wait3A_68 = arith.constant 0 : i32
      %dma_wait3A_69 = tpu.memref_slice %arg4[%mul3A_4, %dma_wait3A_68] : memref<8000x40xi32, #tpu.memory_space<hbm>> -> memref<250x40xi32, #tpu.memory_space<hbm>>
      tpu.wait_dma2 semaphore(%run_scoped3A : memref<!tpu.dma_semaphore, #tpu.memory_space<semaphore_mem>>) src(%dma_wait3A_69 : memref<250x40xi32, #tpu.memory_space<hbm>>) dst(%arg7 : memref<250x40xi32, #tpu.memory_space<vmem>>)
      tpu.yield
    }) : () -> ()
    %scan3A = arith.constant 0 : i32
    %scan3A_5 = arith.constant 40 : i32
    %scan3A_6 = arith.addi %scan3A, %scan3A_5 : i32
    %scan3A_7 = arith.constant 1 : i32
    scf.for %scan3A_63 = %scan3A to %scan3A_6 step %scan3A_7  : i32 {
      %mul3A_64 = arith.constant 1 : i32
      %mul3A_65 = arith.muli %scan3A_63, %mul3A_64 : i32
      %add3A_66 = arith.constant 0 : i32
      %add3A_67 = arith.addi %add3A_66, %mul3A_65 : i32
      %scan3A_68 = arith.constant 0 : i32
      %scan3A_69 = arith.constant 8 : i32
      %scan3A_70 = arith.addi %scan3A_68, %scan3A_69 : i32
      %scan3A_71 = arith.constant 1 : i32
      scf.for %scan3A_73 = %scan3A_68 to %scan3A_70 step %scan3A_71  : i32 {
        %mul3A_74 = arith.constant 16 : i32
        %mul3A_75 = arith.muli %scan3A_73, %mul3A_74 : i32
        %add3A_76 = arith.constant 0 : i32
        %add3A_77 = arith.addi %add3A_76, %mul3A_75 : i32
        %broadcast_in_dim3A = arith.constant 0.000000e+00 : f32
        %broadcast_in_dim3A_78 = vector.broadcast %broadcast_in_dim3A : f32 to vector<16xf32>
        %swap3A = arith.index_cast %add3A_67 : i32 to index
        %swap3A_79 = arith.index_cast %add3A_77 : i32 to index
        %swap3A_80 = tpu.vector_load %arg8[%swap3A, %swap3A_79] {strides = array<i32>} : memref<40x128xf32, #tpu.memory_space<vmem>>, vector<16xf32>,
        tpu.vector_store %arg8[%swap3A, %swap3A_79], %broadcast_in_dim3A_78 {strides = array<i32>} : memref<40x128xf32, #tpu.memory_space<vmem>>, vector<16xf32>,
      }
      %scan3A_72 = arith.constant 8 : i32
    }
    %scan3A_8 = arith.constant 40 : i32
    %scan3A_9 = arith.constant 0 : i32
    %scan3A_10 = arith.constant 15 : i32
    %scan3A_11 = arith.addi %scan3A_9, %scan3A_10 : i32
    %scan3A_12 = arith.constant 1 : i32
    scf.for %scan3A_63 = %scan3A_9 to %scan3A_11 step %scan3A_12  : i32 {
      %mul3A_64 = arith.constant 1 : i32
      %mul3A_65 = arith.muli %scan3A_63, %mul3A_64 : i32
      %add3A_66 = arith.constant 0 : i32
      %add3A_67 = arith.addi %add3A_66, %mul3A_65 : i32
      %mul3A_68 = arith.constant 625 : i32
      %mul3A_69 = arith.muli %arg1, %mul3A_68 : i32
      %mul3A_70 = arith.constant 40 : i32
      %mul3A_71 = arith.muli %add3A_67, %mul3A_70 : i32
      %add3A_72 = arith.addi %mul3A_69, %mul3A_71 : i32
      "tpu.region"() ({
        %run_scoped3A = tpu.sem_alloc : memref<!tpu.dma_semaphore, #tpu.memory_space<semaphore_mem>>
        %dma_start3A_73 = arith.constant 0 : i32
        %dma_start3A_74 = tpu.memref_slice %arg13[%add3A_72, %dma_start3A_73] : memref<10000x128xf32, #tpu.memory_space<vmem_shared>> -> memref<40x128xf32, #tpu.memory_space<vmem_shared>>
        %dma_start3A_75 = arith.constant 0 : i32
        %dma_start3A_76 = tpu.memref_slice %arg13[%add3A_72, %dma_start3A_75] : memref<10000x128xf32, #tpu.memory_space<vmem_shared>> -> memref<40x128xf32, #tpu.memory_space<vmem_shared>>
        tpu.enqueue_dma source(%arg8 : memref<40x128xf32, #tpu.memory_space<vmem>>) target(%dma_start3A_76 : memref<40x128xf32, #tpu.memory_space<vmem_shared>>) target_semaphore(%run_scoped3A : memref<!tpu.dma_semaphore, #tpu.memory_space<semaphore_mem>>)
        %dma_wait3A = arith.constant 0 : i32
        %dma_wait3A_77 = tpu.memref_slice %arg13[%add3A_72, %dma_wait3A] : memref<10000x128xf32, #tpu.memory_space<vmem_shared>> -> memref<40x128xf32, #tpu.memory_space<vmem_shared>>
        %dma_wait3A_78 = arith.constant 0 : i32
        %dma_wait3A_79 = tpu.memref_slice %arg13[%add3A_72, %dma_wait3A_78] : memref<10000x128xf32, #tpu.memory_space<vmem_shared>> -> memref<40x128xf32, #tpu.memory_space<vmem_shared>>
        tpu.wait_dma2 semaphore(%run_scoped3A : memref<!tpu.dma_semaphore, #tpu.memory_space<semaphore_mem>>) src(%arg8 : memref<40x128xf32, #tpu.memory_space<vmem>>) dst(%dma_wait3A_79 : memref<40x128xf32, #tpu.memory_space<vmem_shared>>)
        tpu.yield
      }) : () -> ()
    }
    %scan3A_13 = arith.constant 15 : i32
    %mul3A_14 = arith.constant 625 : i32
    %mul3A_15 = arith.muli %arg1, %mul3A_14 : i32
    %add3A_16 = arith.constant 625 : i32
    %add3A_17 = arith.addi %mul3A_15, %add3A_16 : i32
    %sub3A = arith.constant 40 : i32
    %sub3A_18 = arith.subi %add3A_17, %sub3A : i32
    "tpu.region"() ({
      %run_scoped3A = tpu.sem_alloc : memref<!tpu.dma_semaphore, #tpu.memory_space<semaphore_mem>>
      %dma_start3A_63 = arith.constant 0 : i32
      %dma_start3A_64 = tpu.memref_slice %arg13[%sub3A_18, %dma_start3A_63] : memref<10000x128xf32, #tpu.memory_space<vmem_shared>> -> memref<40x128xf32, #tpu.memory_space<vmem_shared>>
      %dma_start3A_65 = arith.constant 0 : i32
      %dma_start3A_66 = tpu.memref_slice %arg13[%sub3A_18, %dma_start3A_65] : memref<10000x128xf32, #tpu.memory_space<vmem_shared>> -> memref<40x128xf32, #tpu.memory_space<vmem_shared>>
      tpu.enqueue_dma source(%arg8 : memref<40x128xf32, #tpu.memory_space<vmem>>) target(%dma_start3A_66 : memref<40x128xf32, #tpu.memory_space<vmem_shared>>) target_semaphore(%run_scoped3A : memref<!tpu.dma_semaphore, #tpu.memory_space<semaphore_mem>>)
      %dma_wait3A = arith.constant 0 : i32
      %dma_wait3A_67 = tpu.memref_slice %arg13[%sub3A_18, %dma_wait3A] : memref<10000x128xf32, #tpu.memory_space<vmem_shared>> -> memref<40x128xf32, #tpu.memory_space<vmem_shared>>
      %dma_wait3A_68 = arith.constant 0 : i32
      %dma_wait3A_69 = tpu.memref_slice %arg13[%sub3A_18, %dma_wait3A_68] : memref<10000x128xf32, #tpu.memory_space<vmem_shared>> -> memref<40x128xf32, #tpu.memory_space<vmem_shared>>
      tpu.wait_dma2 semaphore(%run_scoped3A : memref<!tpu.dma_semaphore, #tpu.memory_space<semaphore_mem>>) src(%arg8 : memref<40x128xf32, #tpu.memory_space<vmem>>) dst(%dma_wait3A_69 : memref<40x128xf32, #tpu.memory_space<vmem_shared>>)
      tpu.yield
    }) : () -> ()
    %barrier3A = arith.constant 0 : index
    tpu.barrier barrier_id(%barrier3A)
    %dma_start3A = arith.constant 0 : i32
    %dma_start3A_19 = arith.constant 0 : i32
    %dma_start3A_20 = tpu.memref_slice %arg6[%dma_start3A, %dma_start3A_19] : memref<250x40xi32, #tpu.memory_space<vmem>> -> memref<1x40xi32, #tpu.memory_space<vmem>>
    %dma_start3A_21 = tpu.memref_squeeze %dma_start3A_20 : memref<1x40xi32, #tpu.memory_space<vmem>> -> memref<40xi32, #tpu.memory_space<vmem>>
    %dma_start3A_22 = arith.constant 0 : i32
    %dma_start3A_23 = arith.constant 0 : i32
    %dma_start3A_24 = tpu.memref_slice %arg2[%dma_start3A_22, %dma_start3A_23] : memref<10000x128xf32, #tpu.memory_space<hbm>> -> memref<10000x128xf32, #tpu.memory_space<hbm>>
    tpu.enqueue_indirect_dma source(%dma_start3A_24 : memref<10000x128xf32, #tpu.memory_space<hbm>>) target(%arg8 : memref<40x128xf32, #tpu.memory_space<vmem>>) offsets(%dma_start3A_21 : memref<40xi32, #tpu.memory_space<vmem>>) semaphore(%arg14 : memref<!tpu.dma_semaphore, #tpu.memory_space<semaphore_mem>>)
    %dma_start3A_25 = arith.constant 1 : i32
    %dma_start3A_26 = arith.constant 0 : i32
    %dma_start3A_27 = tpu.memref_slice %arg6[%dma_start3A_25, %dma_start3A_26] : memref<250x40xi32, #tpu.memory_space<vmem>> -> memref<1x40xi32, #tpu.memory_space<vmem>>
    %dma_start3A_28 = tpu.memref_squeeze %dma_start3A_27 : memref<1x40xi32, #tpu.memory_space<vmem>> -> memref<40xi32, #tpu.memory_space<vmem>>
    %dma_start3A_29 = arith.constant 0 : i32
    %dma_start3A_30 = arith.constant 0 : i32
    %dma_start3A_31 = tpu.memref_slice %arg2[%dma_start3A_29, %dma_start3A_30] : memref<10000x128xf32, #tpu.memory_space<hbm>> -> memref<10000x128xf32, #tpu.memory_space<hbm>>
    tpu.enqueue_indirect_dma source(%dma_start3A_31 : memref<10000x128xf32, #tpu.memory_space<hbm>>) target(%arg9 : memref<40x128xf32, #tpu.memory_space<vmem>>) offsets(%dma_start3A_28 : memref<40xi32, #tpu.memory_space<vmem>>) semaphore(%arg15 : memref<!tpu.dma_semaphore, #tpu.memory_space<semaphore_mem>>)
    %dma_start3A_32 = arith.constant 2 : i32
    %dma_start3A_33 = arith.constant 0 : i32
    %dma_start3A_34 = tpu.memref_slice %arg6[%dma_start3A_32, %dma_start3A_33] : memref<250x40xi32, #tpu.memory_space<vmem>> -> memref<1x40xi32, #tpu.memory_space<vmem>>
    %dma_start3A_35 = tpu.memref_squeeze %dma_start3A_34 : memref<1x40xi32, #tpu.memory_space<vmem>> -> memref<40xi32, #tpu.memory_space<vmem>>
    %dma_start3A_36 = arith.constant 0 : i32
    %dma_start3A_37 = arith.constant 0 : i32
    %dma_start3A_38 = tpu.memref_slice %arg2[%dma_start3A_36, %dma_start3A_37] : memref<10000x128xf32, #tpu.memory_space<hbm>> -> memref<10000x128xf32, #tpu.memory_space<hbm>>
    tpu.enqueue_indirect_dma source(%dma_start3A_38 : memref<10000x128xf32, #tpu.memory_space<hbm>>) target(%arg10 : memref<40x128xf32, #tpu.memory_space<vmem>>) offsets(%dma_start3A_35 : memref<40xi32, #tpu.memory_space<vmem>>) semaphore(%arg16 : memref<!tpu.dma_semaphore, #tpu.memory_space<semaphore_mem>>)
    %dma_start3A_39 = arith.constant 3 : i32
    %dma_start3A_40 = arith.constant 0 : i32
    %dma_start3A_41 = tpu.memref_slice %arg6[%dma_start3A_39, %dma_start3A_40] : memref<250x40xi32, #tpu.memory_space<vmem>> -> memref<1x40xi32, #tpu.memory_space<vmem>>
    %dma_start3A_42 = tpu.memref_squeeze %dma_start3A_41 : memref<1x40xi32, #tpu.memory_space<vmem>> -> memref<40xi32, #tpu.memory_space<vmem>>
    %dma_start3A_43 = arith.constant 0 : i32
    %dma_start3A_44 = arith.constant 0 : i32
    %dma_start3A_45 = tpu.memref_slice %arg2[%dma_start3A_43, %dma_start3A_44] : memref<10000x128xf32, #tpu.memory_space<hbm>> -> memref<10000x128xf32, #tpu.memory_space<hbm>>
    tpu.enqueue_indirect_dma source(%dma_start3A_45 : memref<10000x128xf32, #tpu.memory_space<hbm>>) target(%arg11 : memref<40x128xf32, #tpu.memory_space<vmem>>) offsets(%dma_start3A_42 : memref<40xi32, #tpu.memory_space<vmem>>) semaphore(%arg17 : memref<!tpu.dma_semaphore, #tpu.memory_space<semaphore_mem>>)
    %dma_start3A_46 = arith.constant 4 : i32
    %dma_start3A_47 = arith.constant 0 : i32
    %dma_start3A_48 = tpu.memref_slice %arg6[%dma_start3A_46, %dma_start3A_47] : memref<250x40xi32, #tpu.memory_space<vmem>> -> memref<1x40xi32, #tpu.memory_space<vmem>>
    %dma_start3A_49 = tpu.memref_squeeze %dma_start3A_48 : memref<1x40xi32, #tpu.memory_space<vmem>> -> memref<40xi32, #tpu.memory_space<vmem>>
    %dma_start3A_50 = arith.constant 0 : i32
    %dma_start3A_51 = arith.constant 0 : i32
    %dma_start3A_52 = tpu.memref_slice %arg2[%dma_start3A_50, %dma_start3A_51] : memref<10000x128xf32, #tpu.memory_space<hbm>> -> memref<10000x128xf32, #tpu.memory_space<hbm>>
    tpu.enqueue_indirect_dma source(%dma_start3A_52 : memref<10000x128xf32, #tpu.memory_space<hbm>>) target(%arg12 : memref<40x128xf32, #tpu.memory_space<vmem>>) offsets(%dma_start3A_49 : memref<40xi32, #tpu.memory_space<vmem>>) semaphore(%arg18 : memref<!tpu.dma_semaphore, #tpu.memory_space<semaphore_mem>>)
    %scan3A_53 = arith.constant 0 : i32
    %scan3A_54 = arith.constant 50 : i32
    %scan3A_55 = arith.addi %scan3A_53, %scan3A_54 : i32
    %scan3A_56 = arith.constant 1 : i32
    scf.for %scan3A_63 = %scan3A_53 to %scan3A_55 step %scan3A_56  : i32 {
      %mul3A_64 = arith.constant 5 : i32
      %mul3A_65 = arith.muli %scan3A_63, %mul3A_64 : i32
      %add3A_66 = arith.constant 0 : i32
      %add3A_67 = arith.addi %add3A_66, %mul3A_65 : i32
      %add3A_68 = arith.constant 0 : i32
      %add3A_69 = arith.addi %add3A_67, %add3A_68 : i32
      %dma_wait3A = arith.constant 0 : i32
      %dma_wait3A_70 = tpu.memref_slice %arg6[%add3A_69, %dma_wait3A] : memref<250x40xi32, #tpu.memory_space<vmem>> -> memref<1x40xi32, #tpu.memory_space<vmem>>
      %dma_wait3A_71 = tpu.memref_squeeze %dma_wait3A_70 : memref<1x40xi32, #tpu.memory_space<vmem>> -> memref<40xi32, #tpu.memory_space<vmem>>
      %dma_wait3A_72 = arith.constant 0 : i32
      %dma_wait3A_73 = arith.constant 0 : i32
      %dma_wait3A_74 = tpu.memref_slice %arg2[%dma_wait3A_72, %dma_wait3A_73] : memref<10000x128xf32, #tpu.memory_space<hbm>> -> memref<10000x128xf32, #tpu.memory_space<hbm>>
      tpu.wait_indirect_dma semaphore(%arg14 : memref<!tpu.dma_semaphore, #tpu.memory_space<semaphore_mem>>) src(%dma_wait3A_74 : memref<10000x128xf32, #tpu.memory_space<hbm>>) dst(%arg8 : memref<40x128xf32, #tpu.memory_space<vmem>>)
      %add3A_75 = arith.constant 0 : i32
      %add3A_76 = arith.addi %add3A_67, %add3A_75 : i32
      "tpu.region"() ({
        %run_scoped3A = tpu.sem_alloc : memref<!tpu.dma_semaphore, #tpu.memory_space<semaphore_mem>>
        %dma_start3A_159 = arith.constant 0 : i32
        %dma_start3A_160 = tpu.memref_slice %arg7[%add3A_76, %dma_start3A_159] : memref<250x40xi32, #tpu.memory_space<vmem>> -> memref<1x40xi32, #tpu.memory_space<vmem>>
        %dma_start3A_161 = tpu.memref_squeeze %dma_start3A_160 : memref<1x40xi32, #tpu.memory_space<vmem>> -> memref<40xi32, #tpu.memory_space<vmem>>
        %dma_start3A_162 = arith.constant 0 : i32
        %dma_start3A_163 = arith.constant 0 : i32
        %dma_start3A_164 = tpu.memref_slice %arg13[%dma_start3A_162, %dma_start3A_163] : memref<10000x128xf32, #tpu.memory_space<vmem_shared>> -> memref<10000x128xf32, #tpu.memory_space<vmem_shared>>
        tpu.enqueue_indirect_dma source(%arg8 : memref<40x128xf32, #tpu.memory_space<vmem>>) target(%dma_start3A_164 : memref<10000x128xf32, #tpu.memory_space<vmem_shared>>) offsets(%dma_start3A_161 : memref<40xi32, #tpu.memory_space<vmem>>) semaphore(%run_scoped3A : memref<!tpu.dma_semaphore, #tpu.memory_space<semaphore_mem>>) {add = true}
        %dma_wait3A_165 = arith.constant 0 : i32
        %dma_wait3A_166 = tpu.memref_slice %arg7[%add3A_76, %dma_wait3A_165] : memref<250x40xi32, #tpu.memory_space<vmem>> -> memref<1x40xi32, #tpu.memory_space<vmem>>
        %dma_wait3A_167 = tpu.memref_squeeze %dma_wait3A_166 : memref<1x40xi32, #tpu.memory_space<vmem>> -> memref<40xi32, #tpu.memory_space<vmem>>
        %dma_wait3A_168 = arith.constant 0 : i32
        %dma_wait3A_169 = arith.constant 0 : i32
        %dma_wait3A_170 = tpu.memref_slice %arg13[%dma_wait3A_168, %dma_wait3A_169] : memref<10000x128xf32, #tpu.memory_space<vmem_shared>> -> memref<10000x128xf32, #tpu.memory_space<vmem_shared>>
        tpu.wait_indirect_dma semaphore(%run_scoped3A : memref<!tpu.dma_semaphore, #tpu.memory_space<semaphore_mem>>) src(%arg8 : memref<40x128xf32, #tpu.memory_space<vmem>>) dst(%dma_wait3A_170 : memref<10000x128xf32, #tpu.memory_space<vmem_shared>>)
        tpu.yield
      }) : () -> ()
      %add3A_77 = arith.constant 0 : i32
      %add3A_78 = arith.addi %add3A_67, %add3A_77 : i32
      %add3A_79 = arith.constant 5 : i32
      %add3A_80 = arith.addi %add3A_78, %add3A_79 : i32
      %lt3A = arith.constant 250 : i32
      %lt3A_81 = arith.cmpi slt, %add3A_80, %lt3A : i32
      %convert_element_type3A = arith.extui %lt3A_81 : i1 to i32
      %cond3A = arith.constant 0 : i32
      %cond3A_82 = arith.cmpi ne, %convert_element_type3A, %cond3A : i32
      scf.if %cond3A_82 {
        %add3A_159 = arith.constant 0 : i32
        %add3A_160 = arith.addi %add3A_67, %add3A_159 : i32
        %add3A_161 = arith.constant 5 : i32
        %add3A_162 = arith.addi %add3A_160, %add3A_161 : i32
        %dma_start3A_163 = arith.constant 0 : i32
        %dma_start3A_164 = tpu.memref_slice %arg6[%add3A_162, %dma_start3A_163] : memref<250x40xi32, #tpu.memory_space<vmem>> -> memref<1x40xi32, #tpu.memory_space<vmem>>
        %dma_start3A_165 = tpu.memref_squeeze %dma_start3A_164 : memref<1x40xi32, #tpu.memory_space<vmem>> -> memref<40xi32, #tpu.memory_space<vmem>>
        %dma_start3A_166 = arith.constant 0 : i32
        %dma_start3A_167 = arith.constant 0 : i32
        %dma_start3A_168 = tpu.memref_slice %arg2[%dma_start3A_166, %dma_start3A_167] : memref<10000x128xf32, #tpu.memory_space<hbm>> -> memref<10000x128xf32, #tpu.memory_space<hbm>>
        tpu.enqueue_indirect_dma source(%dma_start3A_168 : memref<10000x128xf32, #tpu.memory_space<hbm>>) target(%arg8 : memref<40x128xf32, #tpu.memory_space<vmem>>) offsets(%dma_start3A_165 : memref<40xi32, #tpu.memory_space<vmem>>) semaphore(%arg14 : memref<!tpu.dma_semaphore, #tpu.memory_space<semaphore_mem>>)
      } else {
      }
      %add3A_83 = arith.constant 1 : i32
      %add3A_84 = arith.addi %add3A_67, %add3A_83 : i32
      %dma_wait3A_85 = arith.constant 0 : i32
      %dma_wait3A_86 = tpu.memref_slice %arg6[%add3A_84, %dma_wait3A_85] : memref<250x40xi32, #tpu.memory_space<vmem>> -> memref<1x40xi32, #tpu.memory_space<vmem>>
      %dma_wait3A_87 = tpu.memref_squeeze %dma_wait3A_86 : memref<1x40xi32, #tpu.memory_space<vmem>> -> memref<40xi32, #tpu.memory_space<vmem>>
      %dma_wait3A_88 = arith.constant 0 : i32
      %dma_wait3A_89 = arith.constant 0 : i32
      %dma_wait3A_90 = tpu.memref_slice %arg2[%dma_wait3A_88, %dma_wait3A_89] : memref<10000x128xf32, #tpu.memory_space<hbm>> -> memref<10000x128xf32, #tpu.memory_space<hbm>>
      tpu.wait_indirect_dma semaphore(%arg15 : memref<!tpu.dma_semaphore, #tpu.memory_space<semaphore_mem>>) src(%dma_wait3A_90 : memref<10000x128xf32, #tpu.memory_space<hbm>>) dst(%arg9 : memref<40x128xf32, #tpu.memory_space<vmem>>)
      %add3A_91 = arith.constant 1 : i32
      %add3A_92 = arith.addi %add3A_67, %add3A_91 : i32
      "tpu.region"() ({
        %run_scoped3A = tpu.sem_alloc : memref<!tpu.dma_semaphore, #tpu.memory_space<semaphore_mem>>
        %dma_start3A_159 = arith.constant 0 : i32
        %dma_start3A_160 = tpu.memref_slice %arg7[%add3A_92, %dma_start3A_159] : memref<250x40xi32, #tpu.memory_space<vmem>> -> memref<1x40xi32, #tpu.memory_space<vmem>>
        %dma_start3A_161 = tpu.memref_squeeze %dma_start3A_160 : memref<1x40xi32, #tpu.memory_space<vmem>> -> memref<40xi32, #tpu.memory_space<vmem>>
        %dma_start3A_162 = arith.constant 0 : i32
        %dma_start3A_163 = arith.constant 0 : i32
        %dma_start3A_164 = tpu.memref_slice %arg13[%dma_start3A_162, %dma_start3A_163] : memref<10000x128xf32, #tpu.memory_space<vmem_shared>> -> memref<10000x128xf32, #tpu.memory_space<vmem_shared>>
        tpu.enqueue_indirect_dma source(%arg9 : memref<40x128xf32, #tpu.memory_space<vmem>>) target(%dma_start3A_164 : memref<10000x128xf32, #tpu.memory_space<vmem_shared>>) offsets(%dma_start3A_161 : memref<40xi32, #tpu.memory_space<vmem>>) semaphore(%run_scoped3A : memref<!tpu.dma_semaphore, #tpu.memory_space<semaphore_mem>>) {add = true}
        %dma_wait3A_165 = arith.constant 0 : i32
        %dma_wait3A_166 = tpu.memref_slice %arg7[%add3A_92, %dma_wait3A_165] : memref<250x40xi32, #tpu.memory_space<vmem>> -> memref<1x40xi32, #tpu.memory_space<vmem>>
        %dma_wait3A_167 = tpu.memref_squeeze %dma_wait3A_166 : memref<1x40xi32, #tpu.memory_space<vmem>> -> memref<40xi32, #tpu.memory_space<vmem>>
        %dma_wait3A_168 = arith.constant 0 : i32
        %dma_wait3A_169 = arith.constant 0 : i32
        %dma_wait3A_170 = tpu.memref_slice %arg13[%dma_wait3A_168, %dma_wait3A_169] : memref<10000x128xf32, #tpu.memory_space<vmem_shared>> -> memref<10000x128xf32, #tpu.memory_space<vmem_shared>>
        tpu.wait_indirect_dma semaphore(%run_scoped3A : memref<!tpu.dma_semaphore, #tpu.memory_space<semaphore_mem>>) src(%arg9 : memref<40x128xf32, #tpu.memory_space<vmem>>) dst(%dma_wait3A_170 : memref<10000x128xf32, #tpu.memory_space<vmem_shared>>)
        tpu.yield
      }) : () -> ()
      %add3A_93 = arith.constant 1 : i32
      %add3A_94 = arith.addi %add3A_67, %add3A_93 : i32
      %add3A_95 = arith.constant 5 : i32
      %add3A_96 = arith.addi %add3A_94, %add3A_95 : i32
      %lt3A_97 = arith.constant 250 : i32
      %lt3A_98 = arith.cmpi slt, %add3A_96, %lt3A_97 : i32
      %convert_element_type3A_99 = arith.extui %lt3A_98 : i1 to i32
      %cond3A_100 = arith.constant 0 : i32
      %cond3A_101 = arith.cmpi ne, %convert_element_type3A_99, %cond3A_100 : i32
      scf.if %cond3A_101 {
        %add3A_159 = arith.constant 1 : i32
        %add3A_160 = arith.addi %add3A_67, %add3A_159 : i32
        %add3A_161 = arith.constant 5 : i32
        %add3A_162 = arith.addi %add3A_160, %add3A_161 : i32
        %dma_start3A_163 = arith.constant 0 : i32
        %dma_start3A_164 = tpu.memref_slice %arg6[%add3A_162, %dma_start3A_163] : memref<250x40xi32, #tpu.memory_space<vmem>> -> memref<1x40xi32, #tpu.memory_space<vmem>>
        %dma_start3A_165 = tpu.memref_squeeze %dma_start3A_164 : memref<1x40xi32, #tpu.memory_space<vmem>> -> memref<40xi32, #tpu.memory_space<vmem>>
        %dma_start3A_166 = arith.constant 0 : i32
        %dma_start3A_167 = arith.constant 0 : i32
        %dma_start3A_168 = tpu.memref_slice %arg2[%dma_start3A_166, %dma_start3A_167] : memref<10000x128xf32, #tpu.memory_space<hbm>> -> memref<10000x128xf32, #tpu.memory_space<hbm>>
        tpu.enqueue_indirect_dma source(%dma_start3A_168 : memref<10000x128xf32, #tpu.memory_space<hbm>>) target(%arg9 : memref<40x128xf32, #tpu.memory_space<vmem>>) offsets(%dma_start3A_165 : memref<40xi32, #tpu.memory_space<vmem>>) semaphore(%arg15 : memref<!tpu.dma_semaphore, #tpu.memory_space<semaphore_mem>>)
      } else {
      }
      %add3A_102 = arith.constant 2 : i32
      %add3A_103 = arith.addi %add3A_67, %add3A_102 : i32
      %dma_wait3A_104 = arith.constant 0 : i32
      %dma_wait3A_105 = tpu.memref_slice %arg6[%add3A_103, %dma_wait3A_104] : memref<250x40xi32, #tpu.memory_space<vmem>> -> memref<1x40xi32, #tpu.memory_space<vmem>>
      %dma_wait3A_106 = tpu.memref_squeeze %dma_wait3A_105 : memref<1x40xi32, #tpu.memory_space<vmem>> -> memref<40xi32, #tpu.memory_space<vmem>>
      %dma_wait3A_107 = arith.constant 0 : i32
      %dma_wait3A_108 = arith.constant 0 : i32
      %dma_wait3A_109 = tpu.memref_slice %arg2[%dma_wait3A_107, %dma_wait3A_108] : memref<10000x128xf32, #tpu.memory_space<hbm>> -> memref<10000x128xf32, #tpu.memory_space<hbm>>
      tpu.wait_indirect_dma semaphore(%arg16 : memref<!tpu.dma_semaphore, #tpu.memory_space<semaphore_mem>>) src(%dma_wait3A_109 : memref<10000x128xf32, #tpu.memory_space<hbm>>) dst(%arg10 : memref<40x128xf32, #tpu.memory_space<vmem>>)
      %add3A_110 = arith.constant 2 : i32
      %add3A_111 = arith.addi %add3A_67, %add3A_110 : i32
      "tpu.region"() ({
        %run_scoped3A = tpu.sem_alloc : memref<!tpu.dma_semaphore, #tpu.memory_space<semaphore_mem>>
        %dma_start3A_159 = arith.constant 0 : i32
        %dma_start3A_160 = tpu.memref_slice %arg7[%add3A_111, %dma_start3A_159] : memref<250x40xi32, #tpu.memory_space<vmem>> -> memref<1x40xi32, #tpu.memory_space<vmem>>
        %dma_start3A_161 = tpu.memref_squeeze %dma_start3A_160 : memref<1x40xi32, #tpu.memory_space<vmem>> -> memref<40xi32, #tpu.memory_space<vmem>>
        %dma_start3A_162 = arith.constant 0 : i32
        %dma_start3A_163 = arith.constant 0 : i32
        %dma_start3A_164 = tpu.memref_slice %arg13[%dma_start3A_162, %dma_start3A_163] : memref<10000x128xf32, #tpu.memory_space<vmem_shared>> -> memref<10000x128xf32, #tpu.memory_space<vmem_shared>>
        tpu.enqueue_indirect_dma source(%arg10 : memref<40x128xf32, #tpu.memory_space<vmem>>) target(%dma_start3A_164 : memref<10000x128xf32, #tpu.memory_space<vmem_shared>>) offsets(%dma_start3A_161 : memref<40xi32, #tpu.memory_space<vmem>>) semaphore(%run_scoped3A : memref<!tpu.dma_semaphore, #tpu.memory_space<semaphore_mem>>) {add = true}
        %dma_wait3A_165 = arith.constant 0 : i32
        %dma_wait3A_166 = tpu.memref_slice %arg7[%add3A_111, %dma_wait3A_165] : memref<250x40xi32, #tpu.memory_space<vmem>> -> memref<1x40xi32, #tpu.memory_space<vmem>>
        %dma_wait3A_167 = tpu.memref_squeeze %dma_wait3A_166 : memref<1x40xi32, #tpu.memory_space<vmem>> -> memref<40xi32, #tpu.memory_space<vmem>>
        %dma_wait3A_168 = arith.constant 0 : i32
        %dma_wait3A_169 = arith.constant 0 : i32
        %dma_wait3A_170 = tpu.memref_slice %arg13[%dma_wait3A_168, %dma_wait3A_169] : memref<10000x128xf32, #tpu.memory_space<vmem_shared>> -> memref<10000x128xf32, #tpu.memory_space<vmem_shared>>
        tpu.wait_indirect_dma semaphore(%run_scoped3A : memref<!tpu.dma_semaphore, #tpu.memory_space<semaphore_mem>>) src(%arg10 : memref<40x128xf32, #tpu.memory_space<vmem>>) dst(%dma_wait3A_170 : memref<10000x128xf32, #tpu.memory_space<vmem_shared>>)
        tpu.yield
      }) : () -> ()
      %add3A_112 = arith.constant 2 : i32
      %add3A_113 = arith.addi %add3A_67, %add3A_112 : i32
      %add3A_114 = arith.constant 5 : i32
      %add3A_115 = arith.addi %add3A_113, %add3A_114 : i32
      %lt3A_116 = arith.constant 250 : i32
      %lt3A_117 = arith.cmpi slt, %add3A_115, %lt3A_116 : i32
      %convert_element_type3A_118 = arith.extui %lt3A_117 : i1 to i32
      %cond3A_119 = arith.constant 0 : i32
      %cond3A_120 = arith.cmpi ne, %convert_element_type3A_118, %cond3A_119 : i32
      scf.if %cond3A_120 {
        %add3A_159 = arith.constant 2 : i32
        %add3A_160 = arith.addi %add3A_67, %add3A_159 : i32
        %add3A_161 = arith.constant 5 : i32
        %add3A_162 = arith.addi %add3A_160, %add3A_161 : i32
        %dma_start3A_163 = arith.constant 0 : i32
        %dma_start3A_164 = tpu.memref_slice %arg6[%add3A_162, %dma_start3A_163] : memref<250x40xi32, #tpu.memory_space<vmem>> -> memref<1x40xi32, #tpu.memory_space<vmem>>
        %dma_start3A_165 = tpu.memref_squeeze %dma_start3A_164 : memref<1x40xi32, #tpu.memory_space<vmem>> -> memref<40xi32, #tpu.memory_space<vmem>>
        %dma_start3A_166 = arith.constant 0 : i32
        %dma_start3A_167 = arith.constant 0 : i32
        %dma_start3A_168 = tpu.memref_slice %arg2[%dma_start3A_166, %dma_start3A_167] : memref<10000x128xf32, #tpu.memory_space<hbm>> -> memref<10000x128xf32, #tpu.memory_space<hbm>>
        tpu.enqueue_indirect_dma source(%dma_start3A_168 : memref<10000x128xf32, #tpu.memory_space<hbm>>) target(%arg10 : memref<40x128xf32, #tpu.memory_space<vmem>>) offsets(%dma_start3A_165 : memref<40xi32, #tpu.memory_space<vmem>>) semaphore(%arg16 : memref<!tpu.dma_semaphore, #tpu.memory_space<semaphore_mem>>)
      } else {
      }
      %add3A_121 = arith.constant 3 : i32
      %add3A_122 = arith.addi %add3A_67, %add3A_121 : i32
      %dma_wait3A_123 = arith.constant 0 : i32
      %dma_wait3A_124 = tpu.memref_slice %arg6[%add3A_122, %dma_wait3A_123] : memref<250x40xi32, #tpu.memory_space<vmem>> -> memref<1x40xi32, #tpu.memory_space<vmem>>
      %dma_wait3A_125 = tpu.memref_squeeze %dma_wait3A_124 : memref<1x40xi32, #tpu.memory_space<vmem>> -> memref<40xi32, #tpu.memory_space<vmem>>
      %dma_wait3A_126 = arith.constant 0 : i32
      %dma_wait3A_127 = arith.constant 0 : i32
      %dma_wait3A_128 = tpu.memref_slice %arg2[%dma_wait3A_126, %dma_wait3A_127] : memref<10000x128xf32, #tpu.memory_space<hbm>> -> memref<10000x128xf32, #tpu.memory_space<hbm>>
      tpu.wait_indirect_dma semaphore(%arg17 : memref<!tpu.dma_semaphore, #tpu.memory_space<semaphore_mem>>) src(%dma_wait3A_128 : memref<10000x128xf32, #tpu.memory_space<hbm>>) dst(%arg11 : memref<40x128xf32, #tpu.memory_space<vmem>>)
      %add3A_129 = arith.constant 3 : i32
      %add3A_130 = arith.addi %add3A_67, %add3A_129 : i32
      "tpu.region"() ({
        %run_scoped3A = tpu.sem_alloc : memref<!tpu.dma_semaphore, #tpu.memory_space<semaphore_mem>>
        %dma_start3A_159 = arith.constant 0 : i32
        %dma_start3A_160 = tpu.memref_slice %arg7[%add3A_130, %dma_start3A_159] : memref<250x40xi32, #tpu.memory_space<vmem>> -> memref<1x40xi32, #tpu.memory_space<vmem>>
        %dma_start3A_161 = tpu.memref_squeeze %dma_start3A_160 : memref<1x40xi32, #tpu.memory_space<vmem>> -> memref<40xi32, #tpu.memory_space<vmem>>
        %dma_start3A_162 = arith.constant 0 : i32
        %dma_start3A_163 = arith.constant 0 : i32
        %dma_start3A_164 = tpu.memref_slice %arg13[%dma_start3A_162, %dma_start3A_163] : memref<10000x128xf32, #tpu.memory_space<vmem_shared>> -> memref<10000x128xf32, #tpu.memory_space<vmem_shared>>
        tpu.enqueue_indirect_dma source(%arg11 : memref<40x128xf32, #tpu.memory_space<vmem>>) target(%dma_start3A_164 : memref<10000x128xf32, #tpu.memory_space<vmem_shared>>) offsets(%dma_start3A_161 : memref<40xi32, #tpu.memory_space<vmem>>) semaphore(%run_scoped3A : memref<!tpu.dma_semaphore, #tpu.memory_space<semaphore_mem>>) {add = true}
        %dma_wait3A_165 = arith.constant 0 : i32
        %dma_wait3A_166 = tpu.memref_slice %arg7[%add3A_130, %dma_wait3A_165] : memref<250x40xi32, #tpu.memory_space<vmem>> -> memref<1x40xi32, #tpu.memory_space<vmem>>
        %dma_wait3A_167 = tpu.memref_squeeze %dma_wait3A_166 : memref<1x40xi32, #tpu.memory_space<vmem>> -> memref<40xi32, #tpu.memory_space<vmem>>
        %dma_wait3A_168 = arith.constant 0 : i32
        %dma_wait3A_169 = arith.constant 0 : i32
        %dma_wait3A_170 = tpu.memref_slice %arg13[%dma_wait3A_168, %dma_wait3A_169] : memref<10000x128xf32, #tpu.memory_space<vmem_shared>> -> memref<10000x128xf32, #tpu.memory_space<vmem_shared>>
        tpu.wait_indirect_dma semaphore(%run_scoped3A : memref<!tpu.dma_semaphore, #tpu.memory_space<semaphore_mem>>) src(%arg11 : memref<40x128xf32, #tpu.memory_space<vmem>>) dst(%dma_wait3A_170 : memref<10000x128xf32, #tpu.memory_space<vmem_shared>>)
        tpu.yield
      }) : () -> ()
      %add3A_131 = arith.constant 3 : i32
      %add3A_132 = arith.addi %add3A_67, %add3A_131 : i32
      %add3A_133 = arith.constant 5 : i32
      %add3A_134 = arith.addi %add3A_132, %add3A_133 : i32
      %lt3A_135 = arith.constant 250 : i32
      %lt3A_136 = arith.cmpi slt, %add3A_134, %lt3A_135 : i32
      %convert_element_type3A_137 = arith.extui %lt3A_136 : i1 to i32
      %cond3A_138 = arith.constant 0 : i32
      %cond3A_139 = arith.cmpi ne, %convert_element_type3A_137, %cond3A_138 : i32
      scf.if %cond3A_139 {
        %add3A_159 = arith.constant 3 : i32
        %add3A_160 = arith.addi %add3A_67, %add3A_159 : i32
        %add3A_161 = arith.constant 5 : i32
        %add3A_162 = arith.addi %add3A_160, %add3A_161 : i32
        %dma_start3A_163 = arith.constant 0 : i32
        %dma_start3A_164 = tpu.memref_slice %arg6[%add3A_162, %dma_start3A_163] : memref<250x40xi32, #tpu.memory_space<vmem>> -> memref<1x40xi32, #tpu.memory_space<vmem>>
        %dma_start3A_165 = tpu.memref_squeeze %dma_start3A_164 : memref<1x40xi32, #tpu.memory_space<vmem>> -> memref<40xi32, #tpu.memory_space<vmem>>
        %dma_start3A_166 = arith.constant 0 : i32
        %dma_start3A_167 = arith.constant 0 : i32
        %dma_start3A_168 = tpu.memref_slice %arg2[%dma_start3A_166, %dma_start3A_167] : memref<10000x128xf32, #tpu.memory_space<hbm>> -> memref<10000x128xf32, #tpu.memory_space<hbm>>
        tpu.enqueue_indirect_dma source(%dma_start3A_168 : memref<10000x128xf32, #tpu.memory_space<hbm>>) target(%arg11 : memref<40x128xf32, #tpu.memory_space<vmem>>) offsets(%dma_start3A_165 : memref<40xi32, #tpu.memory_space<vmem>>) semaphore(%arg17 : memref<!tpu.dma_semaphore, #tpu.memory_space<semaphore_mem>>)
      } else {
      }
      %add3A_140 = arith.constant 4 : i32
      %add3A_141 = arith.addi %add3A_67, %add3A_140 : i32
      %dma_wait3A_142 = arith.constant 0 : i32
      %dma_wait3A_143 = tpu.memref_slice %arg6[%add3A_141, %dma_wait3A_142] : memref<250x40xi32, #tpu.memory_space<vmem>> -> memref<1x40xi32, #tpu.memory_space<vmem>>
      %dma_wait3A_144 = tpu.memref_squeeze %dma_wait3A_143 : memref<1x40xi32, #tpu.memory_space<vmem>> -> memref<40xi32, #tpu.memory_space<vmem>>
      %dma_wait3A_145 = arith.constant 0 : i32
      %dma_wait3A_146 = arith.constant 0 : i32
      %dma_wait3A_147 = tpu.memref_slice %arg2[%dma_wait3A_145, %dma_wait3A_146] : memref<10000x128xf32, #tpu.memory_space<hbm>> -> memref<10000x128xf32, #tpu.memory_space<hbm>>
      tpu.wait_indirect_dma semaphore(%arg18 : memref<!tpu.dma_semaphore, #tpu.memory_space<semaphore_mem>>) src(%dma_wait3A_147 : memref<10000x128xf32, #tpu.memory_space<hbm>>) dst(%arg12 : memref<40x128xf32, #tpu.memory_space<vmem>>)
      %add3A_148 = arith.constant 4 : i32
      %add3A_149 = arith.addi %add3A_67, %add3A_148 : i32
      "tpu.region"() ({
        %run_scoped3A = tpu.sem_alloc : memref<!tpu.dma_semaphore, #tpu.memory_space<semaphore_mem>>
        %dma_start3A_159 = arith.constant 0 : i32
        %dma_start3A_160 = tpu.memref_slice %arg7[%add3A_149, %dma_start3A_159] : memref<250x40xi32, #tpu.memory_space<vmem>> -> memref<1x40xi32, #tpu.memory_space<vmem>>
        %dma_start3A_161 = tpu.memref_squeeze %dma_start3A_160 : memref<1x40xi32, #tpu.memory_space<vmem>> -> memref<40xi32, #tpu.memory_space<vmem>>
        %dma_start3A_162 = arith.constant 0 : i32
        %dma_start3A_163 = arith.constant 0 : i32
        %dma_start3A_164 = tpu.memref_slice %arg13[%dma_start3A_162, %dma_start3A_163] : memref<10000x128xf32, #tpu.memory_space<vmem_shared>> -> memref<10000x128xf32, #tpu.memory_space<vmem_shared>>
        tpu.enqueue_indirect_dma source(%arg12 : memref<40x128xf32, #tpu.memory_space<vmem>>) target(%dma_start3A_164 : memref<10000x128xf32, #tpu.memory_space<vmem_shared>>) offsets(%dma_start3A_161 : memref<40xi32, #tpu.memory_space<vmem>>) semaphore(%run_scoped3A : memref<!tpu.dma_semaphore, #tpu.memory_space<semaphore_mem>>) {add = true}
        %dma_wait3A_165 = arith.constant 0 : i32
        %dma_wait3A_166 = tpu.memref_slice %arg7[%add3A_149, %dma_wait3A_165] : memref<250x40xi32, #tpu.memory_space<vmem>> -> memref<1x40xi32, #tpu.memory_space<vmem>>
        %dma_wait3A_167 = tpu.memref_squeeze %dma_wait3A_166 : memref<1x40xi32, #tpu.memory_space<vmem>> -> memref<40xi32, #tpu.memory_space<vmem>>
        %dma_wait3A_168 = arith.constant 0 : i32
        %dma_wait3A_169 = arith.constant 0 : i32
        %dma_wait3A_170 = tpu.memref_slice %arg13[%dma_wait3A_168, %dma_wait3A_169] : memref<10000x128xf32, #tpu.memory_space<vmem_shared>> -> memref<10000x128xf32, #tpu.memory_space<vmem_shared>>
        tpu.wait_indirect_dma semaphore(%run_scoped3A : memref<!tpu.dma_semaphore, #tpu.memory_space<semaphore_mem>>) src(%arg12 : memref<40x128xf32, #tpu.memory_space<vmem>>) dst(%dma_wait3A_170 : memref<10000x128xf32, #tpu.memory_space<vmem_shared>>)
        tpu.yield
      }) : () -> ()
      %add3A_150 = arith.constant 4 : i32
      %add3A_151 = arith.addi %add3A_67, %add3A_150 : i32
      %add3A_152 = arith.constant 5 : i32
      %add3A_153 = arith.addi %add3A_151, %add3A_152 : i32
      %lt3A_154 = arith.constant 250 : i32
      %lt3A_155 = arith.cmpi slt, %add3A_153, %lt3A_154 : i32
      %convert_element_type3A_156 = arith.extui %lt3A_155 : i1 to i32
      %cond3A_157 = arith.constant 0 : i32
      %cond3A_158 = arith.cmpi ne, %convert_element_type3A_156, %cond3A_157 : i32
      scf.if %cond3A_158 {
        %add3A_159 = arith.constant 4 : i32
        %add3A_160 = arith.addi %add3A_67, %add3A_159 : i32
        %add3A_161 = arith.constant 5 : i32
        %add3A_162 = arith.addi %add3A_160, %add3A_161 : i32
        %dma_start3A_163 = arith.constant 0 : i32
        %dma_start3A_164 = tpu.memref_slice %arg6[%add3A_162, %dma_start3A_163] : memref<250x40xi32, #tpu.memory_space<vmem>> -> memref<1x40xi32, #tpu.memory_space<vmem>>
        %dma_start3A_165 = tpu.memref_squeeze %dma_start3A_164 : memref<1x40xi32, #tpu.memory_space<vmem>> -> memref<40xi32, #tpu.memory_space<vmem>>
        %dma_start3A_166 = arith.constant 0 : i32
        %dma_start3A_167 = arith.constant 0 : i32
        %dma_start3A_168 = tpu.memref_slice %arg2[%dma_start3A_166, %dma_start3A_167] : memref<10000x128xf32, #tpu.memory_space<hbm>> -> memref<10000x128xf32, #tpu.memory_space<hbm>>
        tpu.enqueue_indirect_dma source(%dma_start3A_168 : memref<10000x128xf32, #tpu.memory_space<hbm>>) target(%arg12 : memref<40x128xf32, #tpu.memory_space<vmem>>) offsets(%dma_start3A_165 : memref<40xi32, #tpu.memory_space<vmem>>) semaphore(%arg18 : memref<!tpu.dma_semaphore, #tpu.memory_space<semaphore_mem>>)
      } else {
      }
    }
    %scan3A_57 = arith.constant 50 : i32
    %barrier3A_58 = arith.constant 0 : index
    tpu.barrier barrier_id(%barrier3A_58)
    %mul3A_59 = arith.constant 625 : i32
    %mul3A_60 = arith.muli %arg1, %mul3A_59 : i32
    %mul3A_61 = arith.constant 625 : i32
    %mul3A_62 = arith.muli %arg1, %mul3A_61 : i32
    "tpu.region"() ({
      %run_scoped3A = tpu.sem_alloc : memref<!tpu.dma_semaphore, #tpu.memory_space<semaphore_mem>>
      %dma_start3A_63 = arith.constant 0 : i32
      %dma_start3A_64 = tpu.memref_slice %arg5[%arg0, %mul3A_62, %dma_start3A_63] : memref<2x10000x128xf32, #tpu.memory_space<hbm>> -> memref<1x625x128xf32, #tpu.memory_space<hbm>>
      %dma_start3A_65 = tpu.memref_squeeze %dma_start3A_64 : memref<1x625x128xf32, #tpu.memory_space<hbm>> -> memref<625x128xf32, #tpu.memory_space<hbm>>
      %dma_start3A_66 = arith.constant 0 : i32
      %dma_start3A_67 = tpu.memref_slice %arg13[%mul3A_60, %dma_start3A_66] : memref<10000x128xf32, #tpu.memory_space<vmem_shared>> -> memref<625x128xf32, #tpu.memory_space<vmem_shared>>
      tpu.enqueue_dma source(%dma_start3A_67 : memref<625x128xf32, #tpu.memory_space<vmem_shared>>) target(%dma_start3A_65 : memref<625x128xf32, #tpu.memory_space<hbm>>) target_semaphore(%run_scoped3A : memref<!tpu.dma_semaphore, #tpu.memory_space<semaphore_mem>>)
      %dma_wait3A = arith.constant 0 : i32
      %dma_wait3A_68 = tpu.memref_slice %arg5[%arg0, %mul3A_62, %dma_wait3A] : memref<2x10000x128xf32, #tpu.memory_space<hbm>> -> memref<1x625x128xf32, #tpu.memory_space<hbm>>
      %dma_wait3A_69 = tpu.memref_squeeze %dma_wait3A_68 : memref<1x625x128xf32, #tpu.memory_space<hbm>> -> memref<625x128xf32, #tpu.memory_space<hbm>>
      %dma_wait3A_70 = arith.constant 0 : i32
      %dma_wait3A_71 = tpu.memref_slice %arg13[%mul3A_60, %dma_wait3A_70] : memref<10000x128xf32, #tpu.memory_space<vmem_shared>> -> memref<625x128xf32, #tpu.memory_space<vmem_shared>>
      tpu.wait_dma2 semaphore(%run_scoped3A : memref<!tpu.dma_semaphore, #tpu.memory_space<semaphore_mem>>) src(%dma_wait3A_71 : memref<625x128xf32, #tpu.memory_space<vmem_shared>>) dst(%dma_wait3A_69 : memref<625x128xf32, #tpu.memory_space<hbm>>)
      tpu.yield
    }) : () -> ()
    return
  }
}

module attributes {stable_mosaic.version = 14 : i64} {
  func.func @_dense_pre_body(%arg0: memref<10000x128xf32, #tpu.memory_space<vmem>>, %arg1: memref<128x128xf32, #tpu.memory_space<vmem>>, %arg2: memref<1x128xf32, #tpu.memory_space<vmem>>, %arg3: memref<128x128xf32, #tpu.memory_space<vmem>>, %arg4: memref<1x128xf32, #tpu.memory_space<vmem>>, %arg5: memref<128x128xf32, #tpu.memory_space<vmem>>, %arg6: memref<1x128xf32, #tpu.memory_space<vmem>>, %arg7: memref<1x128xf32, #tpu.memory_space<vmem>>, %arg8: memref<10000x128xf32, #tpu.memory_space<vmem>>, %arg9: memref<10000x1xf32, #tpu.memory_space<vmem>>, %arg10: memref<10000x1xf32, #tpu.memory_space<vmem>>, %arg11: memref<1x1xf32, #tpu.memory_space<vmem>>, %arg12: memref<1x1xf32, #tpu.memory_space<vmem>>) attributes {dimension_semantics = [], scalar_prefetch = 0 : i64, scratch_operands = 0 : i64, tpu.core_type = #tpu.core_type<tc>} {
    %get3A = arith.constant 0 : index
    %get3A_0 = arith.constant 0 : index
    %get3A_1 = vector.load %arg0[%get3A, %get3A_0] : memref<10000x128xf32, #tpu.memory_space<vmem>>, vector<10000x128xf32>
    %get3A_2 = arith.constant 0 : index
    %get3A_3 = arith.constant 0 : index
    %get3A_4 = vector.load %arg1[%get3A_2, %get3A_3] : memref<128x128xf32, #tpu.memory_space<vmem>>, vector<128x128xf32>
    %dot_general3A = arith.constant dense<0.000000e+00> : vector<10000x128xf32>
    %dot_general3A_5 = tpu.matmul %get3A_1, %get3A_4, %dot_general3A {dimension_numbers = #tpu.dot_dimension_numbers<[1], [0], [0], [1], [0, 0, 1, 1], [], []>, transpose_lhs_hint = false} : vector<10000x128xf32>, vector<128x128xf32>, vector<10000x128xf32> -> vector<10000x128xf32>
    %get3A_6 = arith.constant 0 : index
    %get3A_7 = arith.constant 0 : index
    %get3A_8 = vector.load %arg2[%get3A_6, %get3A_7] : memref<1x128xf32, #tpu.memory_space<vmem>>, vector<1x128xf32>
    %add3A = vector.broadcast %get3A_8 : vector<1x128xf32> to vector<10000x128xf32>
    %add3A_9 = arith.addf %dot_general3A_5, %add3A : vector<10000x128xf32>
    %max3A = arith.constant 0.000000e+00 : f32
    %max3A_10 = vector.broadcast %max3A : f32 to vector<10000x128xf32>
    %max3A_11 = arith.maximumf %add3A_9, %max3A_10 : vector<10000x128xf32>
    %swap3A = arith.constant 0 : index
    %swap3A_12 = arith.constant 0 : index
    %swap3A_13 = vector.load %arg8[%swap3A, %swap3A_12] : memref<10000x128xf32, #tpu.memory_space<vmem>>, vector<10000x128xf32>
    tpu.vector_store %arg8[%swap3A, %swap3A_12], %max3A_11 {strides = array<i32>} : memref<10000x128xf32, #tpu.memory_space<vmem>>, vector<10000x128xf32>,
    %get3A_14 = arith.constant 0 : index
    %get3A_15 = arith.constant 0 : index
    %get3A_16 = vector.load %arg3[%get3A_14, %get3A_15] : memref<128x128xf32, #tpu.memory_space<vmem>>, vector<128x128xf32>
    %dot_general3A_17 = arith.constant dense<0.000000e+00> : vector<10000x128xf32>
    %dot_general3A_18 = tpu.matmul %max3A_11, %get3A_16, %dot_general3A_17 {dimension_numbers = #tpu.dot_dimension_numbers<[1], [0], [0], [1], [0, 0, 1, 1], [], []>, transpose_lhs_hint = false} : vector<10000x128xf32>, vector<128x128xf32>, vector<10000x128xf32> -> vector<10000x128xf32>
    %get3A_19 = arith.constant 0 : index
    %get3A_20 = arith.constant 0 : index
    %get3A_21 = vector.load %arg4[%get3A_19, %get3A_20] : memref<1x128xf32, #tpu.memory_space<vmem>>, vector<1x128xf32>
    %add3A_22 = vector.broadcast %get3A_21 : vector<1x128xf32> to vector<10000x128xf32>
    %add3A_23 = arith.addf %dot_general3A_18, %add3A_22 : vector<10000x128xf32>
    %get3A_24 = arith.constant 0 : index
    %get3A_25 = arith.constant 0 : index
    %get3A_26 = vector.load %arg5[%get3A_24, %get3A_25] : memref<128x128xf32, #tpu.memory_space<vmem>>, vector<128x128xf32>
    %dot_general3A_27 = arith.constant dense<0.000000e+00> : vector<10000x128xf32>
    %dot_general3A_28 = tpu.matmul %max3A_11, %get3A_26, %dot_general3A_27 {dimension_numbers = #tpu.dot_dimension_numbers<[1], [0], [0], [1], [0, 0, 1, 1], [], []>, transpose_lhs_hint = false} : vector<10000x128xf32>, vector<128x128xf32>, vector<10000x128xf32> -> vector<10000x128xf32>
    %get3A_29 = arith.constant 0 : index
    %get3A_30 = arith.constant 0 : index
    %get3A_31 = vector.load %arg6[%get3A_29, %get3A_30] : memref<1x128xf32, #tpu.memory_space<vmem>>, vector<1x128xf32>
    %add3A_32 = vector.broadcast %get3A_31 : vector<1x128xf32> to vector<10000x128xf32>
    %add3A_33 = arith.addf %dot_general3A_28, %add3A_32 : vector<10000x128xf32>
    %get3A_34 = arith.constant 0 : index
    %get3A_35 = arith.constant 0 : index
    %get3A_36 = vector.load %arg7[%get3A_34, %get3A_35] : memref<1x128xf32, #tpu.memory_space<vmem>>, vector<1x128xf32>
    %gt3A = arith.constant 0.000000e+00 : f32
    %gt3A_37 = vector.broadcast %gt3A : f32 to vector<10000x128xf32>
    %gt3A_38 = arith.cmpf ogt, %add3A_23, %gt3A_37 : vector<10000x128xf32>
    %mul3A = arith.constant 2.000000e-01 : f32
    %mul3A_39 = vector.broadcast %mul3A : f32 to vector<10000x128xf32>
    %mul3A_40 = arith.mulf %mul3A_39, %add3A_23 : vector<10000x128xf32>
    %select_n3A = arith.select %gt3A_38, %add3A_23, %mul3A_40 : vector<10000x128xi1>, vector<10000x128xf32>
    %mul3A_41 = vector.broadcast %get3A_36 : vector<1x128xf32> to vector<10000x128xf32>
    %mul3A_42 = arith.mulf %select_n3A, %mul3A_41 : vector<10000x128xf32>
    %reduce_sum3A = arith.constant dense<0.000000e+00> : vector<10000xf32>
    %reduce_sum3A_43 = vector.multi_reduction <add>, %mul3A_42, %reduce_sum3A [1] : vector<10000x128xf32> to vector<10000xf32>
    %broadcast_in_dim3A = vector.shape_cast %reduce_sum3A_43 : vector<10000xf32> to vector<10000x1xf32>
    %gt3A_44 = arith.constant 0.000000e+00 : f32
    %gt3A_45 = vector.broadcast %gt3A_44 : f32 to vector<10000x128xf32>
    %gt3A_46 = arith.cmpf ogt, %add3A_33, %gt3A_45 : vector<10000x128xf32>
    %mul3A_47 = arith.constant 2.000000e-01 : f32
    %mul3A_48 = vector.broadcast %mul3A_47 : f32 to vector<10000x128xf32>
    %mul3A_49 = arith.mulf %mul3A_48, %add3A_33 : vector<10000x128xf32>
    %select_n3A_50 = arith.select %gt3A_46, %add3A_33, %mul3A_49 : vector<10000x128xi1>, vector<10000x128xf32>
    %mul3A_51 = vector.broadcast %get3A_36 : vector<1x128xf32> to vector<10000x128xf32>
    %mul3A_52 = arith.mulf %select_n3A_50, %mul3A_51 : vector<10000x128xf32>
    %reduce_sum3A_53 = arith.constant dense<0.000000e+00> : vector<10000xf32>
    %reduce_sum3A_54 = vector.multi_reduction <add>, %mul3A_52, %reduce_sum3A_53 [1] : vector<10000x128xf32> to vector<10000xf32>
    %broadcast_in_dim3A_55 = vector.shape_cast %reduce_sum3A_54 : vector<10000xf32> to vector<10000x1xf32>
    %swap3A_56 = arith.constant 0 : index
    %swap3A_57 = arith.constant 0 : index
    %swap3A_58 = vector.load %arg9[%swap3A_56, %swap3A_57] : memref<10000x1xf32, #tpu.memory_space<vmem>>, vector<10000x1xf32>
    tpu.vector_store %arg9[%swap3A_56, %swap3A_57], %broadcast_in_dim3A {strides = array<i32>} : memref<10000x1xf32, #tpu.memory_space<vmem>>, vector<10000x1xf32>,
    %swap3A_59 = arith.constant 0 : index
    %swap3A_60 = arith.constant 0 : index
    %swap3A_61 = vector.load %arg10[%swap3A_59, %swap3A_60] : memref<10000x1xf32, #tpu.memory_space<vmem>>, vector<10000x1xf32>
    tpu.vector_store %arg10[%swap3A_59, %swap3A_60], %broadcast_in_dim3A_55 {strides = array<i32>} : memref<10000x1xf32, #tpu.memory_space<vmem>>, vector<10000x1xf32>,
    %reduce_max3A = vector.shape_cast %broadcast_in_dim3A_55 : vector<10000x1xf32> to vector<1x10000x1xf32>
    %reduce_max3A_62 = arith.constant dense<0xFF800000> : vector<1xf32>
    %reduce_max3A_63 = vector.multi_reduction <maximumf>, %reduce_max3A, %reduce_max3A_62 [1, 2] : vector<1x10000x1xf32> to vector<1xf32>
    %reduce_max3A_64 = vector.shape_cast %reduce_max3A_63 : vector<1xf32> to vector<1x1x1xf32>
    %reduce_max3A_65 = vector.extract %reduce_max3A_64[0, 0, 0] : f32 from vector<1x1x1xf32>
    %reshape3A = vector.broadcast %reduce_max3A_65 : f32 to vector<1x1xf32>
    %swap3A_66 = arith.constant 0 : index
    %swap3A_67 = arith.constant 0 : index
    %swap3A_68 = vector.load %arg11[%swap3A_66, %swap3A_67] : memref<1x1xf32, #tpu.memory_space<vmem>>, vector<1x1xf32>
    tpu.vector_store %arg11[%swap3A_66, %swap3A_67], %reshape3A {strides = array<i32>} : memref<1x1xf32, #tpu.memory_space<vmem>>, vector<1x1xf32>,
    %reduce_max3A_69 = vector.shape_cast %broadcast_in_dim3A : vector<10000x1xf32> to vector<1x10000x1xf32>
    %reduce_max3A_70 = arith.constant dense<0xFF800000> : vector<1xf32>
    %reduce_max3A_71 = vector.multi_reduction <maximumf>, %reduce_max3A_69, %reduce_max3A_70 [1, 2] : vector<1x10000x1xf32> to vector<1xf32>
    %reduce_max3A_72 = vector.shape_cast %reduce_max3A_71 : vector<1xf32> to vector<1x1x1xf32>
    %reduce_max3A_73 = vector.extract %reduce_max3A_72[0, 0, 0] : f32 from vector<1x1x1xf32>
    %reshape3A_74 = vector.broadcast %reduce_max3A_73 : f32 to vector<1x1xf32>
    %swap3A_75 = arith.constant 0 : index
    %swap3A_76 = arith.constant 0 : index
    %swap3A_77 = vector.load %arg12[%swap3A_75, %swap3A_76] : memref<1x1xf32, #tpu.memory_space<vmem>>, vector<1x1xf32>
    tpu.vector_store %arg12[%swap3A_75, %swap3A_76], %reshape3A_74 {strides = array<i32>} : memref<1x1xf32, #tpu.memory_space<vmem>>, vector<1x1xf32>,
    return
  }
}

module attributes {stable_mosaic.version = 14 : i64} {
  func.func @_prep_body(%arg0: memref<2x10000x1xf32, #tpu.memory_space<vmem>>, %arg1: memref<10000x1xf32, #tpu.memory_space<vmem>>, %arg2: memref<10000x1xf32, #tpu.memory_space<vmem>>, %arg3: memref<1x1xf32, #tpu.memory_space<vmem>>, %arg4: memref<1x1xf32, #tpu.memory_space<vmem>>, %arg5: memref<10000x128xf32, #tpu.memory_space<vmem>>, %arg6: memref<10000x1xf32, #tpu.memory_space<vmem>>, %arg7: memref<10000x1xf32, #tpu.memory_space<vmem>>, %arg8: memref<10000x128xf32, #tpu.memory_space<vmem>>) attributes {dimension_semantics = [], scalar_prefetch = 0 : i64, scratch_operands = 0 : i64, tpu.core_type = #tpu.core_type<tc>} {
    %get3A = arith.constant 0 : index
    %get3A_0 = arith.constant 0 : index
    %get3A_1 = vector.load %arg3[%get3A, %get3A_0] : memref<1x1xf32, #tpu.memory_space<vmem>>, vector<1x1xf32>
    %get3A_2 = arith.constant 0 : index
    %get3A_3 = arith.constant 0 : index
    %get3A_4 = vector.load %arg4[%get3A_2, %get3A_3] : memref<1x1xf32, #tpu.memory_space<vmem>>, vector<1x1xf32>
    %get3A_5 = arith.constant 0 : index
    %get3A_6 = arith.constant 0 : index
    %get3A_7 = arith.constant 0 : index
    %get3A_8 = vector.load %arg0[%get3A_5, %get3A_6, %get3A_7] : memref<2x10000x1xf32, #tpu.memory_space<vmem>>, vector<1x10000x1xf32>
    %get3A_9 = vector.shape_cast %get3A_8 : vector<1x10000x1xf32> to vector<10000x1xf32>
    %get3A_10 = arith.constant 1 : index
    %get3A_11 = arith.constant 0 : index
    %get3A_12 = arith.constant 0 : index
    %get3A_13 = vector.load %arg0[%get3A_10, %get3A_11, %get3A_12] : memref<2x10000x1xf32, #tpu.memory_space<vmem>>, vector<1x10000x1xf32>
    %get3A_14 = vector.shape_cast %get3A_13 : vector<1x10000x1xf32> to vector<10000x1xf32>
    %add3A = arith.addf %get3A_9, %get3A_14 : vector<10000x1xf32>
    %get3A_15 = arith.constant 0 : index
    %get3A_16 = arith.constant 0 : index
    %get3A_17 = vector.load %arg1[%get3A_15, %get3A_16] : memref<10000x1xf32, #tpu.memory_space<vmem>>, vector<10000x1xf32>
    %sub3A = vector.broadcast %get3A_4 : vector<1x1xf32> to vector<10000x1xf32>
    %sub3A_18 = arith.subf %get3A_17, %sub3A : vector<10000x1xf32>
    %exp3A = math.exp %sub3A_18 : vector<10000x1xf32>
    %mul3A = arith.mulf %exp3A, %add3A : vector<10000x1xf32>
    %add3A_19 = arith.constant 1.000000e-16 : f32
    %add3A_20 = vector.broadcast %add3A_19 : f32 to vector<10000x1xf32>
    %add3A_21 = arith.addf %mul3A, %add3A_20 : vector<10000x1xf32>
    %div3A = arith.divf %exp3A, %add3A_21 : vector<10000x1xf32>
    %get3A_22 = arith.constant 0 : index
    %get3A_23 = arith.constant 0 : index
    %get3A_24 = vector.load %arg2[%get3A_22, %get3A_23] : memref<10000x1xf32, #tpu.memory_space<vmem>>, vector<10000x1xf32>
    %sub3A_25 = vector.broadcast %get3A_1 : vector<1x1xf32> to vector<10000x1xf32>
    %sub3A_26 = arith.subf %get3A_24, %sub3A_25 : vector<10000x1xf32>
    %exp3A_27 = math.exp %sub3A_26 : vector<10000x1xf32>
    %swap3A = arith.constant 0 : index
    %swap3A_28 = arith.constant 0 : index
    %swap3A_29 = vector.load %arg6[%swap3A, %swap3A_28] : memref<10000x1xf32, #tpu.memory_space<vmem>>, vector<10000x1xf32>
    tpu.vector_store %arg6[%swap3A, %swap3A_28], %exp3A_27 {strides = array<i32>} : memref<10000x1xf32, #tpu.memory_space<vmem>>, vector<10000x1xf32>,
    %swap3A_30 = arith.constant 0 : index
    %swap3A_31 = arith.constant 0 : index
    %swap3A_32 = vector.load %arg7[%swap3A_30, %swap3A_31] : memref<10000x1xf32, #tpu.memory_space<vmem>>, vector<10000x1xf32>
    tpu.vector_store %arg7[%swap3A_30, %swap3A_31], %div3A {strides = array<i32>} : memref<10000x1xf32, #tpu.memory_space<vmem>>, vector<10000x1xf32>,
    %get3A_33 = arith.constant 0 : index
    %get3A_34 = arith.constant 0 : index
    %get3A_35 = vector.load %arg5[%get3A_33, %get3A_34] : memref<10000x128xf32, #tpu.memory_space<vmem>>, vector<10000x128xf32>
    %mul3A_36 = vector.broadcast %div3A : vector<10000x1xf32> to vector<10000x128xf32>
    %mul3A_37 = arith.mulf %mul3A_36, %get3A_35 : vector<10000x128xf32>
    %swap3A_38 = arith.constant 0 : index
    %swap3A_39 = arith.constant 0 : index
    %swap3A_40 = vector.load %arg8[%swap3A_38, %swap3A_39] : memref<10000x128xf32, #tpu.memory_space<vmem>>, vector<10000x128xf32>
    tpu.vector_store %arg8[%swap3A_38, %swap3A_39], %mul3A_37 {strides = array<i32>} : memref<10000x128xf32, #tpu.memory_space<vmem>>, vector<10000x128xf32>,
    return
  }
}

module attributes {stable_mosaic.version = 14 : i64} {
  func.func @body(%arg0: memref<2x10000x128xf32, #tpu.memory_space<vmem>>, %arg1: memref<10000x128xf32, #tpu.memory_space<vmem>>, %arg2: memref<10000x1xf32, #tpu.memory_space<vmem>>, %arg3: memref<10000x1xf32, #tpu.memory_space<vmem>>, %arg4: memref<128x128xf32, #tpu.memory_space<vmem>>, %arg5: memref<10000x128xf32, #tpu.memory_space<vmem>>) attributes {dimension_semantics = [], scalar_prefetch = 0 : i64, scratch_operands = 0 : i64, tpu.core_type = #tpu.core_type<tc>} {
    %get3A = arith.constant 0 : index
    %get3A_0 = arith.constant 0 : index
    %get3A_1 = vector.load %arg2[%get3A, %get3A_0] : memref<10000x1xf32, #tpu.memory_space<vmem>>, vector<10000x1xf32>
    %get3A_2 = arith.constant 0 : index
    %get3A_3 = arith.constant 0 : index
    %get3A_4 = arith.constant 0 : index
    %get3A_5 = vector.load %arg0[%get3A_2, %get3A_3, %get3A_4] : memref<2x10000x128xf32, #tpu.memory_space<vmem>>, vector<1x10000x128xf32>
    %get3A_6 = vector.shape_cast %get3A_5 : vector<1x10000x128xf32> to vector<10000x128xf32>
    %get3A_7 = arith.constant 1 : index
    %get3A_8 = arith.constant 0 : index
    %get3A_9 = arith.constant 0 : index
    %get3A_10 = vector.load %arg0[%get3A_7, %get3A_8, %get3A_9] : memref<2x10000x128xf32, #tpu.memory_space<vmem>>, vector<1x10000x128xf32>
    %get3A_11 = vector.shape_cast %get3A_10 : vector<1x10000x128xf32> to vector<10000x128xf32>
    %add3A = arith.addf %get3A_6, %get3A_11 : vector<10000x128xf32>
    %mul3A = vector.broadcast %get3A_1 : vector<10000x1xf32> to vector<10000x128xf32>
    %mul3A_12 = arith.mulf %mul3A, %add3A : vector<10000x128xf32>
    %mul3A_13 = arith.constant 0.899999976 : f32
    %mul3A_14 = vector.broadcast %mul3A_13 : f32 to vector<10000x128xf32>
    %mul3A_15 = arith.mulf %mul3A_14, %mul3A_12 : vector<10000x128xf32>
    %get3A_16 = arith.constant 0 : index
    %get3A_17 = arith.constant 0 : index
    %get3A_18 = vector.load %arg1[%get3A_16, %get3A_17] : memref<10000x128xf32, #tpu.memory_space<vmem>>, vector<10000x128xf32>
    %mul3A_19 = arith.constant 1.000000e-01 : f32
    %mul3A_20 = vector.broadcast %mul3A_19 : f32 to vector<10000x128xf32>
    %mul3A_21 = arith.mulf %mul3A_20, %get3A_18 : vector<10000x128xf32>
    %add3A_22 = arith.addf %mul3A_15, %mul3A_21 : vector<10000x128xf32>
    %get3A_23 = arith.constant 0 : index
    %get3A_24 = arith.constant 0 : index
    %get3A_25 = vector.load %arg4[%get3A_23, %get3A_24] : memref<128x128xf32, #tpu.memory_space<vmem>>, vector<128x128xf32>
    %dot_general3A = arith.constant dense<0.000000e+00> : vector<10000x128xf32>
    %dot_general3A_26 = tpu.matmul %add3A_22, %get3A_25, %dot_general3A {dimension_numbers = #tpu.dot_dimension_numbers<[1], [0], [0], [1], [0, 0, 1, 1], [], []>, transpose_lhs_hint = false} : vector<10000x128xf32>, vector<128x128xf32>, vector<10000x128xf32> -> vector<10000x128xf32>
    %mul3A_27 = arith.constant 0.405465096 : f32
    %mul3A_28 = vector.broadcast %mul3A_27 : f32 to vector<10000x128xf32>
    %mul3A_29 = arith.mulf %mul3A_28, %dot_general3A_26 : vector<10000x128xf32>
    %mul3A_30 = arith.constant 0.594534874 : f32
    %mul3A_31 = vector.broadcast %mul3A_30 : f32 to vector<10000x128xf32>
    %mul3A_32 = arith.mulf %mul3A_31, %add3A_22 : vector<10000x128xf32>
    %add3A_33 = arith.addf %mul3A_29, %mul3A_32 : vector<10000x128xf32>
    %get3A_34 = arith.constant 0 : index
    %get3A_35 = arith.constant 0 : index
    %get3A_36 = vector.load %arg3[%get3A_34, %get3A_35] : memref<10000x1xf32, #tpu.memory_space<vmem>>, vector<10000x1xf32>
    %max3A = arith.constant 0.000000e+00 : f32
    %max3A_37 = vector.broadcast %max3A : f32 to vector<10000x128xf32>
    %max3A_38 = arith.maximumf %add3A_33, %max3A_37 : vector<10000x128xf32>
    %mul3A_39 = vector.broadcast %get3A_36 : vector<10000x1xf32> to vector<10000x128xf32>
    %mul3A_40 = arith.mulf %mul3A_39, %max3A_38 : vector<10000x128xf32>
    %swap3A = arith.constant 0 : index
    %swap3A_41 = arith.constant 0 : index
    %swap3A_42 = vector.load %arg5[%swap3A, %swap3A_41] : memref<10000x128xf32, #tpu.memory_space<vmem>>, vector<10000x128xf32>
    tpu.vector_store %arg5[%swap3A, %swap3A_41], %mul3A_40 {strides = array<i32>} : memref<10000x128xf32, #tpu.memory_space<vmem>>, vector<10000x128xf32>,
    return
  }
}

module attributes {stable_mosaic.version = 14 : i64} {
  func.func @_topk_body(%arg0: memref<71x128xf32, #tpu.memory_space<vmem>>, %arg1: memref<9000xi32, #tpu.memory_space<smem>>, %arg2: memref<128xi32, #tpu.memory_space<smem>>, %arg3: memref<71x128xf32, #tpu.memory_space<vmem>>) attributes {dimension_semantics = [], scalar_prefetch = 0 : i64, scratch_operands = 1 : i64, tpu.core_type = #tpu.core_type<tc>} {
    %get3A = arith.constant 0 : index
    %get3A_0 = arith.constant 0 : index
    %get3A_1 = vector.load %arg0[%get3A, %get3A_0] : memref<71x128xf32, #tpu.memory_space<vmem>>, vector<71x128xf32>
    %swap3A = arith.constant 0 : index
    %swap3A_2 = arith.constant 0 : index
    %swap3A_3 = vector.load %arg3[%swap3A, %swap3A_2] : memref<71x128xf32, #tpu.memory_space<vmem>>, vector<71x128xf32>
    tpu.vector_store %arg3[%swap3A, %swap3A_2], %get3A_1 {strides = array<i32>} : memref<71x128xf32, #tpu.memory_space<vmem>>, vector<71x128xf32>,
    %iota3A = tpu.iota {dimensions = array<i32: 0>} : vector<71x128xi32>
    %iota3A_4 = tpu.iota {dimensions = array<i32: 1>} : vector<71x128xi32>
    %mul3A = arith.constant 128 : i32
    %mul3A_5 = vector.broadcast %mul3A : i32 to vector<71x128xi32>
    %mul3A_6 = arith.muli %iota3A, %mul3A_5 : vector<71x128xi32>
    %add3A = arith.addi %mul3A_6, %iota3A_4 : vector<71x128xi32>
    %scan3A = arith.constant 0 : i32
    %scan3A_7 = arith.constant 128 : i32
    %scan3A_8 = arith.addi %scan3A, %scan3A_7 : i32
    %scan3A_9 = arith.constant 1 : i32
    scf.for %scan3A_11 = %scan3A to %scan3A_8 step %scan3A_9  : i32 {
      %get3A_12 = arith.constant 0 : index
      %get3A_13 = arith.constant 0 : index
      %get3A_14 = vector.load %arg3[%get3A_12, %get3A_13] : memref<71x128xf32, #tpu.memory_space<vmem>>, vector<71x128xf32>
      %reduce_max3A = vector.shape_cast %get3A_14 : vector<71x128xf32> to vector<1x71x128xf32>
      %reduce_max3A_15 = arith.constant dense<0xFF800000> : vector<1xf32>
      %reduce_max3A_16 = vector.multi_reduction <maximumf>, %reduce_max3A, %reduce_max3A_15 [1, 2] : vector<1x71x128xf32> to vector<1xf32>
      %reduce_max3A_17 = vector.shape_cast %reduce_max3A_16 : vector<1xf32> to vector<1x1x1xf32>
      %reduce_max3A_18 = vector.extract %reduce_max3A_17[0, 0, 0] : f32 from vector<1x1x1xf32>
      %eq3A = vector.broadcast %reduce_max3A_18 : f32 to vector<71x128xf32>
      %eq3A_19 = arith.cmpf oeq, %get3A_14, %eq3A : vector<71x128xf32>
      %jit3A = arith.constant 1073741824 : i32
      %broadcast_in_dim3A = vector.broadcast %jit3A : i32 to vector<71x128xi32>
      %select_n3A = arith.select %eq3A_19, %add3A, %broadcast_in_dim3A : vector<71x128xi1>, vector<71x128xi32>
      %reduce_min3A = vector.shape_cast %select_n3A : vector<71x128xi32> to vector<1x71x128xi32>
      %reduce_min3A_20 = arith.constant dense<2147483647> : vector<1xi32>
      %reduce_min3A_21 = vector.multi_reduction <minsi>, %reduce_min3A, %reduce_min3A_20 [1, 2] : vector<1x71x128xi32> to vector<1xi32>
      %reduce_min3A_22 = vector.shape_cast %reduce_min3A_21 : vector<1xi32> to vector<1x1x1xi32>
      %reduce_min3A_23 = vector.extract %reduce_min3A_22[0, 0, 0] : i32 from vector<1x1x1xi32>
      %get3A_24 = arith.index_cast %reduce_min3A_23 : i32 to index
      %get3A_25 = memref.load %arg1[%get3A_24] : memref<9000xi32, #tpu.memory_space<smem>>
      %swap3A_26 = arith.index_cast %scan3A_11 : i32 to index
      %swap3A_27 = memref.load %arg2[%swap3A_26] : memref<128xi32, #tpu.memory_space<smem>>
      memref.store %get3A_25, %arg2[%swap3A_26] : memref<128xi32, #tpu.memory_space<smem>>
      %eq3A_28 = vector.broadcast %reduce_min3A_23 : i32 to vector<71x128xi32>
      %eq3A_29 = arith.cmpi eq, %add3A, %eq3A_28 : vector<71x128xi32>
      %jit3A_30 = arith.constant 0xFF800000 : f32
      %broadcast_in_dim3A_31 = vector.broadcast %jit3A_30 : f32 to vector<71x128xf32>
      %select_n3A_32 = arith.select %eq3A_29, %broadcast_in_dim3A_31, %get3A_14 : vector<71x128xi1>, vector<71x128xf32>
      %swap3A_33 = arith.constant 0 : index
      %swap3A_34 = arith.constant 0 : index
      %swap3A_35 = vector.load %arg3[%swap3A_33, %swap3A_34] : memref<71x128xf32, #tpu.memory_space<vmem>>, vector<71x128xf32>
      tpu.vector_store %arg3[%swap3A_33, %swap3A_34], %select_n3A_32 {strides = array<i32>} : memref<71x128xf32, #tpu.memory_space<vmem>>, vector<71x128xf32>,
    }
    %scan3A_10 = arith.constant 128 : i32
    return
  }
}

module attributes {stable_mosaic.version = 14 : i64} {
  func.func @body(%arg0: memref<2x10000x128xf32, #tpu.memory_space<vmem>>, %arg1: memref<10000x128xf32, #tpu.memory_space<vmem>>, %arg2: memref<10000x1xf32, #tpu.memory_space<vmem>>, %arg3: memref<128xi32, #tpu.memory_space<smem>>, %arg4: memref<128x128xf32, #tpu.memory_space<vmem>>, %arg5: memref<384x128xf32, #tpu.memory_space<vmem>>, %arg6: memref<384x128xf32, #tpu.memory_space<vmem>>, %arg7: memref<1x384xf32, #tpu.memory_space<vmem>>, %arg8: memref<1x384xf32, #tpu.memory_space<vmem>>, %arg9: memref<128x128xf32, #tpu.memory_space<vmem>>, %arg10: memref<10000x128xf32, #tpu.memory_space<vmem>>, %arg11: memref<128x128xf32, #tpu.memory_space<vmem>>, %arg12: memref<128x384xf32, #tpu.memory_space<vmem>>) attributes {dimension_semantics = [], scalar_prefetch = 0 : i64, scratch_operands = 3 : i64, tpu.core_type = #tpu.core_type<tc>} {
    %get3A = arith.constant 0 : index
    %get3A_0 = arith.constant 0 : index
    %get3A_1 = vector.load %arg2[%get3A, %get3A_0] : memref<10000x1xf32, #tpu.memory_space<vmem>>, vector<10000x1xf32>
    %get3A_2 = arith.constant 0 : index
    %get3A_3 = arith.constant 0 : index
    %get3A_4 = arith.constant 0 : index
    %get3A_5 = vector.load %arg0[%get3A_2, %get3A_3, %get3A_4] : memref<2x10000x128xf32, #tpu.memory_space<vmem>>, vector<1x10000x128xf32>
    %get3A_6 = vector.shape_cast %get3A_5 : vector<1x10000x128xf32> to vector<10000x128xf32>
    %get3A_7 = arith.constant 1 : index
    %get3A_8 = arith.constant 0 : index
    %get3A_9 = arith.constant 0 : index
    %get3A_10 = vector.load %arg0[%get3A_7, %get3A_8, %get3A_9] : memref<2x10000x128xf32, #tpu.memory_space<vmem>>, vector<1x10000x128xf32>
    %get3A_11 = vector.shape_cast %get3A_10 : vector<1x10000x128xf32> to vector<10000x128xf32>
    %add3A = arith.addf %get3A_6, %get3A_11 : vector<10000x128xf32>
    %mul3A = vector.broadcast %get3A_1 : vector<10000x1xf32> to vector<10000x128xf32>
    %mul3A_12 = arith.mulf %mul3A, %add3A : vector<10000x128xf32>
    %mul3A_13 = arith.constant 0.899999976 : f32
    %mul3A_14 = vector.broadcast %mul3A_13 : f32 to vector<10000x128xf32>
    %mul3A_15 = arith.mulf %mul3A_14, %mul3A_12 : vector<10000x128xf32>
    %get3A_16 = arith.constant 0 : index
    %get3A_17 = arith.constant 0 : index
    %get3A_18 = vector.load %arg1[%get3A_16, %get3A_17] : memref<10000x128xf32, #tpu.memory_space<vmem>>, vector<10000x128xf32>
    %mul3A_19 = arith.constant 1.000000e-01 : f32
    %mul3A_20 = vector.broadcast %mul3A_19 : f32 to vector<10000x128xf32>
    %mul3A_21 = arith.mulf %mul3A_20, %get3A_18 : vector<10000x128xf32>
    %add3A_22 = arith.addf %mul3A_15, %mul3A_21 : vector<10000x128xf32>
    %get3A_23 = arith.constant 0 : index
    %get3A_24 = arith.constant 0 : index
    %get3A_25 = vector.load %arg4[%get3A_23, %get3A_24] : memref<128x128xf32, #tpu.memory_space<vmem>>, vector<128x128xf32>
    %dot_general3A = arith.constant dense<0.000000e+00> : vector<10000x128xf32>
    %dot_general3A_26 = tpu.matmul %add3A_22, %get3A_25, %dot_general3A {dimension_numbers = #tpu.dot_dimension_numbers<[1], [0], [0], [1], [0, 0, 1, 1], [], []>, transpose_lhs_hint = false} : vector<10000x128xf32>, vector<128x128xf32>, vector<10000x128xf32> -> vector<10000x128xf32>
    %mul3A_27 = arith.constant 0.223143548 : f32
    %mul3A_28 = vector.broadcast %mul3A_27 : f32 to vector<10000x128xf32>
    %mul3A_29 = arith.mulf %mul3A_28, %dot_general3A_26 : vector<10000x128xf32>
    %mul3A_30 = arith.constant 0.776856422 : f32
    %mul3A_31 = vector.broadcast %mul3A_30 : f32 to vector<10000x128xf32>
    %mul3A_32 = arith.mulf %mul3A_31, %add3A_22 : vector<10000x128xf32>
    %add3A_33 = arith.addf %mul3A_29, %mul3A_32 : vector<10000x128xf32>
    %max3A = arith.constant 0.000000e+00 : f32
    %max3A_34 = vector.broadcast %max3A : f32 to vector<10000x128xf32>
    %max3A_35 = arith.maximumf %add3A_33, %max3A_34 : vector<10000x128xf32>
    %swap3A = arith.constant 0 : index
    %swap3A_36 = arith.constant 0 : index
    %swap3A_37 = vector.load %arg10[%swap3A, %swap3A_36] : memref<10000x128xf32, #tpu.memory_space<vmem>>, vector<10000x128xf32>
    tpu.vector_store %arg10[%swap3A, %swap3A_36], %max3A_35 {strides = array<i32>} : memref<10000x128xf32, #tpu.memory_space<vmem>>, vector<10000x128xf32>,
    %scan3A = arith.constant 0 : i32
    %scan3A_38 = arith.constant 128 : i32
    %scan3A_39 = arith.addi %scan3A, %scan3A_38 : i32
    %scan3A_40 = arith.constant 1 : i32
    scf.for %scan3A_65 = %scan3A to %scan3A_39 step %scan3A_40  : i32 {
      %get3A_66 = arith.index_cast %scan3A_65 : i32 to index
      %get3A_67 = memref.load %arg3[%get3A_66] : memref<128xi32, #tpu.memory_space<smem>>
      %get3A_68 = arith.index_cast %get3A_67 : i32 to index
      %get3A_69 = arith.constant 0 : index
      %get3A_70 = vector.load %arg10[%get3A_68, %get3A_69] : memref<10000x128xf32, #tpu.memory_space<vmem>>, vector<1x128xf32>
      %swap3A_71 = arith.index_cast %scan3A_65 : i32 to index
      %swap3A_72 = arith.constant 0 : index
      %swap3A_73 = vector.load %arg11[%swap3A_71, %swap3A_72] : memref<128x128xf32, #tpu.memory_space<vmem>>, vector<1x128xf32>
      tpu.vector_store %arg11[%swap3A_71, %swap3A_72], %get3A_70 {strides = array<i32>} : memref<128x128xf32, #tpu.memory_space<vmem>>, vector<1x128xf32>,
    }
    %scan3A_41 = arith.constant 128 : i32
    %get3A_42 = arith.constant 0 : index
    %get3A_43 = arith.constant 0 : index
    %get3A_44 = vector.load %arg11[%get3A_42, %get3A_43] : memref<128x128xf32, #tpu.memory_space<vmem>>, vector<128x128xf32>
    %get3A_45 = arith.constant 0 : index
    %get3A_46 = arith.constant 0 : index
    %get3A_47 = vector.load %arg5[%get3A_45, %get3A_46] : memref<384x128xf32, #tpu.memory_space<vmem>>, vector<384x128xf32>
    %dot_general3A_48 = arith.constant dense<0.000000e+00> : vector<128x384xf32>
    %dot_general3A_49 = tpu.matmul %get3A_44, %get3A_47, %dot_general3A_48 {dimension_numbers = #tpu.dot_dimension_numbers<[1], [1], [0], [0], [0, 0, 1, 0], [], []>, transpose_lhs_hint = false} : vector<128x128xf32>, vector<384x128xf32>, vector<128x384xf32> -> vector<128x384xf32>
    %get3A_50 = arith.constant 0 : index
    %get3A_51 = arith.constant 0 : index
    %get3A_52 = vector.load %arg7[%get3A_50, %get3A_51] : memref<1x384xf32, #tpu.memory_space<vmem>>, vector<1x384xf32>
    %add3A_53 = vector.broadcast %get3A_52 : vector<1x384xf32> to vector<128x384xf32>
    %add3A_54 = arith.addf %dot_general3A_49, %add3A_53 : vector<128x384xf32>
    %swap3A_55 = arith.constant 0 : index
    %swap3A_56 = arith.constant 0 : index
    %swap3A_57 = vector.load %arg12[%swap3A_55, %swap3A_56] : memref<128x384xf32, #tpu.memory_space<vmem>>, vector<128x384xf32>
    tpu.vector_store %arg12[%swap3A_55, %swap3A_56], %add3A_54 {strides = array<i32>} : memref<128x384xf32, #tpu.memory_space<vmem>>, vector<128x384xf32>,
    %broadcast_in_dim3A = arith.constant 0.000000e+00 : f32
    %broadcast_in_dim3A_58 = vector.broadcast %broadcast_in_dim3A : f32 to vector<1x128xf32>
    %scan3A_59 = arith.constant 0 : i32
    %scan3A_60 = arith.constant 128 : i32
    %scan3A_61 = arith.addi %scan3A_59, %scan3A_60 : i32
    %scan3A_62 = arith.constant 1 : i32
    %scan3A_63 = scf.for %scan3A_65 = %scan3A_59 to %scan3A_61 step %scan3A_62 iter_args(%scan3A_66 = %broadcast_in_dim3A_58) -> (vector<1x128xf32>)  : i32 {
      %get3A_67 = arith.constant 0 : index
      %get3A_68 = arith.constant 0 : index
      %get3A_69 = vector.load %arg6[%get3A_67, %get3A_68] : memref<384x128xf32, #tpu.memory_space<vmem>>, vector<384x128xf32>
      %dot_general3A_70 = arith.constant dense<0.000000e+00> : vector<1x384xf32>
      %dot_general3A_71 = tpu.matmul %scan3A_66, %get3A_69, %dot_general3A_70 {dimension_numbers = #tpu.dot_dimension_numbers<[1], [1], [0], [0], [0, 0, 1, 0], [], []>, transpose_lhs_hint = false} : vector<1x128xf32>, vector<384x128xf32>, vector<1x384xf32> -> vector<1x384xf32>
      %get3A_72 = arith.constant 0 : index
      %get3A_73 = arith.constant 0 : index
      %get3A_74 = vector.load %arg8[%get3A_72, %get3A_73] : memref<1x384xf32, #tpu.memory_space<vmem>>, vector<1x384xf32>
      %add3A_75 = arith.addf %dot_general3A_71, %get3A_74 : vector<1x384xf32>
      %get3A_76 = arith.index_cast %scan3A_65 : i32 to index
      %get3A_77 = arith.constant 0 : index
      %get3A_78 = vector.load %arg12[%get3A_76, %get3A_77] : memref<128x384xf32, #tpu.memory_space<vmem>>, vector<1x384xf32>
      %slice3A = vector.extract_strided_slice %get3A_78 {offsets = [0, 0], sizes = [1, 128], strides = [1, 1]} : vector<1x384xf32> to vector<1x128xf32>
      %slice3A_79 = vector.extract_strided_slice %add3A_75 {offsets = [0, 0], sizes = [1, 128], strides = [1, 1]} : vector<1x384xf32> to vector<1x128xf32>
      %add3A_80 = arith.addf %slice3A, %slice3A_79 : vector<1x128xf32>
      %logistic3A = arith.negf %add3A_80 : vector<1x128xf32>
      %logistic3A_81 = math.exp %logistic3A : vector<1x128xf32>
      %logistic3A_82 = arith.constant 1.000000e+00 : f32
      %logistic3A_83 = vector.broadcast %logistic3A_82 : f32 to vector<1x128xf32>
      %logistic3A_84 = arith.addf %logistic3A_83, %logistic3A_81 : vector<1x128xf32>
      %logistic3A_85 = arith.divf %logistic3A_83, %logistic3A_84 : vector<1x128xf32>
      %slice3A_86 = vector.extract_strided_slice %get3A_78 {offsets = [0, 128], sizes = [1, 128], strides = [1, 1]} : vector<1x384xf32> to vector<1x128xf32>
      %slice3A_87 = vector.extract_strided_slice %add3A_75 {offsets = [0, 128], sizes = [1, 128], strides = [1, 1]} : vector<1x384xf32> to vector<1x128xf32>
      %add3A_88 = arith.addf %slice3A_86, %slice3A_87 : vector<1x128xf32>
      %logistic3A_89 = arith.negf %add3A_88 : vector<1x128xf32>
      %logistic3A_90 = math.exp %logistic3A_89 : vector<1x128xf32>
      %logistic3A_91 = arith.constant 1.000000e+00 : f32
      %logistic3A_92 = vector.broadcast %logistic3A_91 : f32 to vector<1x128xf32>
      %logistic3A_93 = arith.addf %logistic3A_92, %logistic3A_90 : vector<1x128xf32>
      %logistic3A_94 = arith.divf %logistic3A_92, %logistic3A_93 : vector<1x128xf32>
      %slice3A_95 = vector.extract_strided_slice %get3A_78 {offsets = [0, 256], sizes = [1, 128], strides = [1, 1]} : vector<1x384xf32> to vector<1x128xf32>
      %slice3A_96 = vector.extract_strided_slice %add3A_75 {offsets = [0, 256], sizes = [1, 128], strides = [1, 1]} : vector<1x384xf32> to vector<1x128xf32>
      %mul3A_97 = arith.mulf %logistic3A_85, %slice3A_96 : vector<1x128xf32>
      %add3A_98 = arith.addf %slice3A_95, %mul3A_97 : vector<1x128xf32>
      %tanh3A = math.tanh %add3A_98 : vector<1x128xf32>
      %sub3A = arith.constant 1.000000e+00 : f32
      %sub3A_99 = vector.broadcast %sub3A : f32 to vector<1x128xf32>
      %sub3A_100 = arith.subf %sub3A_99, %logistic3A_94 : vector<1x128xf32>
      %mul3A_101 = arith.mulf %sub3A_100, %tanh3A : vector<1x128xf32>
      %mul3A_102 = arith.mulf %logistic3A_94, %scan3A_66 : vector<1x128xf32>
      %add3A_103 = arith.addf %mul3A_101, %mul3A_102 : vector<1x128xf32>
      %swap3A_104 = arith.index_cast %scan3A_65 : i32 to index
      %swap3A_105 = arith.constant 0 : index
      %swap3A_106 = vector.load %arg9[%swap3A_104, %swap3A_105] : memref<128x128xf32, #tpu.memory_space<vmem>>, vector<1x128xf32>
      tpu.vector_store %arg9[%swap3A_104, %swap3A_105], %add3A_103 {strides = array<i32>} : memref<128x128xf32, #tpu.memory_space<vmem>>, vector<1x128xf32>,
      scf.yield %add3A_103 : vector<1x128xf32>
    }
    %scan3A_64 = arith.constant 128 : i32
    return
  }
}

</mosaic_0001>

<sc_bundles>
// kernel: kernel.10.cloned.1.call-start
scs
__scs_entry_jumppad:
0x0: {  	(pc) =	sbr.rel $0x88, $3  }
0x1: {  	(tag) =	ssettag $0x0;
	lr =	simm.s32 $0x1  }
0x2: {  	[smem:$0x3F91] =	sst lr;
	_ =	strace $0xD0000000  }
0x3: {  	_ = 	snop  }
0x4: {  	_ = 	snop  }
0x5: {  	_ = 	snop  }
0x6: {  	_ = 	snop  }
0x7: {  	_ = 	snop  }
__scs_overlays_trampoline_lowered:
0x8: {  	[smem:$0x3FA0] =	sst s0  }
0x9: {  	[smem:$0x3FA1] =	sst s1  }
0xa: {  	[smem:$0x3FA2] =	sst s2  }
0xb: {  	[smem:$0x3FA3] =	sst s3  }
0xc: {  	[smem:$0x3FA4] =	sst s4  }
0xd: {  	[smem:$0x3FA5] =	sst s5  }
0xe: {  	[smem:$0x3FA6] =	sst s6  }
0xf: {  	[smem:$0x3FA7] =	sst s7  }
0x10: {  	[smem:$0x3FA8] =	sst s8  }
0x11: {  	[smem:$0x3FA9] =	sst s9;
	s0 =	simm.s32 @!p0 $0x0  }
0x12: {  	s1 =	sld [smem:$0x3F8F];
	s0 =	simm.s32 @p0 $0x1  }
0x13: {  	[smem:$0x3FAA] =	sst s0;
	s0 =	simm.s32 @!p1 $0x0  }
0x14: {  	s2 =	sld [smem:$0x3F8E];
	s0 =	simm.s32 @p1 $0x1  }
0x15: {  	[smem:$0x3FAB] =	sst s0;
	s0 =	simm.s32 @!p2 $0x0  }
0x16: {  	s3 =	sld [smem:$0x3FDB];
	s0 =	simm.s32 @p2 $0x1  }
0x17: {  	s4 =	simm.s32 $0x1BF5;
	[smem:$0x3FAD] =	sst s0  }
0x18: {  	s0 =	sld [smem:$0x3F90];
	_ =	swait.ge [sflag:s4], $0x0  }
0x19: {  	s7 =	sld [smem:$0x3F91]  }
0x1a: {  	s8 =	sadd.s32 $0xFFFFE003, lr  }
0x1b: {  	s9 =	sadd.s32 $0xFFFFFEF7, lr;
	s5 =	simm.s32 $0xFFFFFFFF;
	p2 =	slt.u32 s8, $0xFFFFF086  }
0x1c: {  	p1 =	slt.u32 s9, $0xF7A;
	s5 =	simm.s32 @!p2 $0x0  }
0x1d: {  	s5 =	simm.s32 @p1 $0x1;
	p0 =	seq.s32 s7, s2  }
0x1e: {  	s7 =	smul.u32 @!p0 $0xF7A, s2;
	p2 =	seq.s32 @!p0 s5, $0x0  }
0x1f: {  	s9 =	smul.u32 $0xF7A, s1;
	s8 =	simm.s32 @!p0 $0x1BF5;
	p2 =	por !p2, p0  }
0x20: {  	[sflag:s8] =	ssyncset.s32 @!p0 $0xFFFFF086;
	s6 =	sadd.s32 @!p0 s3, s7;
	s7 =	simm.s32 @!p0 $0x108  }
0x21: {  	s3 =	sadd.s32 s3, s9;
	s6 =	sadd.s32 @!p0 $0x88, s6;
	s7 =	simm.s32 @p2 $0x1082  }
0x22: {  	[simem:s7], [sflag:s8] =	dma.local @!p0 [hbm:s6], $0xF7A  }
0x23: {  	s9 =	sor.u32 $0xD0000000, s2;
	s6 =	simm.s32 $0x108;
	_ =	swait.ge @!p0 [sflag:s8], $0x0  }
0x24: {  	s3 =	sadd.s32 $0x88, s3;
	s6 =	simm.s32 @!p1 $0x1082;
	[sflag:s4] =	ssyncset.s32 $0xFFFFF086  }
0x25: {  	[simem:s6], [sflag:s4] =	dma.local [hbm:s3], $0xF7A  }
0x26: {  	[smem:$0x3F91] =	sst s1;
	(tag) =	ssettag s2;
	_ =	strace s9  }
0x27: {  	s1 =	sld [smem:$0x3FA1]  }
0x28: {  	s2 =	sld [smem:$0x3FA2]  }
0x29: {  	s4 =	sld [smem:$0x3FA4]  }
0x2a: {  	p0 =	seq.s32 s5, $0x0;
	s5 =	sld [smem:$0x3FA5]  }
0x2b: {  	s6 =	sld [smem:$0x3FA6]  }
0x2c: {  	s7 =	sld [smem:$0x3FA7]  }
0x2d: {  	s3 =	simm.s32 $0x108;
	s8 =	sld [smem:$0x3FA8]  }
0x2e: {  	s3 =	simm.s32 @!p0 $0x1082;
	s9 =	sld [smem:$0x3FA9]  }
0x2f: {  	lr =	sadd.s32 s0, s3;
	s0 =	sld [smem:$0x3FA0]  }
0x30: {  	s3 =	sld [smem:$0x3FA3]  }
0x31: {  	[smem:$0x3FAC] =	sst s10  }
0x32: {  	s10 =	sld [smem:$0x3FAA];
	_ =	sdelay $0x3  }
0x33: {  	p0 =	seq.s32 s10, $0x1;
	s10 =	sld [smem:$0x3FAC];
	_ =	sdelay $0x3  }
0x34: {  	[smem:$0x3FAC] =	sst s10  }
0x35: {  	s10 =	sld [smem:$0x3FAB];
	_ =	sdelay $0x3  }
0x36: {  	p1 =	seq.s32 s10, $0x1;
	s10 =	sld [smem:$0x3FAC];
	_ =	sdelay $0x3  }
0x37: {  	[smem:$0x3FAC] =	sst s10  }
0x38: {  	s10 =	sld [smem:$0x3FAD]  }
0x39: {  	_ = 	snop;
	(pc) =	sbr.ind lr, $3  }
0x3a: {  	_ = 	snop  }
0x3b: {  	_ = 	snop  }
0x3c: {  	p2 =	seq.s32 s10, $0x1;
	s10 =	sld [smem:$0x3FAC]  }
0x3d: {  	_ =	shalt  }
0x3e: {  	_ =	shalt  }
0x3f: {  	_ =	shalt  }
0x40: {  	_ =	shalt  }
0x41: {  	_ =	shalt  }
0x42: {  	_ =	shalt  }
0x43: {  	_ =	shalt  }
0x44: {  	_ =	shalt  }
0x45: {  	_ =	shalt  }
0x46: {  	_ =	shalt  }
0x47: {  	_ =	shalt  }
0x48: {  	_ =	shalt  }
0x49: {  	_ =	shalt  }
0x4a: {  	_ =	shalt  }
0x4b: {  	_ =	shalt  }
0x4c: {  	_ =	shalt  }
0x4d: {  	_ =	shalt  }
0x4e: {  	_ =	shalt  }
0x4f: {  	_ =	shalt  }
0x50: {  	_ =	shalt  }
0x51: {  	_ =	shalt  }
0x52: {  	_ =	shalt  }
0x53: {  	_ =	shalt  }
0x54: {  	_ =	shalt  }
0x55: {  	_ =	shalt  }
0x56: {  	_ =	shalt  }
0x57: {  	_ =	shalt  }
0x58: {  	_ =	shalt  }
0x59: {  	_ =	shalt  }
0x5a: {  	_ =	shalt  }
0x5b: {  	_ =	shalt  }
0x5c: {  	_ =	shalt  }
0x5d: {  	_ =	shalt  }
0x5e: {  	_ =	shalt  }
0x5f: {  	_ =	shalt  }
0x60: {  	_ =	shalt  }
0x61: {  	_ =	shalt  }
0x62: {  	_ =	shalt  }
0x63: {  	_ =	shalt  }
0x64: {  	_ =	shalt  }
0x65: {  	_ =	shalt  }
0x66: {  	_ =	shalt  }
0x67: {  	_ =	shalt  }
0x68: {  	_ =	shalt  }
0x69: {  	_ =	shalt  }
0x6a: {  	_ =	shalt  }
0x6b: {  	_ =	shalt  }
0x6c: {  	_ =	shalt  }
0x6d: {  	_ =	shalt  }
0x6e: {  	_ =	shalt  }
0x6f: {  	_ =	shalt  }
0x70: {  	_ =	shalt  }
0x71: {  	_ =	shalt  }
0x72: {  	_ =	shalt  }
0x73: {  	_ =	shalt  }
0x74: {  	_ =	shalt  }
0x75: {  	_ =	shalt  }
0x76: {  	_ =	shalt  }
0x77: {  	_ =	shalt  }
0x78: {  	_ =	shalt  }
0x79: {  	_ =	shalt  }
0x7a: {  	_ =	shalt  }
0x7b: {  	_ =	shalt  }
0x7c: {  	_ =	shalt  }
0x7d: {  	_ =	shalt  }
0x7e: {  	_ =	shalt  }
0x7f: {  	_ =	shalt  }
0x80: {  	_ =	shalt  }
0x81: {  	_ =	shalt  }
0x82: {  	_ =	shalt  }
0x83: {  	_ =	shalt  }
0x84: {  	_ =	shalt  }
0x85: {  	_ =	shalt  }
0x86: {  	_ =	shalt  }
0x87: {  	_ =	shalt  }
.Lfunc_end0:
.L_simem_size_0:
called_computation_lowered:
.L_overlay_start_0:
0x88: {  	s2 =	sld [smem:$0x3FD9]  }
0x89: {  	s3 =	sld [smem:$0x3FFE];
	_ =	sdelay $0x1  }
0x8a: {  	s1 =	srdreg.scid  }
0x8b: {  	s0 =	sand.u32 $0x1, s1  }
0x8c: {  	s17 =	sshll.u32 s0, $0xA;
	s2 =	sadd.s32 s3, s2  }
0x8d: {  	s2 =	sadd.s32 s2, s17  }
0x8e: {  	[smem:$0x3FB8] =	sst s2  }
0x8f: {  	_ = 	snop  }
0x90: {  	s2 =	sld [smem:$0x3FD0];
	(tm) =	ssettm $0x1  }
0x91: {  	s18 =	sld [smem:$0x3FFB];
	_ =	sdelay $0x3  }
0x92: {  	_ =	strace s18  }
0x93: {  	s3 =	sld [smem:$0x3FFC];
	_ =	sdelay $0x3  }
0x94: {  	_ =	strace s3  }
0x95: {  	s3 =	sld [smem:$0x3FFD];
	_ =	sdelay $0x3  }
0x96: {  	_ =	strace s3  }
0x97: {  	_ =	strace $0x8FFFFFFF  }
0x98: {  	s19 =	sld [smem:$0x3FDB];
	_ =	sdelay $0x1  }
0x99: {  	s4 =	simm.s32 $_scs_section_size  }
0x9a: {  	s5 =	simm.s32 $_size__tile_overlayer_lowered;
	s6 =	simm.s32 $_tile_overlayer_lowered  }
0x9b: {  	s22 =	simm.s32 $0x1BFF;
	s21 =	sshll.u32 s6, $0x1;
	s3 =	sadd.s32 s4, s19  }
0x9c: {  	s7 =	simm.s32 $0x0;
	s20 =	sshll.u32 s5, $0x1;
	s5 =	sadd.s32 s21, s3  }
0x9d: {  	[timem:s7], [sflag:s22] =	dma.local [hbm:s5], s20  }
0x9e: {  	_ =	swait.ge [sflag:s22], s20  }
0x9f: {  	s4 =	ssub.s32 $0x0, s20;
	[sflag:s22] =	ssyncset.done $0x0  }
0xa0: {  	[sflag:s22] =	ssyncadd.s32 s4;
	_ =	sdelay $0x1  }
0xa1: {  	s23 =	simm.s32 $0x1B8B  }
0xa2: {  	_ =	swait.ge [sflag:s23], $0x1  }
0xa3: {  	[sflag:s23] =	ssyncset.done $0x0  }
0xa4: {  	s25 =	simm.s32 $0x1B8E;
	s24 =	sld [smem:$0x3FFE];
	[sflag:s23] =	ssyncadd.s32 $0xFFFFFFFF  }
0xa5: {  	s26 =	simm.s32 $execute0_lowered;
	[smem:$0x3FD2] =	sst s25  }
0xa6: {  	s5 =	sshll.u32 s26, $0x1;
	_ =	strace $0x80000046;
	[dreg:$0x1] =	wrdreg $0xFFFFFFFF  }
0xa7: {  	s28 =	simm.s32 $_size_execute0_lowered;
	s3 =	sadd.s32 s3, s5;
	[dreg:$0x0] =	wrdreg $0x0  }
0xa8: {  	s5 =	sshll.u32 s28, $0x1;
	[dreg:$0x2] =	wrdreg s3  }
0xa9: {  	[dreg:$0x3] =	wrdreg s5  }
0xaa: {  	[dreg:$0x4] =	wrdreg $0xC0  }
0xab: {  	_ =	task [dreg:s7], $0x5FFFF  }
0xac: {  	[dreg:$0x1] =	wrdreg $0xFFFFFFFF  }
0xad: {  	[dreg:$0x0] =	wrdreg $0x60  }
0xae: {  	[dreg:$0x2] =	wrdreg s24  }
0xaf: {  	[dreg:$0x3] =	wrdreg s2  }
0xb0: {  	[dreg:$0x4] =	wrdreg $0xC3600  }
0xb1: {  	[dreg:$0x5] =	wrdreg $0x9  }
0xb2: {  	_ =	task.clear_ibuf [dreg:s7], $0x6FFFF;
	_ =	strace $0x90000046  }
0xb3: {  	s29 =	simm.s32 $0x9;
	_ =	strace $0x80000048  }
0xb4: {  	_ =	swait.ge [sflag:s29], $0x1  }
0xb5: {  	[sflag:s29] =	ssyncadd.s32 $0xFFFFFFFF  }
0xb6: {  	_ =	strace $0x90000048  }
0xb7: {  	_ =	sfence  }
0xb8: {  	s30 =	sld [smem:$0x0];
	_ =	sdelay $0x2  }
0xb9: {  	s31 =	sshll.u32 s1, $0xD;
	s1 =	sshrl.u32 s1, $0x2  }
0xba: {  	s3 =	sand.u32 $0x4000, s31;
	s1 =	sadd.s32 s1, s30  }
0xbb: {  	s0 =	sor.u32 s3, s0;
	s1 =	sshll.u32 s1, $0x11  }
0xbc: {  	s0 =	sor.u32 s1, s0  }
0xbd: {  	s0 =	sadd.s32 $0x8F2B, s0  }
0xbe: {  	[sflag:s0] =	ssyncadd.remote.s32 $0x1  }
0xbf: {  	_ =	sfence.sel $0xFFFF  }
0xc0: {  	[dreg:$0x0] =	wrdreg $0xFFFFFFFF;
	(pc) =	sbr.abs _section_cstart, $3  }
0xc1: {  	[dreg:$0x1] =	wrdreg $0xFFFFFFFF  }
0xc2: {  	_ =	task.clear_ibuf [dreg:s7], $0x2FFFF;
	_ =	strace $0x9FFFFFFF  }
0xc3: {  	(tm) =	ssettm $0x7FFFFFFF  }
tec
execute0_lowered:
.L_overlay_start_1:
0x0: {  	(tag) =	ssettag $0x1  }
0x1: {  	s5 =	rddreg [dreg:$0x0]  }
0x2: {  	s0 =	srdreg.scid;
	s1 =	rddreg [dreg:$0x1]  }
0x3: {  	s2 =	rddreg [dreg:$0x2];
	s9 =	stileid.u32;
	s3 =	simm.s32 $0x0  }
0x4: {  	s11 =	simm.s32 $0x4E20;
	s12 =	simm.s32 $0x7530;
	s13 =	simm.s32 $0x2710  }
0x5: {  	s14 =	simm.s32 $0x9C40;
	s4 =	sand.u32 $0x1, s0;
	s0 =	rddreg [dreg:$0x3]  }
0x6: {  	s16 =	simm.s32 $0x0;
	[smem:$0x7FF] =	sst s3;
	p0 =	sne.s32 s9, $0x0  }
0x7: {  	s6 =	sshll.u32 s4, $0x4;
	_ =	strace $0x80000047;
	s7 =	smul.u32 $0x4E2, s4  }
0x8: {  	s8 =	ssub.s32 $0x2, s4;
	s4 =	sadd.s32 $0x8D200, s5;
	s6 =	sor.u32 s9, s6  }
0x9: {  	s15 =	sshrl.u32 @!p0 s2, $0x3;
	s10 =	sshrl.u32 s8, $0x1;
	s6 =	smul.u32 $0x4E2, s6  }
0xa: {  	s9 =	simm.s32 $0x1;
	s7 =	sadd.s32 s7, s5;
	s8 =	ssub.s32 s8, s10  }
0xb: {  	s10 =	simm.s32 $0xC350;
	s7 =	sadd.s32 $0x8D400, s7;
	s6 =	sadd.s32 s6, s5  }
0xc: {  	v0 =	vimm.f32 $0.0e+00;
	s8 =	smax.u32 s8, $0x1;
	s5 =	sadd.s32 $0xDA00, s6;
	s6 =	sadd.s32 $0x3C00, s6  }
.LBB2_1:
0xd: {  	[tilespmem:s3], [sflag:$0x1] =	stream.linear.gather [hbm4b:s1+s3], $0x2710, $0x38;
	[tilespmem:$0xC5D8] =	vst v63  }
0xe: {  	_ =	swait.ge [sflag:s9], $0x2710  }
0xf: {  	[sflag:s9] =	ssyncset.done $0x0  }
0x10: {  	[sflag:s9] =	ssyncadd.s32 $0xFFFFD8F0  }
0x11: {  	[tilespmem:s10], [sflag:$0x1] =	stream.linear.gather [hbm4b:s4+s3], $0x10, $0x38;
	[tilespmem:$0xC5D8] =	vst v63  }
0x12: {  	_ =	swait.ge [sflag:s9], $0x10  }
0x13: {  	[sflag:s9] =	ssyncset.done $0x0  }
0x14: {  	[sflag:s9] =	ssyncadd.s32 $0xFFFFFFF0  }
0x15: {  	[tilespmem:s11], [sflag:$0x1] =	stream.linear.gather [hbm4b:s5+s3], $0x2710, $0x38;
	[tilespmem:$0xC5D8] =	vst v63  }
0x16: {  	_ =	swait.ge [sflag:s9], $0x2710  }
0x17: {  	[sflag:s9] =	ssyncset.done $0x0  }
.Ltmp0:
0x18: {  	[sflag:s9] =	ssyncadd.s32 $0xFFFFD8F0;
	(pc) =	sbr.rel @p0 .LBB2_5-.Ltmp0, $4  }
0x19: {  	[tilespmem:s12], [sflag:$0x1] =	stream.linear.gather [hbm4b:s6+s3], $0x2710, $0x38;
	[tilespmem:$0xC5D8] =	vst v63  }
0x1a: {  	_ =	swait.ge [sflag:s9], $0x2710  }
0x1b: {  	[sflag:s9] =	ssyncset.done $0x0  }
0x1c: {  	[sflag:s9] =	ssyncadd.s32 $0xFFFFD8F0  }
0x1d: {  	s17 =	simm.s32 $0x40;
	s18 =	simm.s32 $0x0  }
.LBB2_3:
0x1e: {  	p1 =	sne.s32 s17, $0x9C00;
	[tilespmem:s18+$0x2710] =	vst v0;
	s18 =	smov.u32 s17;
	s17 =	sadd.s32 $0x40, s17  }
.Ltmp1:
0x1f: {  	(pc) =	sbr.rel @p1 .LBB2_3-.Ltmp1, $2  }
0x20: {  	_ =	sdelay $0x2  }
0x21: {  	s18 =	sshra.s32 s18, $0x2  }
0x22: {  	[tilespmem:s18+$0x2710] =	vst v0  }
0x23: {  	[spmem:s2] =	stream.linear.scatter [tilespmem:s13], [sflag:$0x1], $0x2710, $0x38;
	[tilespmem:$0xC5D8] =	vst v63  }
0x24: {  	_ =	swait.ge [sflag:s9], $0x2710  }
0x25: {  	[sflag:s9] =	ssyncset.done $0x0  }
0x26: {  	[sflag:s9] =	ssyncadd.s32 $0xFFFFD8F0  }
.LBB2_5:
0x27: {  	v1 =	vld [tilespmem:$0xC350];
	s17 =	simm.s32 $0x0  }
0x28: {  	v2 =	vld [tilespmem:s17+$0x0];
	_ =	sdelay $0x1  }
0x29: {  	s18 =	simm.s32 $0x10  }
0x2a: {  	v3 =	vld [tilespmem:s18+$0x0];
	_ =	sdelay $0x1  }
0x2b: {  	v2 =	vsub.f32 v2, v1;
	_ =	sdelay $0x1  }
0x2c: {  	v2 =	vmul.f32 $1.442695020e+00, v2  }
0x2d: {  	v3 =	vsub.f32 v3, v1  }
0x2e: {  	(erf) = vpow2.f32 v2  }
0x2f: {  	v3 =	vmul.f32 $1.442695020e+00, v3  }
0x30: {  	s19 =	simm.s32 $0x20  }
0x31: {  	v2 =	vld [tilespmem:s19+$0x0];
	(erf) = vpow2.f32 v3;
	_ =	sdelay $0x2  }
0x32: {  	s20 =	simm.s32 $0xC0  }
.LBB2_6:
0x33: {  	p1 =	sne.s32 s20, $0x9C00  }
.Ltmp2:
0x34: {  	s21 =	sshra.s32 s20, $0x2;
	s20 =	sadd.s32 $0x40, s20;
	v3 =	vsub.f32 v2, v1;
	(pc) =	sbr.rel @p1 .LBB2_6-.Ltmp2, $4  }
0x35: {  	v2 =	vld [tilespmem:s21+$0x0];
	v4 =	vpop (erf)  }
0x36: {  	v3 =	vmul.f32 $1.442695020e+00, v3;
	[tilespmem:s17+$0x2710] =	vst v4;
	s17 =	smov.u32 s18;
	s18 =	smov.u32 s19;
	s19 =	smov.u32 s21  }
0x37: {  	_ = 	snop  }
0x38: {  	(erf) = vpow2.f32 v3  }
0x39: {  	_ = 	snop  }
0x3a: {  	v1 =	vsub.f32 v2, v1;
	_ =	sdelay $0x1  }
0x3b: {  	v1 =	vmul.f32 $1.442695020e+00, v1;
	_ =	sdelay $0x1  }
0x3c: {  	(erf) = vpow2.f32 v1;
	_ =	sdelay $0x6  }
0x3d: {  	v1 =	vpop (erf)  }
0x3e: {  	[tilespmem:s17+$0x2710] =	vst v1;
	v1 =	vpop (erf)  }
0x3f: {  	[tilespmem:s18+$0x2710] =	vst v1;
	v1 =	vpop (erf)  }
0x40: {  	[tilespmem:s19+$0x2710] =	vst v1  }
0x41: {  	s17 =	simm.s32 $0x0;
	[bflag:$0x0] =	sbarrier.arrive $0xFFFF  }
0x42: {  	v1 =	vld [tilespmem:s17+$0x7530];
	_ =	sdelay $0x7  }
0x43: {  	s18 =	simm.s32 $0x10;
	s19 =	simm.s32 $0x80;
	v1 =	vld.idx.msk [tilespmem:v1+s13+$0x0], $0xffff  }
.LBB2_8:
0x44: {  	p1 =	sne.s32 s19, $0x9C00;
	v2 =	vld [tilespmem:s18+$0x7530];
	_ =	sdelay $0x3  }
.Ltmp3:
0x45: {  	(pc) =	sbr.rel @p1 .LBB2_8-.Ltmp3, $2  }
0x46: {  	[tilespmem:s17+$0x9C40] =	vst v1;
	s17 =	smov.u32 s18;
	_ =	sdelay $0x2  }
0x47: {  	s18 =	sshra.s32 s19, $0x2;
	s19 =	sadd.s32 $0x40, s19;
	v1 =	vld.idx.msk [tilespmem:v2+s13+$0x0], $0xffff  }
0x48: {  	v2 =	vld [tilespmem:s18+$0x7530];
	_ =	sdelay $0x6  }
0x49: {  	[tilespmem:s17+$0x9C40] =	vst v1  }
0x4a: {  	v1 =	vld.idx.msk [tilespmem:v2+s13+$0x0], $0xffff;
	_ =	sdelay $0x4  }
0x4b: {  	[tilespmem:s18+$0x9C40] =	vst v1  }
0x4c: {  	[spmem:s2] =	stream.indirect.scatter.add.f32 [tilespmem:s14], [sflag:$0x1], $0x1, s11, s13, $0xb8;
	[tilespmem:$0xC5D8] =	vst v63  }
0x4d: {  	_ =	swait.ge [sflag:s9], $0x2710  }
0x4e: {  	[sflag:s9] =	ssyncset.done $0x0  }
0x4f: {  	s16 =	sadd.s32 $0x1, s16;
	[sflag:s9] =	ssyncadd.s32 $0xFFFFD8F0  }
0x50: {  	p1 =	sne.s32 s16, s8;
	s17 =	simm.s32 @!p0 $0x1C01;
	[bflag:$0x0] =	sbarrier.arrive $0xFFFF  }
0x51: {  	[hbm:s7], [sflag:s17] =	dma.local @!p0 [spmem:s15], $0x4E2  }
.Ltmp4:
0x52: {  	_ = 	snop;
	(pc) =	sbr.rel @p1 .LBB2_1-.Ltmp4, $4  }
0x53: {  	s17 =	simm.s32 @!p0 $0x1  }
0x54: {  	_ =	swait.ge @!p0 [sflag:s17], $0x4E2  }
0x55: {  	[sflag:s17] =	ssyncset.done @!p0 $0x0  }
0x56: {  	[sflag:s17] =	ssyncadd.s32 @!p0 $0xFFFFFB1E  }
0x57: {  	_ =	sfence.sel $0x180000  }
0x58: {  	[bflag:$0x0] =	sbarrier.arrive $0xFFFF  }
0x59: {  	_ =	strace $0x90000047  }
0x5a: {  	s0 =	sadd.s32 @!p0 $0x100000, s0;
	[bflag:$0x2] =	sbarrier.arrive $0xFFFF  }
0x5b: {  	[sflag:s0] =	ssyncadd.tile.s32 @!p0 $0x1;
	_ =	shalt  }
.Lfunc_end2:
_tile_overlayer_lowered:
.L_overlay_start_2:
0x5c: {  	(tag) =	ssettag $0x2  }
0x5d: {  	s0 =	rddreg [dreg:$0x0];
	s2 =	stileid.u32  }
0x5e: {  	s1 =	rddreg [dreg:$0x1];
	p0 =	sne.s32 s2, $0x0  }
0x5f: {  	s3 =	rddreg [dreg:$0x2];
	[bflag:$0x3] =	sbarrier.arrive $0xFFFF;
	s2 =	simm.s32 @!p0 $0x1C01  }
0x60: {  	[timem:s3], [sflag:s2] =	dma.local @!p0 [hbm:s0], s1  }
0x61: {  	s0 =	simm.s32 @!p0 $0x1  }
0x62: {  	_ =	swait.ge @!p0 [sflag:s0], s1  }
0x63: {  	s1 =	ssub.s32 @!p0 $0x0, s1;
	[sflag:s0] =	ssyncset.done @!p0 $0x0  }
0x64: {  	[sflag:s0] =	ssyncadd.s32 @!p0 s1  }
0x65: {  	[bflag:$0x3] =	sbarrier.arrive $0xFFFF  }
0x66: {  	_ =	shalt  }

// kernel: kernel.13.cloned.1.call-start
scs
__scs_entry_jumppad:
0x0: {  	(pc) =	sbr.rel $0x88, $3  }
0x1: {  	(tag) =	ssettag $0x0;
	lr =	simm.s32 $0x1  }
0x2: {  	[smem:$0x3F91] =	sst lr;
	_ =	strace $0xD0000000  }
0x3: {  	_ = 	snop  }
0x4: {  	_ = 	snop  }
0x5: {  	_ = 	snop  }
0x6: {  	_ = 	snop  }
0x7: {  	_ = 	snop  }
__scs_overlays_trampoline_lowered:
0x8: {  	[smem:$0x3FA0] =	sst s0  }
0x9: {  	[smem:$0x3FA1] =	sst s1  }
0xa: {  	[smem:$0x3FA2] =	sst s2  }
0xb: {  	[smem:$0x3FA3] =	sst s3  }
0xc: {  	[smem:$0x3FA4] =	sst s4  }
0xd: {  	[smem:$0x3FA5] =	sst s5  }
0xe: {  	[smem:$0x3FA6] =	sst s6  }
0xf: {  	[smem:$0x3FA7] =	sst s7  }
0x10: {  	[smem:$0x3FA8] =	sst s8  }
0x11: {  	[smem:$0x3FA9] =	sst s9;
	s0 =	simm.s32 @!p0 $0x0  }
0x12: {  	s1 =	sld [smem:$0x3F8F];
	s0 =	simm.s32 @p0 $0x1  }
0x13: {  	[smem:$0x3FAA] =	sst s0;
	s0 =	simm.s32 @!p1 $0x0  }
0x14: {  	s2 =	sld [smem:$0x3F8E];
	s0 =	simm.s32 @p1 $0x1  }
0x15: {  	[smem:$0x3FAB] =	sst s0;
	s0 =	simm.s32 @!p2 $0x0  }
0x16: {  	s3 =	sld [smem:$0x3FDB];
	s0 =	simm.s32 @p2 $0x1  }
0x17: {  	s4 =	simm.s32 $0x1BF5;
	[smem:$0x3FAD] =	sst s0  }
0x18: {  	s0 =	sld [smem:$0x3F90];
	_ =	swait.ge [sflag:s4], $0x0  }
0x19: {  	s7 =	sld [smem:$0x3F91]  }
0x1a: {  	s8 =	sadd.s32 $0xFFFFE003, lr  }
0x1b: {  	s9 =	sadd.s32 $0xFFFFFEF7, lr;
	s5 =	simm.s32 $0xFFFFFFFF;
	p2 =	slt.u32 s8, $0xFFFFF086  }
0x1c: {  	p1 =	slt.u32 s9, $0xF7A;
	s5 =	simm.s32 @!p2 $0x0  }
0x1d: {  	s5 =	simm.s32 @p1 $0x1;
	p0 =	seq.s32 s7, s2  }
0x1e: {  	s7 =	smul.u32 @!p0 $0xF7A, s2;
	p2 =	seq.s32 @!p0 s5, $0x0  }
0x1f: {  	s9 =	smul.u32 $0xF7A, s1;
	s8 =	simm.s32 @!p0 $0x1BF5;
	p2 =	por !p2, p0  }
0x20: {  	[sflag:s8] =	ssyncset.s32 @!p0 $0xFFFFF086;
	s6 =	sadd.s32 @!p0 s3, s7;
	s7 =	simm.s32 @!p0 $0x108  }
0x21: {  	s3 =	sadd.s32 s3, s9;
	s6 =	sadd.s32 @!p0 $0x88, s6;
	s7 =	simm.s32 @p2 $0x1082  }
0x22: {  	[simem:s7], [sflag:s8] =	dma.local @!p0 [hbm:s6], $0xF7A  }
0x23: {  	s9 =	sor.u32 $0xD0000000, s2;
	s6 =	simm.s32 $0x108;
	_ =	swait.ge @!p0 [sflag:s8], $0x0  }
0x24: {  	s3 =	sadd.s32 $0x88, s3;
	s6 =	simm.s32 @!p1 $0x1082;
	[sflag:s4] =	ssyncset.s32 $0xFFFFF086  }
0x25: {  	[simem:s6], [sflag:s4] =	dma.local [hbm:s3], $0xF7A  }
0x26: {  	[smem:$0x3F91] =	sst s1;
	(tag) =	ssettag s2;
	_ =	strace s9  }
0x27: {  	s1 =	sld [smem:$0x3FA1]  }
0x28: {  	s2 =	sld [smem:$0x3FA2]  }
0x29: {  	s4 =	sld [smem:$0x3FA4]  }
0x2a: {  	p0 =	seq.s32 s5, $0x0;
	s5 =	sld [smem:$0x3FA5]  }
0x2b: {  	s6 =	sld [smem:$0x3FA6]  }
0x2c: {  	s7 =	sld [smem:$0x3FA7]  }
0x2d: {  	s3 =	simm.s32 $0x108;
	s8 =	sld [smem:$0x3FA8]  }
0x2e: {  	s3 =	simm.s32 @!p0 $0x1082;
	s9 =	sld [smem:$0x3FA9]  }
0x2f: {  	lr =	sadd.s32 s0, s3;
	s0 =	sld [smem:$0x3FA0]  }
0x30: {  	s3 =	sld [smem:$0x3FA3]  }
0x31: {  	[smem:$0x3FAC] =	sst s10  }
0x32: {  	s10 =	sld [smem:$0x3FAA];
	_ =	sdelay $0x3  }
0x33: {  	p0 =	seq.s32 s10, $0x1;
	s10 =	sld [smem:$0x3FAC];
	_ =	sdelay $0x3  }
0x34: {  	[smem:$0x3FAC] =	sst s10  }
0x35: {  	s10 =	sld [smem:$0x3FAB];
	_ =	sdelay $0x3  }
0x36: {  	p1 =	seq.s32 s10, $0x1;
	s10 =	sld [smem:$0x3FAC];
	_ =	sdelay $0x3  }
0x37: {  	[smem:$0x3FAC] =	sst s10  }
0x38: {  	s10 =	sld [smem:$0x3FAD]  }
0x39: {  	_ = 	snop;
	(pc) =	sbr.ind lr, $3  }
0x3a: {  	_ = 	snop  }
0x3b: {  	_ = 	snop  }
0x3c: {  	p2 =	seq.s32 s10, $0x1;
	s10 =	sld [smem:$0x3FAC]  }
0x3d: {  	_ =	shalt  }
0x3e: {  	_ =	shalt  }
0x3f: {  	_ =	shalt  }
0x40: {  	_ =	shalt  }
0x41: {  	_ =	shalt  }
0x42: {  	_ =	shalt  }
0x43: {  	_ =	shalt  }
0x44: {  	_ =	shalt  }
0x45: {  	_ =	shalt  }
0x46: {  	_ =	shalt  }
0x47: {  	_ =	shalt  }
0x48: {  	_ =	shalt  }
0x49: {  	_ =	shalt  }
0x4a: {  	_ =	shalt  }
0x4b: {  	_ =	shalt  }
0x4c: {  	_ =	shalt  }
0x4d: {  	_ =	shalt  }
0x4e: {  	_ =	shalt  }
0x4f: {  	_ =	shalt  }
0x50: {  	_ =	shalt  }
0x51: {  	_ =	shalt  }
0x52: {  	_ =	shalt  }
0x53: {  	_ =	shalt  }
0x54: {  	_ =	shalt  }
0x55: {  	_ =	shalt  }
0x56: {  	_ =	shalt  }
0x57: {  	_ =	shalt  }
0x58: {  	_ =	shalt  }
0x59: {  	_ =	shalt  }
0x5a: {  	_ =	shalt  }
0x5b: {  	_ =	shalt  }
0x5c: {  	_ =	shalt  }
0x5d: {  	_ =	shalt  }
0x5e: {  	_ =	shalt  }
0x5f: {  	_ =	shalt  }
0x60: {  	_ =	shalt  }
0x61: {  	_ =	shalt  }
0x62: {  	_ =	shalt  }
0x63: {  	_ =	shalt  }
0x64: {  	_ =	shalt  }
0x65: {  	_ =	shalt  }
0x66: {  	_ =	shalt  }
0x67: {  	_ =	shalt  }
0x68: {  	_ =	shalt  }
0x69: {  	_ =	shalt  }
0x6a: {  	_ =	shalt  }
0x6b: {  	_ =	shalt  }
0x6c: {  	_ =	shalt  }
0x6d: {  	_ =	shalt  }
0x6e: {  	_ =	shalt  }
0x6f: {  	_ =	shalt  }
0x70: {  	_ =	shalt  }
0x71: {  	_ =	shalt  }
0x72: {  	_ =	shalt  }
0x73: {  	_ =	shalt  }
0x74: {  	_ =	shalt  }
0x75: {  	_ =	shalt  }
0x76: {  	_ =	shalt  }
0x77: {  	_ =	shalt  }
0x78: {  	_ =	shalt  }
0x79: {  	_ =	shalt  }
0x7a: {  	_ =	shalt  }
0x7b: {  	_ =	shalt  }
0x7c: {  	_ =	shalt  }
0x7d: {  	_ =	shalt  }
0x7e: {  	_ =	shalt  }
0x7f: {  	_ =	shalt  }
0x80: {  	_ =	shalt  }
0x81: {  	_ =	shalt  }
0x82: {  	_ =	shalt  }
0x83: {  	_ =	shalt  }
0x84: {  	_ =	shalt  }
0x85: {  	_ =	shalt  }
0x86: {  	_ =	shalt  }
0x87: {  	_ =	shalt  }
.Lfunc_end0:
.L_simem_size_0:
called_computation.1_lowered:
.L_overlay_start_0:
0x88: {  	s2 =	sld [smem:$0x3FD9]  }
0x89: {  	s3 =	sld [smem:$0x3FFE];
	_ =	sdelay $0x1  }
0x8a: {  	s1 =	srdreg.scid  }
0x8b: {  	s0 =	sand.u32 $0x1, s1  }
0x8c: {  	s16 =	sshll.u32 s0, $0xA;
	s2 =	sadd.s32 s3, s2  }
0x8d: {  	s2 =	sadd.s32 s2, s16  }
0x8e: {  	[smem:$0x3FB8] =	sst s2  }
0x8f: {  	_ = 	snop  }
0x90: {  	(tm) =	ssettm $0x1  }
0x91: {  	s17 =	sld [smem:$0x3FFB];
	_ =	sdelay $0x3  }
0x92: {  	_ =	strace s17  }
0x93: {  	s2 =	sld [smem:$0x3FFC];
	_ =	sdelay $0x3  }
0x94: {  	_ =	strace s2  }
0x95: {  	s2 =	sld [smem:$0x3FFD];
	_ =	sdelay $0x3  }
0x96: {  	_ =	strace s2  }
0x97: {  	_ =	strace $0x8FFFFFFF  }
0x98: {  	s18 =	sld [smem:$0x3FDB];
	_ =	sdelay $0x1  }
0x99: {  	s19 =	simm.s32 $_scs_section_size  }
0x9a: {  	s4 =	simm.s32 $_size__tile_overlayer_lowered;
	s5 =	simm.s32 $_tile_overlayer_lowered  }
0x9b: {  	s22 =	simm.s32 $0x1BFF;
	s21 =	sshll.u32 s5, $0x1;
	s2 =	sadd.s32 s19, s18  }
0x9c: {  	s6 =	simm.s32 $0x0;
	s20 =	sshll.u32 s4, $0x1;
	s4 =	sadd.s32 s21, s2  }
0x9d: {  	[timem:s6], [sflag:s22] =	dma.local [hbm:s4], s20  }
0x9e: {  	_ =	swait.ge [sflag:s22], s20  }
0x9f: {  	s3 =	ssub.s32 $0x0, s20;
	[sflag:s22] =	ssyncset.done $0x0  }
0xa0: {  	[sflag:s22] =	ssyncadd.s32 s3;
	_ =	sdelay $0x1  }
0xa1: {  	s23 =	simm.s32 $0x1B8B  }
0xa2: {  	_ =	swait.ge [sflag:s23], $0x1  }
0xa3: {  	[sflag:s23] =	ssyncset.done $0x0  }
0xa4: {  	s25 =	simm.s32 $0x1B8E;
	s24 =	sld [smem:$0x3FFE];
	[sflag:s23] =	ssyncadd.s32 $0xFFFFFFFF  }
0xa5: {  	s26 =	simm.s32 $execute0_lowered;
	[smem:$0x3FD2] =	sst s25  }
0xa6: {  	s4 =	sshll.u32 s26, $0x1;
	_ =	strace $0x80000049;
	[dreg:$0x1] =	wrdreg $0xFFFFFFFF  }
0xa7: {  	s28 =	simm.s32 $_size_execute0_lowered;
	s2 =	sadd.s32 s2, s4;
	[dreg:$0x0] =	wrdreg $0x0  }
0xa8: {  	s4 =	sshll.u32 s28, $0x1;
	[dreg:$0x2] =	wrdreg s2  }
0xa9: {  	[dreg:$0x3] =	wrdreg s4  }
0xaa: {  	[dreg:$0x4] =	wrdreg $0xC0  }
0xab: {  	_ =	task [dreg:s6], $0x5FFFF  }
0xac: {  	[dreg:$0x1] =	wrdreg $0xFFFFFFFF  }
0xad: {  	[dreg:$0x0] =	wrdreg $0x60  }
0xae: {  	[dreg:$0x2] =	wrdreg s24  }
0xaf: {  	[dreg:$0x3] =	wrdreg $0xB2200  }
0xb0: {  	[dreg:$0x4] =	wrdreg $0x9  }
0xb1: {  	_ =	task.clear_ibuf [dreg:s6], $0x5FFFF;
	_ =	strace $0x90000049  }
0xb2: {  	s29 =	simm.s32 $0x9;
	_ =	strace $0x8000004B  }
0xb3: {  	_ =	swait.ge [sflag:s29], $0x1  }
0xb4: {  	[sflag:s29] =	ssyncadd.s32 $0xFFFFFFFF  }
0xb5: {  	_ =	strace $0x9000004B  }
0xb6: {  	_ =	sfence  }
0xb7: {  	s30 =	sld [smem:$0x0];
	_ =	sdelay $0x2  }
0xb8: {  	s31 =	sshll.u32 s1, $0xD;
	s1 =	sshrl.u32 s1, $0x2  }
0xb9: {  	s3 =	sand.u32 $0x4000, s31;
	s1 =	sadd.s32 s1, s30  }
0xba: {  	s0 =	sor.u32 s3, s0;
	s1 =	sshll.u32 s1, $0x11  }
0xbb: {  	s0 =	sor.u32 s1, s0  }
0xbc: {  	s0 =	sadd.s32 $0x8F2B, s0  }
0xbd: {  	[sflag:s0] =	ssyncadd.remote.s32 $0x1  }
0xbe: {  	_ =	sfence.sel $0xFFFF  }
0xbf: {  	[dreg:$0x0] =	wrdreg $0xFFFFFFFF;
	(pc) =	sbr.abs _section_cstart, $3  }
0xc0: {  	[dreg:$0x1] =	wrdreg $0xFFFFFFFF  }
0xc1: {  	_ =	task.clear_ibuf [dreg:s6], $0x2FFFF;
	_ =	strace $0x9FFFFFFF  }
0xc2: {  	(tm) =	ssettm $0x7FFFFFFF  }
0xc3: {  	_ =	shalt  }
tec
execute0_lowered:
.L_overlay_start_1:
0x0: {  	(tag) =	ssettag $0x1  }
0x1: {  	s0 =	rddreg [dreg:$0x0]  }
0x2: {  	s1 =	rddreg [dreg:$0x1];
	s2 =	srdreg.scid  }
0x3: {  	s4 =	simm.s32 $0x0;
	s6 =	stileid.u32;
	s29 =	simm.s32 $0x4E20  }
0x4: {  	s30 =	simm.s32 $0x28;
	s31 =	simm.s32 $0x6220;
	s28 =	simm.s32 $0x9E20  }
0x5: {  	s8 =	simm.s32 $0x4;
	s9 =	simm.s32 $0x5;
	s2 =	sand.u32 $0x1, s2  }
0x6: {  	[smem:$0x7FF] =	sst s4;
	s7 =	smul.u32 $0x13880, s6;
	s4 =	sadd.s32 $0x17800, s0  }
0x7: {  	s3 =	sshll.u32 s2, $0x4;
	s5 =	smul.u32 $0x138800, s2;
	_ =	strace $0x8000004A  }
0x8: {  	s2 =	ssub.s32 $0x2, s2;
	s3 =	sor.u32 s6, s3;
	s6 =	smul.u32 $0x4E200, s6  }
0x9: {  	s10 =	sshrl.u32 s2, $0x1;
	s13 =	sadd.s32 s7, s1;
	s3 =	smul.u32 $0x4E2, s3  }
0xa: {  	s5 =	sadd.s32 s7, s5;
	s2 =	ssub.s32 s2, s10;
	s7 =	simm.s32 $0x3  }
0xb: {  	s10 =	simm.s32 $0x0;
	s5 =	sshrl.u32 s5, $0x3;
	s6 =	sshrl.u32 s6, $0x2  }
0xc: {  	s2 =	smax.u32 s2, $0x1;
	s3 =	sadd.s32 s3, s0;
	s0 =	sadd.s32 s5, s0  }
0xd: {  	s6 =	sadd.s32 s6, s1;
	[dreg:$0x7] =	wrdreg s2;
	s2 =	simm.s32 $0x7620  }
0xe: {  	s5 =	simm.s32 $0x2;
	s11 =	sadd.s32 $0xDA00, s3;
	s3 =	sadd.s32 $0x3C00, s3  }
0xf: {  	s12 =	sadd.s32 $0x12480, s6;
	s0 =	sadd.s32 $0x66000, s0;
	s24 =	sadd.s32 $0x1400, s6  }
0x10: {  	s25 =	sadd.s32 $0x2800, s6;
	s26 =	sadd.s32 $0x3C00, s6;
	[dreg:$0x3] =	wrdreg s11  }
0x11: {  	s14 =	sadd.s32 $0x5000, s6;
	s15 =	sadd.s32 $0x6400, s6;
	[dreg:$0x4] =	wrdreg s3  }
0x12: {  	s16 =	sadd.s32 $0x7800, s6;
	s17 =	sadd.s32 $0x8C00, s6;
	[dreg:$0x5] =	wrdreg s12  }
0x13: {  	s18 =	sadd.s32 $0xA000, s6;
	s19 =	sadd.s32 $0xB400, s6;
	[dreg:$0x6] =	wrdreg s0  }
0x14: {  	s20 =	sadd.s32 $0xC800, s6;
	s21 =	sadd.s32 $0xDC00, s6;
	[dreg:$0x8] =	wrdreg s24  }
0x15: {  	s22 =	sadd.s32 $0xF000, s6;
	s23 =	sadd.s32 $0x10400, s6;
	[dreg:$0x9] =	wrdreg s25  }
0x16: {  	[dreg:$0xa] =	wrdreg s26;
	s24 =	sadd.s32 $0x11800, s6;
	s25 =	sshrl.u32 s13, $0x3  }
0x17: {  	v0 =	vimm.f32 $0.0e+00;
	s26 =	simm.s32 $0x6;
	s0 =	simm.s32 $0x8A20;
	s3 =	simm.s32 $0x1  }
.LBB2_1:
0x18: {  	s11 =	simm.s32 $0x0;
	s12 =	rddreg [dreg:$0x3]  }
0x19: {  	[tilespmem:s11], [sflag:$0x6] =	stream.linear.gather [hbm4b:s12+s11], $0x2710, $0x38;
	[tilespmem:$0x1EAA0] =	vst v63  }
0x1a: {  	_ =	swait.ge [sflag:s26], $0x2710  }
0x1b: {  	[sflag:s26] =	ssyncset.done $0x0  }
0x1c: {  	s13 =	simm.s32 $0x2710;
	s12 =	rddreg [dreg:$0x4];
	[sflag:s26] =	ssyncadd.s32 $0xFFFFD8F0  }
0x1d: {  	[tilespmem:s13], [sflag:$0x6] =	stream.linear.gather [hbm4b:s12+s11], $0x2710, $0x38;
	[tilespmem:$0x1EAA0] =	vst v63  }
0x1e: {  	_ =	swait.ge [sflag:s26], $0x2710  }
0x1f: {  	[sflag:s26] =	ssyncset.done $0x0  }
0x20: {  	s11 =	simm.s32 $0x70;
	s12 =	simm.s32 $0x3C0;
	[sflag:s26] =	ssyncadd.s32 $0xFFFFD8F0  }
.LBB2_2:
0x21: {  	p0 =	sne.s32 s12, $0x4FC0;
	[tilespmem:s11+$0x4E20] =	vst v0  }
0x22: {  	[tilespmem:s11+$0x4DB0] =	vst v0  }
0x23: {  	[tilespmem:s11+$0x4DC0] =	vst v0  }
.Ltmp0:
0x24: {  	[tilespmem:s11+$0x4DD0] =	vst v0;
	(pc) =	sbr.rel @p0 .LBB2_2-.Ltmp0, $4  }
0x25: {  	[tilespmem:s11+$0x4DE0] =	vst v0  }
0x26: {  	[tilespmem:s11+$0x4DF0] =	vst v0  }
0x27: {  	[tilespmem:s11+$0x4E00] =	vst v0  }
0x28: {  	[tilespmem:s11+$0x4E10] =	vst v0;
	s11 =	sshra.s32 s12, $0x2;
	s12 =	sadd.s32 $0x200, s12  }
0x29: {  	[tilespmem:s11+$0x4E20] =	vst v0  }
0x2a: {  	[tilespmem:s11+$0x4DB0] =	vst v0  }
0x2b: {  	[tilespmem:s11+$0x4DC0] =	vst v0  }
0x2c: {  	[tilespmem:s11+$0x4DD0] =	vst v0  }
0x2d: {  	[tilespmem:s11+$0x4DE0] =	vst v0  }
0x2e: {  	[tilespmem:s11+$0x4DF0] =	vst v0  }
0x2f: {  	[tilespmem:s11+$0x4E00] =	vst v0  }
0x30: {  	[tilespmem:s11+$0x4E10] =	vst v0  }
0x31: {  	[spmem:s6] =	stream.linear.scatter [tilespmem:s29], [sflag:$0x6], $0x1400, $0x38;
	[tilespmem:$0x1EAA0] =	vst v63  }
0x32: {  	_ =	swait.ge [sflag:s26], $0x1400  }
0x33: {  	[sflag:s26] =	ssyncset.done $0x0  }
0x34: {  	s13 =	rddreg [dreg:$0x8];
	[sflag:s26] =	ssyncadd.s32 $0xFFFFEC00  }
0x35: {  	[spmem:s13] =	stream.linear.scatter [tilespmem:s29], [sflag:$0x6], $0x1400, $0x38;
	[tilespmem:$0x1EAA0] =	vst v63  }
0x36: {  	_ =	swait.ge [sflag:s26], $0x1400  }
0x37: {  	[sflag:s26] =	ssyncset.done $0x0  }
0x38: {  	s12 =	rddreg [dreg:$0x9];
	[sflag:s26] =	ssyncadd.s32 $0xFFFFEC00  }
0x39: {  	[spmem:s12] =	stream.linear.scatter [tilespmem:s29], [sflag:$0x6], $0x1400, $0x38;
	[tilespmem:$0x1EAA0] =	vst v63  }
0x3a: {  	_ =	swait.ge [sflag:s26], $0x1400  }
0x3b: {  	[sflag:s26] =	ssyncset.done $0x0  }
0x3c: {  	s13 =	rddreg [dreg:$0xa];
	[sflag:s26] =	ssyncadd.s32 $0xFFFFEC00  }
0x3d: {  	[spmem:s13] =	stream.linear.scatter [tilespmem:s29], [sflag:$0x6], $0x1400, $0x38;
	[tilespmem:$0x1EAA0] =	vst v63  }
0x3e: {  	_ =	swait.ge [sflag:s26], $0x1400  }
0x3f: {  	[sflag:s26] =	ssyncset.done $0x0  }
0x40: {  	[sflag:s26] =	ssyncadd.s32 $0xFFFFEC00  }
0x41: {  	[spmem:s14] =	stream.linear.scatter [tilespmem:s29], [sflag:$0x6], $0x1400, $0x38;
	[tilespmem:$0x1EAA0] =	vst v63  }
0x42: {  	_ =	swait.ge [sflag:s26], $0x1400  }
0x43: {  	[sflag:s26] =	ssyncset.done $0x0  }
0x44: {  	[sflag:s26] =	ssyncadd.s32 $0xFFFFEC00  }
0x45: {  	[spmem:s15] =	stream.linear.scatter [tilespmem:s29], [sflag:$0x6], $0x1400, $0x38;
	[tilespmem:$0x1EAA0] =	vst v63  }
0x46: {  	_ =	swait.ge [sflag:s26], $0x1400  }
0x47: {  	[sflag:s26] =	ssyncset.done $0x0  }
0x48: {  	[sflag:s26] =	ssyncadd.s32 $0xFFFFEC00  }
0x49: {  	[spmem:s16] =	stream.linear.scatter [tilespmem:s29], [sflag:$0x6], $0x1400, $0x38;
	[tilespmem:$0x1EAA0] =	vst v63  }
0x4a: {  	_ =	swait.ge [sflag:s26], $0x1400  }
0x4b: {  	[sflag:s26] =	ssyncset.done $0x0  }
0x4c: {  	[sflag:s26] =	ssyncadd.s32 $0xFFFFEC00  }
0x4d: {  	[spmem:s17] =	stream.linear.scatter [tilespmem:s29], [sflag:$0x6], $0x1400, $0x38;
	[tilespmem:$0x1EAA0] =	vst v63  }
0x4e: {  	_ =	swait.ge [sflag:s26], $0x1400  }
0x4f: {  	[sflag:s26] =	ssyncset.done $0x0  }
0x50: {  	[sflag:s26] =	ssyncadd.s32 $0xFFFFEC00  }
0x51: {  	[spmem:s18] =	stream.linear.scatter [tilespmem:s29], [sflag:$0x6], $0x1400, $0x38;
	[tilespmem:$0x1EAA0] =	vst v63  }
0x52: {  	_ =	swait.ge [sflag:s26], $0x1400  }
0x53: {  	[sflag:s26] =	ssyncset.done $0x0  }
0x54: {  	[sflag:s26] =	ssyncadd.s32 $0xFFFFEC00  }
0x55: {  	[spmem:s19] =	stream.linear.scatter [tilespmem:s29], [sflag:$0x6], $0x1400, $0x38;
	[tilespmem:$0x1EAA0] =	vst v63  }
0x56: {  	_ =	swait.ge [sflag:s26], $0x1400  }
0x57: {  	[sflag:s26] =	ssyncset.done $0x0  }
0x58: {  	[sflag:s26] =	ssyncadd.s32 $0xFFFFEC00  }
0x59: {  	[spmem:s20] =	stream.linear.scatter [tilespmem:s29], [sflag:$0x6], $0x1400, $0x38;
	[tilespmem:$0x1EAA0] =	vst v63  }
0x5a: {  	_ =	swait.ge [sflag:s26], $0x1400  }
0x5b: {  	[sflag:s26] =	ssyncset.done $0x0  }
0x5c: {  	[sflag:s26] =	ssyncadd.s32 $0xFFFFEC00  }
0x5d: {  	[spmem:s21] =	stream.linear.scatter [tilespmem:s29], [sflag:$0x6], $0x1400, $0x38;
	[tilespmem:$0x1EAA0] =	vst v63  }
0x5e: {  	_ =	swait.ge [sflag:s26], $0x1400  }
0x5f: {  	[sflag:s26] =	ssyncset.done $0x0  }
0x60: {  	[sflag:s26] =	ssyncadd.s32 $0xFFFFEC00  }
0x61: {  	[spmem:s22] =	stream.linear.scatter [tilespmem:s29], [sflag:$0x6], $0x1400, $0x38;
	[tilespmem:$0x1EAA0] =	vst v63  }
0x62: {  	_ =	swait.ge [sflag:s26], $0x1400  }
0x63: {  	[sflag:s26] =	ssyncset.done $0x0  }
0x64: {  	[sflag:s26] =	ssyncadd.s32 $0xFFFFEC00  }
0x65: {  	[spmem:s23] =	stream.linear.scatter [tilespmem:s29], [sflag:$0x6], $0x1400, $0x38;
	[tilespmem:$0x1EAA0] =	vst v63  }
0x66: {  	_ =	swait.ge [sflag:s26], $0x1400  }
0x67: {  	[sflag:s26] =	ssyncset.done $0x0  }
0x68: {  	[sflag:s26] =	ssyncadd.s32 $0xFFFFEC00  }
0x69: {  	[spmem:s24] =	stream.linear.scatter [tilespmem:s29], [sflag:$0x6], $0x1400, $0x38;
	[tilespmem:$0x1EAA0] =	vst v63  }
0x6a: {  	_ =	swait.ge [sflag:s26], $0x1400  }
0x6b: {  	[sflag:s26] =	ssyncset.done $0x0  }
0x6c: {  	s12 =	rddreg [dreg:$0x5];
	[sflag:s26] =	ssyncadd.s32 $0xFFFFEC00  }
0x6d: {  	[spmem:s12] =	stream.linear.scatter [tilespmem:s29], [sflag:$0x6], $0x1400, $0x38;
	[tilespmem:$0x1EAA0] =	vst v63  }
0x6e: {  	_ =	swait.ge [sflag:s26], $0x1400  }
0x6f: {  	[sflag:s26] =	ssyncset.done $0x0  }
0x70: {  	[sflag:s26] =	ssyncadd.s32 $0xFFFFEC00  }
0x71: {  	s13 =	simm.s32 $0x0;
	[bflag:$0x0] =	sbarrier.arrive $0xFFFF  }
0x72: {  	[tilespmem:s29], [sflag:$0x1] =	stream.indirect.gather [hbm4b:s4+s30], $0x80, s13, s30, $0xb8;
	[tilespmem:$0x1EAA0] =	vst v63  }
0x73: {  	_ = 	snop  }
0x74: {  	[tilespmem:s31], [sflag:$0x2] =	stream.indirect.gather [hbm4b:s4+s30], $0x80, s30, s30, $0xb8;
	[tilespmem:$0x1EAA0] =	vst v63  }
0x75: {  	s12 =	simm.s32 $0x50  }
0x76: {  	[tilespmem:s2], [sflag:$0x3] =	stream.indirect.gather [hbm4b:s4+s30], $0x80, s12, s30, $0xb8;
	[tilespmem:$0x1EAA0] =	vst v63  }
0x77: {  	s13 =	simm.s32 $0x78  }
0x78: {  	[tilespmem:s0], [sflag:$0x4] =	stream.indirect.gather [hbm4b:s4+s30], $0x80, s13, s30, $0xb8;
	[tilespmem:$0x1EAA0] =	vst v63  }
0x79: {  	s12 =	simm.s32 $0xA0  }
0x7a: {  	[tilespmem:s28], [sflag:$0x5] =	stream.indirect.gather [hbm4b:s4+s30], $0x80, s12, s30, $0xb8;
	[tilespmem:$0x1EAA0] =	vst v63  }
0x7b: {  	_ =	swait.ge [sflag:s3], $0x1400  }
0x7c: {  	[sflag:s3] =	ssyncset.done $0x0  }
0x7d: {  	s13 =	simm.s32 $0x2710;
	[sflag:s3] =	ssyncadd.s32 $0xFFFFEC00  }
0x7e: {  	[spmem:s1] =	stream.indirect.scatter.add.f32 [tilespmem:s29], [sflag:$0x6], $0x80, s13, s30, $0xb8;
	[tilespmem:$0x1EAA0] =	vst v63  }
0x7f: {  	_ =	swait.ge [sflag:s26], $0x1400  }
0x80: {  	[sflag:s26] =	ssyncset.done $0x0  }
0x81: {  	s12 =	simm.s32 $0xC8;
	[sflag:s26] =	ssyncadd.s32 $0xFFFFEC00  }
0x82: {  	[tilespmem:s29], [sflag:$0x1] =	stream.indirect.gather [hbm4b:s4+s30], $0x80, s12, s30, $0xb8;
	[tilespmem:$0x1EAA0] =	vst v63  }
0x83: {  	_ =	swait.ge [sflag:s5], $0x1400  }
0x84: {  	[sflag:s5] =	ssyncset.done $0x0  }
0x85: {  	s13 =	simm.s32 $0x2738;
	[sflag:s5] =	ssyncadd.s32 $0xFFFFEC00  }
0x86: {  	[spmem:s1] =	stream.indirect.scatter.add.f32 [tilespmem:s31], [sflag:$0x6], $0x80, s13, s30, $0xb8;
	[tilespmem:$0x1EAA0] =	vst v63  }
0x87: {  	_ =	swait.ge [sflag:s26], $0x1400  }
0x88: {  	[sflag:s26] =	ssyncset.done $0x0  }
0x89: {  	s12 =	simm.s32 $0xF0;
	[sflag:s26] =	ssyncadd.s32 $0xFFFFEC00  }
0x8a: {  	[tilespmem:s31], [sflag:$0x2] =	stream.indirect.gather [hbm4b:s4+s30], $0x80, s12, s30, $0xb8;
	[tilespmem:$0x1EAA0] =	vst v63  }
0x8b: {  	_ =	swait.ge [sflag:s7], $0x1400  }
0x8c: {  	[sflag:s7] =	ssyncset.done $0x0  }
0x8d: {  	s13 =	simm.s32 $0x2760;
	[sflag:s7] =	ssyncadd.s32 $0xFFFFEC00  }
0x8e: {  	[spmem:s1] =	stream.indirect.scatter.add.f32 [tilespmem:s2], [sflag:$0x6], $0x80, s13, s30, $0xb8;
	[tilespmem:$0x1EAA0] =	vst v63  }
0x8f: {  	_ =	swait.ge [sflag:s26], $0x1400  }
0x90: {  	[sflag:s26] =	ssyncset.done $0x0  }
0x91: {  	s12 =	simm.s32 $0x118;
	[sflag:s26] =	ssyncadd.s32 $0xFFFFEC00  }
0x92: {  	[tilespmem:s2], [sflag:$0x3] =	stream.indirect.gather [hbm4b:s4+s30], $0x80, s12, s30, $0xb8;
	[tilespmem:$0x1EAA0] =	vst v63  }
0x93: {  	_ =	swait.ge [sflag:s8], $0x1400  }
0x94: {  	[sflag:s8] =	ssyncset.done $0x0  }
0x95: {  	s13 =	simm.s32 $0x2788;
	[sflag:s8] =	ssyncadd.s32 $0xFFFFEC00  }
0x96: {  	[spmem:s1] =	stream.indirect.scatter.add.f32 [tilespmem:s0], [sflag:$0x6], $0x80, s13, s30, $0xb8;
	[tilespmem:$0x1EAA0] =	vst v63  }
0x97: {  	_ =	swait.ge [sflag:s26], $0x1400  }
0x98: {  	[sflag:s26] =	ssyncset.done $0x0  }
0x99: {  	s12 =	simm.s32 $0x140;
	[sflag:s26] =	ssyncadd.s32 $0xFFFFEC00  }
0x9a: {  	[tilespmem:s0], [sflag:$0x4] =	stream.indirect.gather [hbm4b:s4+s30], $0x80, s12, s30, $0xb8;
	[tilespmem:$0x1EAA0] =	vst v63  }
0x9b: {  	_ =	swait.ge [sflag:s9], $0x1400  }
0x9c: {  	[sflag:s9] =	ssyncset.done $0x0  }
0x9d: {  	s13 =	simm.s32 $0x27B0;
	[sflag:s9] =	ssyncadd.s32 $0xFFFFEC00  }
0x9e: {  	[spmem:s1] =	stream.indirect.scatter.add.f32 [tilespmem:s28], [sflag:$0x6], $0x80, s13, s30, $0xb8;
	[tilespmem:$0x1EAA0] =	vst v63  }
0x9f: {  	_ =	swait.ge [sflag:s26], $0x1400  }
0xa0: {  	[sflag:s26] =	ssyncset.done $0x0  }
0xa1: {  	s11 =	simm.s32 $0x320;
	s12 =	simm.s32 $0x168;
	[sflag:s26] =	ssyncadd.s32 $0xFFFFEC00  }
.LBB2_4:
0xa2: {  	[tilespmem:s28], [sflag:$0x5] =	stream.indirect.gather [hbm4b:s4+s30], $0x80, s12, s30, $0xb8;
	[tilespmem:$0x1EAA0] =	vst v63  }
0xa3: {  	s12 =	smov.u32 s11  }
0xa4: {  	p0 =	sne.s32 s11, $0x9600;
	s11 =	sadd.s32 $0x320, s11;
	_ =	swait.ge [sflag:s3], $0x1400  }
0xa5: {  	s12 =	sshra.s32 s12, $0x2;
	[sflag:s3] =	ssyncset.done $0x0  }
0xa6: {  	s13 =	sadd.s32 $0x2710, s12;
	[sflag:s3] =	ssyncadd.s32 $0xFFFFEC00  }
0xa7: {  	[spmem:s1] =	stream.indirect.scatter.add.f32 [tilespmem:s29], [sflag:$0x6], $0x80, s13, s30, $0xb8;
	[tilespmem:$0x1EAA0] =	vst v63  }
0xa8: {  	_ =	swait.ge [sflag:s26], $0x1400  }
0xa9: {  	[sflag:s26] =	ssyncset.done $0x0  }
0xaa: {  	s13 =	sadd.s32 $0xC8, s12;
	[sflag:s26] =	ssyncadd.s32 $0xFFFFEC00  }
0xab: {  	[tilespmem:s29], [sflag:$0x1] =	stream.indirect.gather [hbm4b:s4+s30], $0x80, s13, s30, $0xb8;
	[tilespmem:$0x1EAA0] =	vst v63  }
0xac: {  	_ =	swait.ge [sflag:s5], $0x1400  }
0xad: {  	[sflag:s5] =	ssyncset.done $0x0  }
0xae: {  	s13 =	sadd.s32 $0x2738, s12;
	[sflag:s5] =	ssyncadd.s32 $0xFFFFEC00  }
0xaf: {  	[spmem:s1] =	stream.indirect.scatter.add.f32 [tilespmem:s31], [sflag:$0x6], $0x80, s13, s30, $0xb8;
	[tilespmem:$0x1EAA0] =	vst v63  }
0xb0: {  	_ =	swait.ge [sflag:s26], $0x1400  }
0xb1: {  	[sflag:s26] =	ssyncset.done $0x0  }
0xb2: {  	s13 =	sadd.s32 $0xF0, s12;
	[sflag:s26] =	ssyncadd.s32 $0xFFFFEC00  }
0xb3: {  	[tilespmem:s31], [sflag:$0x2] =	stream.indirect.gather [hbm4b:s4+s30], $0x80, s13, s30, $0xb8;
	[tilespmem:$0x1EAA0] =	vst v63  }
0xb4: {  	_ =	swait.ge [sflag:s7], $0x1400  }
0xb5: {  	[sflag:s7] =	ssyncset.done $0x0  }
0xb6: {  	s13 =	sadd.s32 $0x2760, s12;
	[sflag:s7] =	ssyncadd.s32 $0xFFFFEC00  }
0xb7: {  	[spmem:s1] =	stream.indirect.scatter.add.f32 [tilespmem:s2], [sflag:$0x6], $0x80, s13, s30, $0xb8;
	[tilespmem:$0x1EAA0] =	vst v63  }
0xb8: {  	_ =	swait.ge [sflag:s26], $0x1400  }
0xb9: {  	[sflag:s26] =	ssyncset.done $0x0  }
0xba: {  	s13 =	sadd.s32 $0x118, s12;
	[sflag:s26] =	ssyncadd.s32 $0xFFFFEC00  }
0xbb: {  	[tilespmem:s2], [sflag:$0x3] =	stream.indirect.gather [hbm4b:s4+s30], $0x80, s13, s30, $0xb8;
	[tilespmem:$0x1EAA0] =	vst v63  }
0xbc: {  	_ =	swait.ge [sflag:s8], $0x1400  }
0xbd: {  	[sflag:s8] =	ssyncset.done $0x0  }
0xbe: {  	s13 =	sadd.s32 $0x2788, s12;
	[sflag:s8] =	ssyncadd.s32 $0xFFFFEC00  }
0xbf: {  	[spmem:s1] =	stream.indirect.scatter.add.f32 [tilespmem:s0], [sflag:$0x6], $0x80, s13, s30, $0xb8;
	[tilespmem:$0x1EAA0] =	vst v63  }
0xc0: {  	_ =	swait.ge [sflag:s26], $0x1400  }
0xc1: {  	[sflag:s26] =	ssyncset.done $0x0  }
0xc2: {  	s13 =	sadd.s32 $0x140, s12;
	[sflag:s26] =	ssyncadd.s32 $0xFFFFEC00  }
0xc3: {  	[tilespmem:s0], [sflag:$0x4] =	stream.indirect.gather [hbm4b:s4+s30], $0x80, s13, s30, $0xb8;
	[tilespmem:$0x1EAA0] =	vst v63  }
0xc4: {  	_ =	swait.ge [sflag:s9], $0x1400  }
0xc5: {  	[sflag:s9] =	ssyncset.done $0x0  }
.Ltmp1:
0xc6: {  	s13 =	sadd.s32 $0x27B0, s12;
	[sflag:s9] =	ssyncadd.s32 $0xFFFFEC00;
	(pc) =	sbr.rel @p0 .LBB2_4-.Ltmp1, $4  }
0xc7: {  	[spmem:s1] =	stream.indirect.scatter.add.f32 [tilespmem:s28], [sflag:$0x6], $0x80, s13, s30, $0xb8;
	[tilespmem:$0x1EAA0] =	vst v63  }
0xc8: {  	_ =	swait.ge [sflag:s26], $0x1400  }
0xc9: {  	[sflag:s26] =	ssyncset.done $0x0  }
0xca: {  	s12 =	sadd.s32 $0x168, s12;
	[sflag:s26] =	ssyncadd.s32 $0xFFFFEC00  }
0xcb: {  	[tilespmem:s28], [sflag:$0x5] =	stream.indirect.gather [hbm4b:s4+s30], $0x80, s12, s30, $0xb8;
	[tilespmem:$0x1EAA0] =	vst v63  }
0xcc: {  	_ =	swait.ge [sflag:s3], $0x1400  }
0xcd: {  	[sflag:s3] =	ssyncset.done $0x0  }
0xce: {  	s11 =	simm.s32 $0x4D58;
	[sflag:s3] =	ssyncadd.s32 $0xFFFFEC00  }
0xcf: {  	[spmem:s1] =	stream.indirect.scatter.add.f32 [tilespmem:s29], [sflag:$0x6], $0x80, s11, s30, $0xb8;
	[tilespmem:$0x1EAA0] =	vst v63  }
0xd0: {  	_ =	swait.ge [sflag:s26], $0x1400  }
0xd1: {  	[sflag:s26] =	ssyncset.done $0x0  }
0xd2: {  	[sflag:s26] =	ssyncadd.s32 $0xFFFFEC00  }
0xd3: {  	_ =	swait.ge [sflag:s5], $0x1400  }
0xd4: {  	[sflag:s5] =	ssyncset.done $0x0  }
0xd5: {  	s12 =	simm.s32 $0x4D80;
	[sflag:s5] =	ssyncadd.s32 $0xFFFFEC00  }
0xd6: {  	[spmem:s1] =	stream.indirect.scatter.add.f32 [tilespmem:s31], [sflag:$0x6], $0x80, s12, s30, $0xb8;
	[tilespmem:$0x1EAA0] =	vst v63  }
0xd7: {  	_ =	swait.ge [sflag:s26], $0x1400  }
0xd8: {  	[sflag:s26] =	ssyncset.done $0x0  }
0xd9: {  	[sflag:s26] =	ssyncadd.s32 $0xFFFFEC00  }
0xda: {  	_ =	swait.ge [sflag:s7], $0x1400  }
0xdb: {  	[sflag:s7] =	ssyncset.done $0x0  }
0xdc: {  	s13 =	simm.s32 $0x4DA8;
	[sflag:s7] =	ssyncadd.s32 $0xFFFFEC00  }
0xdd: {  	[spmem:s1] =	stream.indirect.scatter.add.f32 [tilespmem:s2], [sflag:$0x6], $0x80, s13, s30, $0xb8;
	[tilespmem:$0x1EAA0] =	vst v63  }
0xde: {  	_ =	swait.ge [sflag:s26], $0x1400  }
0xdf: {  	[sflag:s26] =	ssyncset.done $0x0  }
0xe0: {  	[sflag:s26] =	ssyncadd.s32 $0xFFFFEC00  }
0xe1: {  	_ =	swait.ge [sflag:s8], $0x1400  }
0xe2: {  	[sflag:s8] =	ssyncset.done $0x0  }
0xe3: {  	s12 =	simm.s32 $0x4DD0;
	[sflag:s8] =	ssyncadd.s32 $0xFFFFEC00  }
0xe4: {  	[spmem:s1] =	stream.indirect.scatter.add.f32 [tilespmem:s0], [sflag:$0x6], $0x80, s12, s30, $0xb8;
	[tilespmem:$0x1EAA0] =	vst v63  }
0xe5: {  	_ =	swait.ge [sflag:s26], $0x1400  }
0xe6: {  	[sflag:s26] =	ssyncset.done $0x0  }
0xe7: {  	[sflag:s26] =	ssyncadd.s32 $0xFFFFEC00  }
0xe8: {  	_ =	swait.ge [sflag:s9], $0x1400  }
0xe9: {  	[sflag:s9] =	ssyncset.done $0x0  }
0xea: {  	s13 =	simm.s32 $0x4DF8;
	[sflag:s9] =	ssyncadd.s32 $0xFFFFEC00  }
0xeb: {  	[spmem:s1] =	stream.indirect.scatter.add.f32 [tilespmem:s28], [sflag:$0x6], $0x80, s13, s30, $0xb8;
	[tilespmem:$0x1EAA0] =	vst v63  }
0xec: {  	_ =	swait.ge [sflag:s26], $0x1400  }
0xed: {  	[sflag:s26] =	ssyncset.done $0x0  }
0xee: {  	s12 =	stileid.u32;
	[sflag:s26] =	ssyncadd.s32 $0xFFFFEC00  }
0xef: {  	s11 =	sshll.u32 s12, $0x6;
	[bflag:$0x0] =	sbarrier.arrive $0xFFFF  }
0xf0: {  	s11 =	sor.u32 $0x1C06, s11;
	s13 =	rddreg [dreg:$0x6]  }
0xf1: {  	[hbm:s13], [sflag:s11] =	dma.local [spmem:s25], $0x2710  }
0xf2: {  	_ =	swait.ge [sflag:s26], $0x2710  }
0xf3: {  	s10 =	sadd.s32 $0x1, s10;
	s13 =	rddreg [dreg:$0x7]  }
0xf4: {  	p0 =	sne.s32 s10, s13  }
.Ltmp2:
0xf5: {  	_ = 	snop;
	(pc) =	sbr.rel @p0 .LBB2_1-.Ltmp2, $3  }
0xf6: {  	_ =	sdelay $0x1  }
0xf7: {  	[sflag:s26] =	ssyncset.done $0x0  }
0xf8: {  	[sflag:s26] =	ssyncadd.s32 $0xFFFFD8F0  }
0xf9: {  	_ =	sfence.sel $0x180000  }
0xfa: {  	[bflag:$0x0] =	sbarrier.arrive $0xFFFF  }
0xfb: {  	_ =	strace $0x9000004A  }
0xfc: {  	s0 =	stileid.u32;
	[bflag:$0x2] =	sbarrier.arrive $0xFFFF  }
0xfd: {  	p0 =	sne.s32 s0, $0x0;
	s0 =	rddreg [dreg:$0x2]  }
0xfe: {  	s0 =	sadd.s32 @!p0 $0x100000, s0  }
0xff: {  	[sflag:s0] =	ssyncadd.tile.s32 @!p0 $0x1;
	_ =	shalt  }
.Lfunc_end2:
_tile_overlayer_lowered:
.L_overlay_start_2:
0x100: {  	(tag) =	ssettag $0x2  }
0x101: {  	s0 =	rddreg [dreg:$0x0];
	s2 =	stileid.u32  }
0x102: {  	s1 =	rddreg [dreg:$0x1];
	p0 =	sne.s32 s2, $0x0  }
0x103: {  	s3 =	rddreg [dreg:$0x2];
	[bflag:$0x3] =	sbarrier.arrive $0xFFFF;
	s2 =	simm.s32 @!p0 $0x1C06  }
0x104: {  	[timem:s3], [sflag:s2] =	dma.local @!p0 [hbm:s0], s1  }
0x105: {  	s0 =	simm.s32 @!p0 $0x6  }
0x106: {  	_ =	swait.ge @!p0 [sflag:s0], s1  }
0x107: {  	s1 =	ssub.s32 @!p0 $0x0, s1;
	[sflag:s0] =	ssyncset.done @!p0 $0x0  }
0x108: {  	[sflag:s0] =	ssyncadd.s32 @!p0 s1  }
0x109: {  	[bflag:$0x3] =	sbarrier.arrive $0xFFFF  }
0x10a: {  	_ =	shalt  }

// kernel: kernel.16.cloned.1.call-start
scs
__scs_entry_jumppad:
0x0: {  	(pc) =	sbr.rel $0x88, $3  }
0x1: {  	(tag) =	ssettag $0x0;
	lr =	simm.s32 $0x1  }
0x2: {  	[smem:$0x3F91] =	sst lr;
	_ =	strace $0xD0000000  }
0x3: {  	_ = 	snop  }
0x4: {  	_ = 	snop  }
0x5: {  	_ = 	snop  }
0x6: {  	_ = 	snop  }
0x7: {  	_ = 	snop  }
__scs_overlays_trampoline_lowered:
0x8: {  	[smem:$0x3FA0] =	sst s0  }
0x9: {  	[smem:$0x3FA1] =	sst s1  }
0xa: {  	[smem:$0x3FA2] =	sst s2  }
0xb: {  	[smem:$0x3FA3] =	sst s3  }
0xc: {  	[smem:$0x3FA4] =	sst s4  }
0xd: {  	[smem:$0x3FA5] =	sst s5  }
0xe: {  	[smem:$0x3FA6] =	sst s6  }
0xf: {  	[smem:$0x3FA7] =	sst s7  }
0x10: {  	[smem:$0x3FA8] =	sst s8  }
0x11: {  	[smem:$0x3FA9] =	sst s9;
	s0 =	simm.s32 @!p0 $0x0  }
0x12: {  	s1 =	sld [smem:$0x3F8F];
	s0 =	simm.s32 @p0 $0x1  }
0x13: {  	[smem:$0x3FAA] =	sst s0;
	s0 =	simm.s32 @!p1 $0x0  }
0x14: {  	s2 =	sld [smem:$0x3F8E];
	s0 =	simm.s32 @p1 $0x1  }
0x15: {  	[smem:$0x3FAB] =	sst s0;
	s0 =	simm.s32 @!p2 $0x0  }
0x16: {  	s3 =	sld [smem:$0x3FDB];
	s0 =	simm.s32 @p2 $0x1  }
0x17: {  	s4 =	simm.s32 $0x1BF5;
	[smem:$0x3FAD] =	sst s0  }
0x18: {  	s0 =	sld [smem:$0x3F90];
	_ =	swait.ge [sflag:s4], $0x0  }
0x19: {  	s7 =	sld [smem:$0x3F91]  }
0x1a: {  	s8 =	sadd.s32 $0xFFFFE003, lr  }
0x1b: {  	s9 =	sadd.s32 $0xFFFFFEF7, lr;
	s5 =	simm.s32 $0xFFFFFFFF;
	p2 =	slt.u32 s8, $0xFFFFF086  }
0x1c: {  	p1 =	slt.u32 s9, $0xF7A;
	s5 =	simm.s32 @!p2 $0x0  }
0x1d: {  	s5 =	simm.s32 @p1 $0x1;
	p0 =	seq.s32 s7, s2  }
0x1e: {  	s7 =	smul.u32 @!p0 $0xF7A, s2;
	p2 =	seq.s32 @!p0 s5, $0x0  }
0x1f: {  	s9 =	smul.u32 $0xF7A, s1;
	s8 =	simm.s32 @!p0 $0x1BF5;
	p2 =	por !p2, p0  }
0x20: {  	[sflag:s8] =	ssyncset.s32 @!p0 $0xFFFFF086;
	s6 =	sadd.s32 @!p0 s3, s7;
	s7 =	simm.s32 @!p0 $0x108  }
0x21: {  	s3 =	sadd.s32 s3, s9;
	s6 =	sadd.s32 @!p0 $0x88, s6;
	s7 =	simm.s32 @p2 $0x1082  }
0x22: {  	[simem:s7], [sflag:s8] =	dma.local @!p0 [hbm:s6], $0xF7A  }
0x23: {  	s9 =	sor.u32 $0xD0000000, s2;
	s6 =	simm.s32 $0x108;
	_ =	swait.ge @!p0 [sflag:s8], $0x0  }
0x24: {  	s3 =	sadd.s32 $0x88, s3;
	s6 =	simm.s32 @!p1 $0x1082;
	[sflag:s4] =	ssyncset.s32 $0xFFFFF086  }
0x25: {  	[simem:s6], [sflag:s4] =	dma.local [hbm:s3], $0xF7A  }
0x26: {  	[smem:$0x3F91] =	sst s1;
	(tag) =	ssettag s2;
	_ =	strace s9  }
0x27: {  	s1 =	sld [smem:$0x3FA1]  }
0x28: {  	s2 =	sld [smem:$0x3FA2]  }
0x29: {  	s4 =	sld [smem:$0x3FA4]  }
0x2a: {  	p0 =	seq.s32 s5, $0x0;
	s5 =	sld [smem:$0x3FA5]  }
0x2b: {  	s6 =	sld [smem:$0x3FA6]  }
0x2c: {  	s7 =	sld [smem:$0x3FA7]  }
0x2d: {  	s3 =	simm.s32 $0x108;
	s8 =	sld [smem:$0x3FA8]  }
0x2e: {  	s3 =	simm.s32 @!p0 $0x1082;
	s9 =	sld [smem:$0x3FA9]  }
0x2f: {  	lr =	sadd.s32 s0, s3;
	s0 =	sld [smem:$0x3FA0]  }
0x30: {  	s3 =	sld [smem:$0x3FA3]  }
0x31: {  	[smem:$0x3FAC] =	sst s10  }
0x32: {  	s10 =	sld [smem:$0x3FAA];
	_ =	sdelay $0x3  }
0x33: {  	p0 =	seq.s32 s10, $0x1;
	s10 =	sld [smem:$0x3FAC];
	_ =	sdelay $0x3  }
0x34: {  	[smem:$0x3FAC] =	sst s10  }
0x35: {  	s10 =	sld [smem:$0x3FAB];
	_ =	sdelay $0x3  }
0x36: {  	p1 =	seq.s32 s10, $0x1;
	s10 =	sld [smem:$0x3FAC];
	_ =	sdelay $0x3  }
0x37: {  	[smem:$0x3FAC] =	sst s10  }
0x38: {  	s10 =	sld [smem:$0x3FAD]  }
0x39: {  	_ = 	snop;
	(pc) =	sbr.ind lr, $3  }
0x3a: {  	_ = 	snop  }
0x3b: {  	_ = 	snop  }
0x3c: {  	p2 =	seq.s32 s10, $0x1;
	s10 =	sld [smem:$0x3FAC]  }
0x3d: {  	_ =	shalt  }
0x3e: {  	_ =	shalt  }
0x3f: {  	_ =	shalt  }
0x40: {  	_ =	shalt  }
0x41: {  	_ =	shalt  }
0x42: {  	_ =	shalt  }
0x43: {  	_ =	shalt  }
0x44: {  	_ =	shalt  }
0x45: {  	_ =	shalt  }
0x46: {  	_ =	shalt  }
0x47: {  	_ =	shalt  }
0x48: {  	_ =	shalt  }
0x49: {  	_ =	shalt  }
0x4a: {  	_ =	shalt  }
0x4b: {  	_ =	shalt  }
0x4c: {  	_ =	shalt  }
0x4d: {  	_ =	shalt  }
0x4e: {  	_ =	shalt  }
0x4f: {  	_ =	shalt  }
0x50: {  	_ =	shalt  }
0x51: {  	_ =	shalt  }
0x52: {  	_ =	shalt  }
0x53: {  	_ =	shalt  }
0x54: {  	_ =	shalt  }
0x55: {  	_ =	shalt  }
0x56: {  	_ =	shalt  }
0x57: {  	_ =	shalt  }
0x58: {  	_ =	shalt  }
0x59: {  	_ =	shalt  }
0x5a: {  	_ =	shalt  }
0x5b: {  	_ =	shalt  }
0x5c: {  	_ =	shalt  }
0x5d: {  	_ =	shalt  }
0x5e: {  	_ =	shalt  }
0x5f: {  	_ =	shalt  }
0x60: {  	_ =	shalt  }
0x61: {  	_ =	shalt  }
0x62: {  	_ =	shalt  }
0x63: {  	_ =	shalt  }
0x64: {  	_ =	shalt  }
0x65: {  	_ =	shalt  }
0x66: {  	_ =	shalt  }
0x67: {  	_ =	shalt  }
0x68: {  	_ =	shalt  }
0x69: {  	_ =	shalt  }
0x6a: {  	_ =	shalt  }
0x6b: {  	_ =	shalt  }
0x6c: {  	_ =	shalt  }
0x6d: {  	_ =	shalt  }
0x6e: {  	_ =	shalt  }
0x6f: {  	_ =	shalt  }
0x70: {  	_ =	shalt  }
0x71: {  	_ =	shalt  }
0x72: {  	_ =	shalt  }
0x73: {  	_ =	shalt  }
0x74: {  	_ =	shalt  }
0x75: {  	_ =	shalt  }
0x76: {  	_ =	shalt  }
0x77: {  	_ =	shalt  }
0x78: {  	_ =	shalt  }
0x79: {  	_ =	shalt  }
0x7a: {  	_ =	shalt  }
0x7b: {  	_ =	shalt  }
0x7c: {  	_ =	shalt  }
0x7d: {  	_ =	shalt  }
0x7e: {  	_ =	shalt  }
0x7f: {  	_ =	shalt  }
0x80: {  	_ =	shalt  }
0x81: {  	_ =	shalt  }
0x82: {  	_ =	shalt  }
0x83: {  	_ =	shalt  }
0x84: {  	_ =	shalt  }
0x85: {  	_ =	shalt  }
0x86: {  	_ =	shalt  }
0x87: {  	_ =	shalt  }
.Lfunc_end0:
.L_simem_size_0:
called_computation.2_lowered:
.L_overlay_start_0:
0x88: {  	s2 =	sld [smem:$0x3FD9]  }
0x89: {  	s3 =	sld [smem:$0x3FFE];
	_ =	sdelay $0x1  }
0x8a: {  	s1 =	srdreg.scid  }
0x8b: {  	s0 =	sand.u32 $0x1, s1  }
0x8c: {  	s16 =	sshll.u32 s0, $0xA;
	s2 =	sadd.s32 s3, s2  }
0x8d: {  	s2 =	sadd.s32 s2, s16  }
0x8e: {  	[smem:$0x3FB8] =	sst s2  }
0x8f: {  	_ = 	snop  }
0x90: {  	(tm) =	ssettm $0x1  }
0x91: {  	s17 =	sld [smem:$0x3FFB];
	_ =	sdelay $0x3  }
0x92: {  	_ =	strace s17  }
0x93: {  	s2 =	sld [smem:$0x3FFC];
	_ =	sdelay $0x3  }
0x94: {  	_ =	strace s2  }
0x95: {  	s2 =	sld [smem:$0x3FFD];
	_ =	sdelay $0x3  }
0x96: {  	_ =	strace s2  }
0x97: {  	_ =	strace $0x8FFFFFFF  }
0x98: {  	s18 =	sld [smem:$0x3FDB];
	_ =	sdelay $0x1  }
0x99: {  	s19 =	simm.s32 $_scs_section_size  }
0x9a: {  	s4 =	simm.s32 $_size__tile_overlayer_lowered;
	s5 =	simm.s32 $_tile_overlayer_lowered  }
0x9b: {  	s22 =	simm.s32 $0x1BFF;
	s21 =	sshll.u32 s5, $0x1;
	s2 =	sadd.s32 s19, s18  }
0x9c: {  	s6 =	simm.s32 $0x0;
	s20 =	sshll.u32 s4, $0x1;
	s4 =	sadd.s32 s21, s2  }
0x9d: {  	[timem:s6], [sflag:s22] =	dma.local [hbm:s4], s20  }
0x9e: {  	_ =	swait.ge [sflag:s22], s20  }
0x9f: {  	s3 =	ssub.s32 $0x0, s20;
	[sflag:s22] =	ssyncset.done $0x0  }
0xa0: {  	[sflag:s22] =	ssyncadd.s32 s3;
	_ =	sdelay $0x1  }
0xa1: {  	s23 =	simm.s32 $0x1B8B  }
0xa2: {  	_ =	swait.ge [sflag:s23], $0x1  }
0xa3: {  	[sflag:s23] =	ssyncset.done $0x0  }
0xa4: {  	s25 =	simm.s32 $0x1B8E;
	s24 =	sld [smem:$0x3FFE];
	[sflag:s23] =	ssyncadd.s32 $0xFFFFFFFF  }
0xa5: {  	s26 =	simm.s32 $execute0_lowered;
	[smem:$0x3FD2] =	sst s25  }
0xa6: {  	s4 =	sshll.u32 s26, $0x1;
	_ =	strace $0x8000004C;
	[dreg:$0x1] =	wrdreg $0xFFFFFFFF  }
0xa7: {  	s28 =	simm.s32 $_size_execute0_lowered;
	s2 =	sadd.s32 s2, s4;
	[dreg:$0x0] =	wrdreg $0x0  }
0xa8: {  	s4 =	sshll.u32 s28, $0x1;
	[dreg:$0x2] =	wrdreg s2  }
0xa9: {  	[dreg:$0x3] =	wrdreg s4  }
0xaa: {  	[dreg:$0x4] =	wrdreg $0xC0  }
0xab: {  	_ =	task [dreg:s6], $0x5FFFF  }
0xac: {  	[dreg:$0x1] =	wrdreg $0xFFFFFFFF  }
0xad: {  	[dreg:$0x0] =	wrdreg $0x60  }
0xae: {  	[dreg:$0x2] =	wrdreg s24  }
0xaf: {  	[dreg:$0x3] =	wrdreg $0xB2200  }
0xb0: {  	[dreg:$0x4] =	wrdreg $0x9  }
0xb1: {  	_ =	task.clear_ibuf [dreg:s6], $0x5FFFF;
	_ =	strace $0x9000004C  }
0xb2: {  	s29 =	simm.s32 $0x9;
	_ =	strace $0x8000004E  }
0xb3: {  	_ =	swait.ge [sflag:s29], $0x1  }
0xb4: {  	[sflag:s29] =	ssyncadd.s32 $0xFFFFFFFF  }
0xb5: {  	_ =	strace $0x9000004E  }
0xb6: {  	_ =	sfence  }
0xb7: {  	s30 =	sld [smem:$0x0];
	_ =	sdelay $0x2  }
0xb8: {  	s31 =	sshll.u32 s1, $0xD;
	s1 =	sshrl.u32 s1, $0x2  }
0xb9: {  	s3 =	sand.u32 $0x4000, s31;
	s1 =	sadd.s32 s1, s30  }
0xba: {  	s0 =	sor.u32 s3, s0;
	s1 =	sshll.u32 s1, $0x11  }
0xbb: {  	s0 =	sor.u32 s1, s0  }
0xbc: {  	s0 =	sadd.s32 $0x8F2B, s0  }
0xbd: {  	[sflag:s0] =	ssyncadd.remote.s32 $0x1  }
0xbe: {  	_ =	sfence.sel $0xFFFF  }
0xbf: {  	[dreg:$0x0] =	wrdreg $0xFFFFFFFF;
	(pc) =	sbr.abs _section_cstart, $3  }
0xc0: {  	[dreg:$0x1] =	wrdreg $0xFFFFFFFF  }
0xc1: {  	_ =	task.clear_ibuf [dreg:s6], $0x2FFFF;
	_ =	strace $0x9FFFFFFF  }
0xc2: {  	(tm) =	ssettm $0x7FFFFFFF  }
0xc3: {  	_ =	shalt  }
tec
execute0_lowered:
.L_overlay_start_1:
0x0: {  	(tag) =	ssettag $0x1  }
0x1: {  	s0 =	rddreg [dreg:$0x0]  }
0x2: {  	s1 =	rddreg [dreg:$0x1];
	s2 =	srdreg.scid  }
0x3: {  	s4 =	simm.s32 $0x0;
	s6 =	stileid.u32;
	s29 =	simm.s32 $0x4E20  }
0x4: {  	s30 =	simm.s32 $0x28;
	s31 =	simm.s32 $0x6220;
	s28 =	simm.s32 $0x9E20  }
0x5: {  	s8 =	simm.s32 $0x4;
	s9 =	simm.s32 $0x5;
	s2 =	sand.u32 $0x1, s2  }
0x6: {  	[smem:$0x7FF] =	sst s4;
	s7 =	smul.u32 $0x13880, s6;
	s4 =	sadd.s32 $0x17800, s0  }
0x7: {  	s3 =	sshll.u32 s2, $0x4;
	s5 =	smul.u32 $0x138800, s2;
	_ =	strace $0x8000004D  }
0x8: {  	s2 =	ssub.s32 $0x2, s2;
	s3 =	sor.u32 s6, s3;
	s6 =	smul.u32 $0x4E200, s6  }
0x9: {  	s10 =	sshrl.u32 s2, $0x1;
	s13 =	sadd.s32 s7, s1;
	s3 =	smul.u32 $0x4E2, s3  }
0xa: {  	s5 =	sadd.s32 s7, s5;
	s2 =	ssub.s32 s2, s10;
	s7 =	simm.s32 $0x3  }
0xb: {  	s10 =	simm.s32 $0x0;
	s5 =	sshrl.u32 s5, $0x3;
	s6 =	sshrl.u32 s6, $0x2  }
0xc: {  	s2 =	smax.u32 s2, $0x1;
	s3 =	sadd.s32 s3, s0;
	s0 =	sadd.s32 s5, s0  }
0xd: {  	s6 =	sadd.s32 s6, s1;
	[dreg:$0x7] =	wrdreg s2;
	s2 =	simm.s32 $0x7620  }
0xe: {  	s5 =	simm.s32 $0x2;
	s11 =	sadd.s32 $0xDA00, s3;
	s3 =	sadd.s32 $0x3C00, s3  }
0xf: {  	s12 =	sadd.s32 $0x12480, s6;
	s0 =	sadd.s32 $0x3EA00, s0;
	s24 =	sadd.s32 $0x1400, s6  }
0x10: {  	s25 =	sadd.s32 $0x2800, s6;
	s26 =	sadd.s32 $0x3C00, s6;
	[dreg:$0x3] =	wrdreg s11  }
0x11: {  	s14 =	sadd.s32 $0x5000, s6;
	s15 =	sadd.s32 $0x6400, s6;
	[dreg:$0x4] =	wrdreg s3  }
0x12: {  	s16 =	sadd.s32 $0x7800, s6;
	s17 =	sadd.s32 $0x8C00, s6;
	[dreg:$0x5] =	wrdreg s12  }
0x13: {  	s18 =	sadd.s32 $0xA000, s6;
	s19 =	sadd.s32 $0xB400, s6;
	[dreg:$0x6] =	wrdreg s0  }
0x14: {  	s20 =	sadd.s32 $0xC800, s6;
	s21 =	sadd.s32 $0xDC00, s6;
	[dreg:$0x8] =	wrdreg s24  }
0x15: {  	s22 =	sadd.s32 $0xF000, s6;
	s23 =	sadd.s32 $0x10400, s6;
	[dreg:$0x9] =	wrdreg s25  }
0x16: {  	[dreg:$0xa] =	wrdreg s26;
	s24 =	sadd.s32 $0x11800, s6;
	s25 =	sshrl.u32 s13, $0x3  }
0x17: {  	v0 =	vimm.f32 $0.0e+00;
	s26 =	simm.s32 $0x6;
	s0 =	simm.s32 $0x8A20;
	s3 =	simm.s32 $0x1  }
.LBB2_1:
0x18: {  	s11 =	simm.s32 $0x0;
	s12 =	rddreg [dreg:$0x3]  }
0x19: {  	[tilespmem:s11], [sflag:$0x6] =	stream.linear.gather [hbm4b:s12+s11], $0x2710, $0x38;
	[tilespmem:$0x1EAA0] =	vst v63  }
0x1a: {  	_ =	swait.ge [sflag:s26], $0x2710  }
0x1b: {  	[sflag:s26] =	ssyncset.done $0x0  }
0x1c: {  	s13 =	simm.s32 $0x2710;
	s12 =	rddreg [dreg:$0x4];
	[sflag:s26] =	ssyncadd.s32 $0xFFFFD8F0  }
0x1d: {  	[tilespmem:s13], [sflag:$0x6] =	stream.linear.gather [hbm4b:s12+s11], $0x2710, $0x38;
	[tilespmem:$0x1EAA0] =	vst v63  }
0x1e: {  	_ =	swait.ge [sflag:s26], $0x2710  }
0x1f: {  	[sflag:s26] =	ssyncset.done $0x0  }
0x20: {  	s11 =	simm.s32 $0x70;
	s12 =	simm.s32 $0x3C0;
	[sflag:s26] =	ssyncadd.s32 $0xFFFFD8F0  }
.LBB2_2:
0x21: {  	p0 =	sne.s32 s12, $0x4FC0;
	[tilespmem:s11+$0x4E20] =	vst v0  }
0x22: {  	[tilespmem:s11+$0x4DB0] =	vst v0  }
0x23: {  	[tilespmem:s11+$0x4DC0] =	vst v0  }
.Ltmp0:
0x24: {  	[tilespmem:s11+$0x4DD0] =	vst v0;
	(pc) =	sbr.rel @p0 .LBB2_2-.Ltmp0, $4  }
0x25: {  	[tilespmem:s11+$0x4DE0] =	vst v0  }
0x26: {  	[tilespmem:s11+$0x4DF0] =	vst v0  }
0x27: {  	[tilespmem:s11+$0x4E00] =	vst v0  }
0x28: {  	[tilespmem:s11+$0x4E10] =	vst v0;
	s11 =	sshra.s32 s12, $0x2;
	s12 =	sadd.s32 $0x200, s12  }
0x29: {  	[tilespmem:s11+$0x4E20] =	vst v0  }
0x2a: {  	[tilespmem:s11+$0x4DB0] =	vst v0  }
0x2b: {  	[tilespmem:s11+$0x4DC0] =	vst v0  }
0x2c: {  	[tilespmem:s11+$0x4DD0] =	vst v0  }
0x2d: {  	[tilespmem:s11+$0x4DE0] =	vst v0  }
0x2e: {  	[tilespmem:s11+$0x4DF0] =	vst v0  }
0x2f: {  	[tilespmem:s11+$0x4E00] =	vst v0  }
0x30: {  	[tilespmem:s11+$0x4E10] =	vst v0  }
0x31: {  	[spmem:s6] =	stream.linear.scatter [tilespmem:s29], [sflag:$0x6], $0x1400, $0x38;
	[tilespmem:$0x1EAA0] =	vst v63  }
0x32: {  	_ =	swait.ge [sflag:s26], $0x1400  }
0x33: {  	[sflag:s26] =	ssyncset.done $0x0  }
0x34: {  	s13 =	rddreg [dreg:$0x8];
	[sflag:s26] =	ssyncadd.s32 $0xFFFFEC00  }
0x35: {  	[spmem:s13] =	stream.linear.scatter [tilespmem:s29], [sflag:$0x6], $0x1400, $0x38;
	[tilespmem:$0x1EAA0] =	vst v63  }
0x36: {  	_ =	swait.ge [sflag:s26], $0x1400  }
0x37: {  	[sflag:s26] =	ssyncset.done $0x0  }
0x38: {  	s12 =	rddreg [dreg:$0x9];
	[sflag:s26] =	ssyncadd.s32 $0xFFFFEC00  }
0x39: {  	[spmem:s12] =	stream.linear.scatter [tilespmem:s29], [sflag:$0x6], $0x1400, $0x38;
	[tilespmem:$0x1EAA0] =	vst v63  }
0x3a: {  	_ =	swait.ge [sflag:s26], $0x1400  }
0x3b: {  	[sflag:s26] =	ssyncset.done $0x0  }
0x3c: {  	s13 =	rddreg [dreg:$0xa];
	[sflag:s26] =	ssyncadd.s32 $0xFFFFEC00  }
0x3d: {  	[spmem:s13] =	stream.linear.scatter [tilespmem:s29], [sflag:$0x6], $0x1400, $0x38;
	[tilespmem:$0x1EAA0] =	vst v63  }
0x3e: {  	_ =	swait.ge [sflag:s26], $0x1400  }
0x3f: {  	[sflag:s26] =	ssyncset.done $0x0  }
0x40: {  	[sflag:s26] =	ssyncadd.s32 $0xFFFFEC00  }
0x41: {  	[spmem:s14] =	stream.linear.scatter [tilespmem:s29], [sflag:$0x6], $0x1400, $0x38;
	[tilespmem:$0x1EAA0] =	vst v63  }
0x42: {  	_ =	swait.ge [sflag:s26], $0x1400  }
0x43: {  	[sflag:s26] =	ssyncset.done $0x0  }
0x44: {  	[sflag:s26] =	ssyncadd.s32 $0xFFFFEC00  }
0x45: {  	[spmem:s15] =	stream.linear.scatter [tilespmem:s29], [sflag:$0x6], $0x1400, $0x38;
	[tilespmem:$0x1EAA0] =	vst v63  }
0x46: {  	_ =	swait.ge [sflag:s26], $0x1400  }
0x47: {  	[sflag:s26] =	ssyncset.done $0x0  }
0x48: {  	[sflag:s26] =	ssyncadd.s32 $0xFFFFEC00  }
0x49: {  	[spmem:s16] =	stream.linear.scatter [tilespmem:s29], [sflag:$0x6], $0x1400, $0x38;
	[tilespmem:$0x1EAA0] =	vst v63  }
0x4a: {  	_ =	swait.ge [sflag:s26], $0x1400  }
0x4b: {  	[sflag:s26] =	ssyncset.done $0x0  }
0x4c: {  	[sflag:s26] =	ssyncadd.s32 $0xFFFFEC00  }
0x4d: {  	[spmem:s17] =	stream.linear.scatter [tilespmem:s29], [sflag:$0x6], $0x1400, $0x38;
	[tilespmem:$0x1EAA0] =	vst v63  }
0x4e: {  	_ =	swait.ge [sflag:s26], $0x1400  }
0x4f: {  	[sflag:s26] =	ssyncset.done $0x0  }
0x50: {  	[sflag:s26] =	ssyncadd.s32 $0xFFFFEC00  }
0x51: {  	[spmem:s18] =	stream.linear.scatter [tilespmem:s29], [sflag:$0x6], $0x1400, $0x38;
	[tilespmem:$0x1EAA0] =	vst v63  }
0x52: {  	_ =	swait.ge [sflag:s26], $0x1400  }
0x53: {  	[sflag:s26] =	ssyncset.done $0x0  }
0x54: {  	[sflag:s26] =	ssyncadd.s32 $0xFFFFEC00  }
0x55: {  	[spmem:s19] =	stream.linear.scatter [tilespmem:s29], [sflag:$0x6], $0x1400, $0x38;
	[tilespmem:$0x1EAA0] =	vst v63  }
0x56: {  	_ =	swait.ge [sflag:s26], $0x1400  }
0x57: {  	[sflag:s26] =	ssyncset.done $0x0  }
0x58: {  	[sflag:s26] =	ssyncadd.s32 $0xFFFFEC00  }
0x59: {  	[spmem:s20] =	stream.linear.scatter [tilespmem:s29], [sflag:$0x6], $0x1400, $0x38;
	[tilespmem:$0x1EAA0] =	vst v63  }
0x5a: {  	_ =	swait.ge [sflag:s26], $0x1400  }
0x5b: {  	[sflag:s26] =	ssyncset.done $0x0  }
0x5c: {  	[sflag:s26] =	ssyncadd.s32 $0xFFFFEC00  }
0x5d: {  	[spmem:s21] =	stream.linear.scatter [tilespmem:s29], [sflag:$0x6], $0x1400, $0x38;
	[tilespmem:$0x1EAA0] =	vst v63  }
0x5e: {  	_ =	swait.ge [sflag:s26], $0x1400  }
0x5f: {  	[sflag:s26] =	ssyncset.done $0x0  }
0x60: {  	[sflag:s26] =	ssyncadd.s32 $0xFFFFEC00  }
0x61: {  	[spmem:s22] =	stream.linear.scatter [tilespmem:s29], [sflag:$0x6], $0x1400, $0x38;
	[tilespmem:$0x1EAA0] =	vst v63  }
0x62: {  	_ =	swait.ge [sflag:s26], $0x1400  }
0x63: {  	[sflag:s26] =	ssyncset.done $0x0  }
0x64: {  	[sflag:s26] =	ssyncadd.s32 $0xFFFFEC00  }
0x65: {  	[spmem:s23] =	stream.linear.scatter [tilespmem:s29], [sflag:$0x6], $0x1400, $0x38;
	[tilespmem:$0x1EAA0] =	vst v63  }
0x66: {  	_ =	swait.ge [sflag:s26], $0x1400  }
0x67: {  	[sflag:s26] =	ssyncset.done $0x0  }
0x68: {  	[sflag:s26] =	ssyncadd.s32 $0xFFFFEC00  }
0x69: {  	[spmem:s24] =	stream.linear.scatter [tilespmem:s29], [sflag:$0x6], $0x1400, $0x38;
	[tilespmem:$0x1EAA0] =	vst v63  }
0x6a: {  	_ =	swait.ge [sflag:s26], $0x1400  }
0x6b: {  	[sflag:s26] =	ssyncset.done $0x0  }
0x6c: {  	s12 =	rddreg [dreg:$0x5];
	[sflag:s26] =	ssyncadd.s32 $0xFFFFEC00  }
0x6d: {  	[spmem:s12] =	stream.linear.scatter [tilespmem:s29], [sflag:$0x6], $0x1400, $0x38;
	[tilespmem:$0x1EAA0] =	vst v63  }
0x6e: {  	_ =	swait.ge [sflag:s26], $0x1400  }
0x6f: {  	[sflag:s26] =	ssyncset.done $0x0  }
0x70: {  	[sflag:s26] =	ssyncadd.s32 $0xFFFFEC00  }
0x71: {  	s13 =	simm.s32 $0x0;
	[bflag:$0x0] =	sbarrier.arrive $0xFFFF  }
0x72: {  	[tilespmem:s29], [sflag:$0x1] =	stream.indirect.gather [hbm4b:s4+s30], $0x80, s13, s30, $0xb8;
	[tilespmem:$0x1EAA0] =	vst v63  }
0x73: {  	_ = 	snop  }
0x74: {  	[tilespmem:s31], [sflag:$0x2] =	stream.indirect.gather [hbm4b:s4+s30], $0x80, s30, s30, $0xb8;
	[tilespmem:$0x1EAA0] =	vst v63  }
0x75: {  	s12 =	simm.s32 $0x50  }
0x76: {  	[tilespmem:s2], [sflag:$0x3] =	stream.indirect.gather [hbm4b:s4+s30], $0x80, s12, s30, $0xb8;
	[tilespmem:$0x1EAA0] =	vst v63  }
0x77: {  	s13 =	simm.s32 $0x78  }
0x78: {  	[tilespmem:s0], [sflag:$0x4] =	stream.indirect.gather [hbm4b:s4+s30], $0x80, s13, s30, $0xb8;
	[tilespmem:$0x1EAA0] =	vst v63  }
0x79: {  	s12 =	simm.s32 $0xA0  }
0x7a: {  	[tilespmem:s28], [sflag:$0x5] =	stream.indirect.gather [hbm4b:s4+s30], $0x80, s12, s30, $0xb8;
	[tilespmem:$0x1EAA0] =	vst v63  }
0x7b: {  	_ =	swait.ge [sflag:s3], $0x1400  }
0x7c: {  	[sflag:s3] =	ssyncset.done $0x0  }
0x7d: {  	s13 =	simm.s32 $0x2710;
	[sflag:s3] =	ssyncadd.s32 $0xFFFFEC00  }
0x7e: {  	[spmem:s1] =	stream.indirect.scatter.add.f32 [tilespmem:s29], [sflag:$0x6], $0x80, s13, s30, $0xb8;
	[tilespmem:$0x1EAA0] =	vst v63  }
0x7f: {  	_ =	swait.ge [sflag:s26], $0x1400  }
0x80: {  	[sflag:s26] =	ssyncset.done $0x0  }
0x81: {  	s12 =	simm.s32 $0xC8;
	[sflag:s26] =	ssyncadd.s32 $0xFFFFEC00  }
0x82: {  	[tilespmem:s29], [sflag:$0x1] =	stream.indirect.gather [hbm4b:s4+s30], $0x80, s12, s30, $0xb8;
	[tilespmem:$0x1EAA0] =	vst v63  }
0x83: {  	_ =	swait.ge [sflag:s5], $0x1400  }
0x84: {  	[sflag:s5] =	ssyncset.done $0x0  }
0x85: {  	s13 =	simm.s32 $0x2738;
	[sflag:s5] =	ssyncadd.s32 $0xFFFFEC00  }
0x86: {  	[spmem:s1] =	stream.indirect.scatter.add.f32 [tilespmem:s31], [sflag:$0x6], $0x80, s13, s30, $0xb8;
	[tilespmem:$0x1EAA0] =	vst v63  }
0x87: {  	_ =	swait.ge [sflag:s26], $0x1400  }
0x88: {  	[sflag:s26] =	ssyncset.done $0x0  }
0x89: {  	s12 =	simm.s32 $0xF0;
	[sflag:s26] =	ssyncadd.s32 $0xFFFFEC00  }
0x8a: {  	[tilespmem:s31], [sflag:$0x2] =	stream.indirect.gather [hbm4b:s4+s30], $0x80, s12, s30, $0xb8;
	[tilespmem:$0x1EAA0] =	vst v63  }
0x8b: {  	_ =	swait.ge [sflag:s7], $0x1400  }
0x8c: {  	[sflag:s7] =	ssyncset.done $0x0  }
0x8d: {  	s13 =	simm.s32 $0x2760;
	[sflag:s7] =	ssyncadd.s32 $0xFFFFEC00  }
0x8e: {  	[spmem:s1] =	stream.indirect.scatter.add.f32 [tilespmem:s2], [sflag:$0x6], $0x80, s13, s30, $0xb8;
	[tilespmem:$0x1EAA0] =	vst v63  }
0x8f: {  	_ =	swait.ge [sflag:s26], $0x1400  }
0x90: {  	[sflag:s26] =	ssyncset.done $0x0  }
0x91: {  	s12 =	simm.s32 $0x118;
	[sflag:s26] =	ssyncadd.s32 $0xFFFFEC00  }
0x92: {  	[tilespmem:s2], [sflag:$0x3] =	stream.indirect.gather [hbm4b:s4+s30], $0x80, s12, s30, $0xb8;
	[tilespmem:$0x1EAA0] =	vst v63  }
0x93: {  	_ =	swait.ge [sflag:s8], $0x1400  }
0x94: {  	[sflag:s8] =	ssyncset.done $0x0  }
0x95: {  	s13 =	simm.s32 $0x2788;
	[sflag:s8] =	ssyncadd.s32 $0xFFFFEC00  }
0x96: {  	[spmem:s1] =	stream.indirect.scatter.add.f32 [tilespmem:s0], [sflag:$0x6], $0x80, s13, s30, $0xb8;
	[tilespmem:$0x1EAA0] =	vst v63  }
0x97: {  	_ =	swait.ge [sflag:s26], $0x1400  }
0x98: {  	[sflag:s26] =	ssyncset.done $0x0  }
0x99: {  	s12 =	simm.s32 $0x140;
	[sflag:s26] =	ssyncadd.s32 $0xFFFFEC00  }
0x9a: {  	[tilespmem:s0], [sflag:$0x4] =	stream.indirect.gather [hbm4b:s4+s30], $0x80, s12, s30, $0xb8;
	[tilespmem:$0x1EAA0] =	vst v63  }
0x9b: {  	_ =	swait.ge [sflag:s9], $0x1400  }
0x9c: {  	[sflag:s9] =	ssyncset.done $0x0  }
0x9d: {  	s13 =	simm.s32 $0x27B0;
	[sflag:s9] =	ssyncadd.s32 $0xFFFFEC00  }
0x9e: {  	[spmem:s1] =	stream.indirect.scatter.add.f32 [tilespmem:s28], [sflag:$0x6], $0x80, s13, s30, $0xb8;
	[tilespmem:$0x1EAA0] =	vst v63  }
0x9f: {  	_ =	swait.ge [sflag:s26], $0x1400  }
0xa0: {  	[sflag:s26] =	ssyncset.done $0x0  }
0xa1: {  	s11 =	simm.s32 $0x320;
	s12 =	simm.s32 $0x168;
	[sflag:s26] =	ssyncadd.s32 $0xFFFFEC00  }
.LBB2_4:
0xa2: {  	[tilespmem:s28], [sflag:$0x5] =	stream.indirect.gather [hbm4b:s4+s30], $0x80, s12, s30, $0xb8;
	[tilespmem:$0x1EAA0] =	vst v63  }
0xa3: {  	s12 =	smov.u32 s11  }
0xa4: {  	p0 =	sne.s32 s11, $0x9600;
	s11 =	sadd.s32 $0x320, s11;
	_ =	swait.ge [sflag:s3], $0x1400  }
0xa5: {  	s12 =	sshra.s32 s12, $0x2;
	[sflag:s3] =	ssyncset.done $0x0  }
0xa6: {  	s13 =	sadd.s32 $0x2710, s12;
	[sflag:s3] =	ssyncadd.s32 $0xFFFFEC00  }
0xa7: {  	[spmem:s1] =	stream.indirect.scatter.add.f32 [tilespmem:s29], [sflag:$0x6], $0x80, s13, s30, $0xb8;
	[tilespmem:$0x1EAA0] =	vst v63  }
0xa8: {  	_ =	swait.ge [sflag:s26], $0x1400  }
0xa9: {  	[sflag:s26] =	ssyncset.done $0x0  }
0xaa: {  	s13 =	sadd.s32 $0xC8, s12;
	[sflag:s26] =	ssyncadd.s32 $0xFFFFEC00  }
0xab: {  	[tilespmem:s29], [sflag:$0x1] =	stream.indirect.gather [hbm4b:s4+s30], $0x80, s13, s30, $0xb8;
	[tilespmem:$0x1EAA0] =	vst v63  }
0xac: {  	_ =	swait.ge [sflag:s5], $0x1400  }
0xad: {  	[sflag:s5] =	ssyncset.done $0x0  }
0xae: {  	s13 =	sadd.s32 $0x2738, s12;
	[sflag:s5] =	ssyncadd.s32 $0xFFFFEC00  }
0xaf: {  	[spmem:s1] =	stream.indirect.scatter.add.f32 [tilespmem:s31], [sflag:$0x6], $0x80, s13, s30, $0xb8;
	[tilespmem:$0x1EAA0] =	vst v63  }
0xb0: {  	_ =	swait.ge [sflag:s26], $0x1400  }
0xb1: {  	[sflag:s26] =	ssyncset.done $0x0  }
0xb2: {  	s13 =	sadd.s32 $0xF0, s12;
	[sflag:s26] =	ssyncadd.s32 $0xFFFFEC00  }
0xb3: {  	[tilespmem:s31], [sflag:$0x2] =	stream.indirect.gather [hbm4b:s4+s30], $0x80, s13, s30, $0xb8;
	[tilespmem:$0x1EAA0] =	vst v63  }
0xb4: {  	_ =	swait.ge [sflag:s7], $0x1400  }
0xb5: {  	[sflag:s7] =	ssyncset.done $0x0  }
0xb6: {  	s13 =	sadd.s32 $0x2760, s12;
	[sflag:s7] =	ssyncadd.s32 $0xFFFFEC00  }
0xb7: {  	[spmem:s1] =	stream.indirect.scatter.add.f32 [tilespmem:s2], [sflag:$0x6], $0x80, s13, s30, $0xb8;
	[tilespmem:$0x1EAA0] =	vst v63  }
0xb8: {  	_ =	swait.ge [sflag:s26], $0x1400  }
0xb9: {  	[sflag:s26] =	ssyncset.done $0x0  }
0xba: {  	s13 =	sadd.s32 $0x118, s12;
	[sflag:s26] =	ssyncadd.s32 $0xFFFFEC00  }
0xbb: {  	[tilespmem:s2], [sflag:$0x3] =	stream.indirect.gather [hbm4b:s4+s30], $0x80, s13, s30, $0xb8;
	[tilespmem:$0x1EAA0] =	vst v63  }
0xbc: {  	_ =	swait.ge [sflag:s8], $0x1400  }
0xbd: {  	[sflag:s8] =	ssyncset.done $0x0  }
0xbe: {  	s13 =	sadd.s32 $0x2788, s12;
	[sflag:s8] =	ssyncadd.s32 $0xFFFFEC00  }
0xbf: {  	[spmem:s1] =	stream.indirect.scatter.add.f32 [tilespmem:s0], [sflag:$0x6], $0x80, s13, s30, $0xb8;
	[tilespmem:$0x1EAA0] =	vst v63  }
0xc0: {  	_ =	swait.ge [sflag:s26], $0x1400  }
0xc1: {  	[sflag:s26] =	ssyncset.done $0x0  }
0xc2: {  	s13 =	sadd.s32 $0x140, s12;
	[sflag:s26] =	ssyncadd.s32 $0xFFFFEC00  }
0xc3: {  	[tilespmem:s0], [sflag:$0x4] =	stream.indirect.gather [hbm4b:s4+s30], $0x80, s13, s30, $0xb8;
	[tilespmem:$0x1EAA0] =	vst v63  }
0xc4: {  	_ =	swait.ge [sflag:s9], $0x1400  }
0xc5: {  	[sflag:s9] =	ssyncset.done $0x0  }
.Ltmp1:
0xc6: {  	s13 =	sadd.s32 $0x27B0, s12;
	[sflag:s9] =	ssyncadd.s32 $0xFFFFEC00;
	(pc) =	sbr.rel @p0 .LBB2_4-.Ltmp1, $4  }
0xc7: {  	[spmem:s1] =	stream.indirect.scatter.add.f32 [tilespmem:s28], [sflag:$0x6], $0x80, s13, s30, $0xb8;
	[tilespmem:$0x1EAA0] =	vst v63  }
0xc8: {  	_ =	swait.ge [sflag:s26], $0x1400  }
0xc9: {  	[sflag:s26] =	ssyncset.done $0x0  }
0xca: {  	s12 =	sadd.s32 $0x168, s12;
	[sflag:s26] =	ssyncadd.s32 $0xFFFFEC00  }
0xcb: {  	[tilespmem:s28], [sflag:$0x5] =	stream.indirect.gather [hbm4b:s4+s30], $0x80, s12, s30, $0xb8;
	[tilespmem:$0x1EAA0] =	vst v63  }
0xcc: {  	_ =	swait.ge [sflag:s3], $0x1400  }
0xcd: {  	[sflag:s3] =	ssyncset.done $0x0  }
0xce: {  	s11 =	simm.s32 $0x4D58;
	[sflag:s3] =	ssyncadd.s32 $0xFFFFEC00  }
0xcf: {  	[spmem:s1] =	stream.indirect.scatter.add.f32 [tilespmem:s29], [sflag:$0x6], $0x80, s11, s30, $0xb8;
	[tilespmem:$0x1EAA0] =	vst v63  }
0xd0: {  	_ =	swait.ge [sflag:s26], $0x1400  }
0xd1: {  	[sflag:s26] =	ssyncset.done $0x0  }
0xd2: {  	[sflag:s26] =	ssyncadd.s32 $0xFFFFEC00  }
0xd3: {  	_ =	swait.ge [sflag:s5], $0x1400  }
0xd4: {  	[sflag:s5] =	ssyncset.done $0x0  }
0xd5: {  	s12 =	simm.s32 $0x4D80;
	[sflag:s5] =	ssyncadd.s32 $0xFFFFEC00  }
0xd6: {  	[spmem:s1] =	stream.indirect.scatter.add.f32 [tilespmem:s31], [sflag:$0x6], $0x80, s12, s30, $0xb8;
	[tilespmem:$0x1EAA0] =	vst v63  }
0xd7: {  	_ =	swait.ge [sflag:s26], $0x1400  }
0xd8: {  	[sflag:s26] =	ssyncset.done $0x0  }
0xd9: {  	[sflag:s26] =	ssyncadd.s32 $0xFFFFEC00  }
0xda: {  	_ =	swait.ge [sflag:s7], $0x1400  }
0xdb: {  	[sflag:s7] =	ssyncset.done $0x0  }
0xdc: {  	s13 =	simm.s32 $0x4DA8;
	[sflag:s7] =	ssyncadd.s32 $0xFFFFEC00  }
0xdd: {  	[spmem:s1] =	stream.indirect.scatter.add.f32 [tilespmem:s2], [sflag:$0x6], $0x80, s13, s30, $0xb8;
	[tilespmem:$0x1EAA0] =	vst v63  }
0xde: {  	_ =	swait.ge [sflag:s26], $0x1400  }
0xdf: {  	[sflag:s26] =	ssyncset.done $0x0  }
0xe0: {  	[sflag:s26] =	ssyncadd.s32 $0xFFFFEC00  }
0xe1: {  	_ =	swait.ge [sflag:s8], $0x1400  }
0xe2: {  	[sflag:s8] =	ssyncset.done $0x0  }
0xe3: {  	s12 =	simm.s32 $0x4DD0;
	[sflag:s8] =	ssyncadd.s32 $0xFFFFEC00  }
0xe4: {  	[spmem:s1] =	stream.indirect.scatter.add.f32 [tilespmem:s0], [sflag:$0x6], $0x80, s12, s30, $0xb8;
	[tilespmem:$0x1EAA0] =	vst v63  }
0xe5: {  	_ =	swait.ge [sflag:s26], $0x1400  }
0xe6: {  	[sflag:s26] =	ssyncset.done $0x0  }
0xe7: {  	[sflag:s26] =	ssyncadd.s32 $0xFFFFEC00  }
0xe8: {  	_ =	swait.ge [sflag:s9], $0x1400  }
0xe9: {  	[sflag:s9] =	ssyncset.done $0x0  }
0xea: {  	s13 =	simm.s32 $0x4DF8;
	[sflag:s9] =	ssyncadd.s32 $0xFFFFEC00  }
0xeb: {  	[spmem:s1] =	stream.indirect.scatter.add.f32 [tilespmem:s28], [sflag:$0x6], $0x80, s13, s30, $0xb8;
	[tilespmem:$0x1EAA0] =	vst v63  }
0xec: {  	_ =	swait.ge [sflag:s26], $0x1400  }
0xed: {  	[sflag:s26] =	ssyncset.done $0x0  }
0xee: {  	s12 =	stileid.u32;
	[sflag:s26] =	ssyncadd.s32 $0xFFFFEC00  }
0xef: {  	s11 =	sshll.u32 s12, $0x6;
	[bflag:$0x0] =	sbarrier.arrive $0xFFFF  }
0xf0: {  	s11 =	sor.u32 $0x1C06, s11;
	s13 =	rddreg [dreg:$0x6]  }
0xf1: {  	[hbm:s13], [sflag:s11] =	dma.local [spmem:s25], $0x2710  }
0xf2: {  	_ =	swait.ge [sflag:s26], $0x2710  }
0xf3: {  	s10 =	sadd.s32 $0x1, s10;
	s13 =	rddreg [dreg:$0x7]  }
0xf4: {  	p0 =	sne.s32 s10, s13  }
.Ltmp2:
0xf5: {  	_ = 	snop;
	(pc) =	sbr.rel @p0 .LBB2_1-.Ltmp2, $3  }
0xf6: {  	_ =	sdelay $0x1  }
0xf7: {  	[sflag:s26] =	ssyncset.done $0x0  }
0xf8: {  	[sflag:s26] =	ssyncadd.s32 $0xFFFFD8F0  }
0xf9: {  	_ =	sfence.sel $0x180000  }
0xfa: {  	[bflag:$0x0] =	sbarrier.arrive $0xFFFF  }
0xfb: {  	_ =	strace $0x9000004D  }
0xfc: {  	s0 =	stileid.u32;
	[bflag:$0x2] =	sbarrier.arrive $0xFFFF  }
0xfd: {  	p0 =	sne.s32 s0, $0x0;
	s0 =	rddreg [dreg:$0x2]  }
0xfe: {  	s0 =	sadd.s32 @!p0 $0x100000, s0  }
0xff: {  	[sflag:s0] =	ssyncadd.tile.s32 @!p0 $0x1;
	_ =	shalt  }
.Lfunc_end2:
_tile_overlayer_lowered:
.L_overlay_start_2:
0x100: {  	(tag) =	ssettag $0x2  }
0x101: {  	s0 =	rddreg [dreg:$0x0];
	s2 =	stileid.u32  }
0x102: {  	s1 =	rddreg [dreg:$0x1];
	p0 =	sne.s32 s2, $0x0  }
0x103: {  	s3 =	rddreg [dreg:$0x2];
	[bflag:$0x3] =	sbarrier.arrive $0xFFFF;
	s2 =	simm.s32 @!p0 $0x1C06  }
0x104: {  	[timem:s3], [sflag:s2] =	dma.local @!p0 [hbm:s0], s1  }
0x105: {  	s0 =	simm.s32 @!p0 $0x6  }
0x106: {  	_ =	swait.ge @!p0 [sflag:s0], s1  }
0x107: {  	s1 =	ssub.s32 @!p0 $0x0, s1;
	[sflag:s0] =	ssyncset.done @!p0 $0x0  }
0x108: {  	[sflag:s0] =	ssyncadd.s32 @!p0 s1  }
0x109: {  	[bflag:$0x3] =	sbarrier.arrive $0xFFFF  }
0x10a: {  	_ =	shalt  }

</sc_bundles>
